<compile_context>
chip_gen: v7x
topology: tpu7x:2x2x1
jax: 0.10.2.dev20260603
libtpu: 0.0.44.dev20260713+nightly
codegen_flags: <defaults>
</compile_context>

<pallas_src>
import functools

import jax
import jax.numpy as jnp
from jax import lax
from jax.experimental import pallas as pl
from jax.experimental.pallas import tpu as pltpu
from jax.experimental.pallas import tpu_sc as plsc

N = 10000
E = 320000
D_IN = 128
H = 64
D_OUT = 128

NC = 2
NS = 16
NW = NC * NS
CHUNK = 128
TOT_CH = 2560
CH = 80
NTAB = 10240
ROWS_PER_TILE = NTAB // NS
W0 = 80
NBUF = 5

assert NW * CH == TOT_CH and CH % NBUF == 0


def _elu(v):
    return jnp.where(v > 0, v, jnp.exp(jnp.minimum(v, 0.0)) - 1.0)


def _make_sc_segsum(W):
    mesh = plsc.VectorSubcoreMesh(core_axis_name="c", subcore_axis_name="s")

    @functools.partial(
        pl.kernel,
        out_type=jax.ShapeDtypeStruct((NC, NTAB, W), jnp.float32),
        mesh=mesh,
        scratch_types=[
            pltpu.VMEM((CH, CHUNK), jnp.int32),
            pltpu.VMEM((CH, CHUNK), jnp.int32),
        ] + [pltpu.VMEM((CHUNK, W), jnp.float32)] * NBUF
          + [pltpu.VMEM_SHARED((NTAB, W), jnp.float32)]
          + [pltpu.SemaphoreType.DMA] * (2 * NBUF),
        compiler_params=pltpu.CompilerParams(use_tc_tiling_on_sc=False),
    )
    def sc_segsum(tab, srcs, dsts, zeros, out, src_v, dst_v, *rest):
        bufs = rest[:NBUF]
        agg_sh = rest[NBUF]
        sgs = rest[NBUF + 1:2 * NBUF + 1]
        sss = rest[2 * NBUF + 1:]
        b0 = bufs[0]
        cid = lax.axis_index("c")
        sid = lax.axis_index("s")
        wid = sid * NC + cid

        pltpu.sync_copy(zeros, b0)

        @pl.loop(0, ROWS_PER_TILE // CHUNK)
        def _zero(k):
            r = sid * ROWS_PER_TILE + k * CHUNK
            pltpu.sync_copy(b0, agg_sh.at[pl.ds(r, CHUNK)])

        pltpu.sync_copy(srcs.at[wid], src_v)
        pltpu.sync_copy(dsts.at[wid], dst_v)
        plsc.subcore_barrier()

        for i in range(NBUF - 1):
            pltpu.async_copy(tab.at[src_v.at[i]], bufs[i], sgs[i])

        @pl.loop(0, CH // NBUF)
        def _edges(k):
            for i in range(NBUF):
                j = NBUF * k + i
                pltpu.make_async_copy(tab.at[src_v.at[j]], bufs[i], sgs[i]).wait()
                pltpu.async_copy(bufs[i], agg_sh.at[dst_v.at[j]], sss[i], add=True)
                ipn = (i + NBUF - 1) % NBUF
                jn = j + NBUF - 1

                @pl.when(jn < CH)
                def _start_next():
                    @pl.when(jn >= NBUF)
                    def _drain_prev():
                        pltpu.make_async_copy(
                            bufs[ipn], agg_sh.at[dst_v.at[jn - NBUF]], sss[ipn]).wait()
                    pltpu.async_copy(tab.at[src_v.at[jn]], bufs[ipn], sgs[ipn])

        for t in range(NBUF):
            j = CH - NBUF + t
            pltpu.make_async_copy(bufs[j % NBUF], agg_sh.at[dst_v.at[j]], sss[j % NBUF]).wait()

        plsc.subcore_barrier()

        @pl.loop(0, ROWS_PER_TILE // CHUNK)
        def _dump(k):
            r = sid * ROWS_PER_TILE + k * CHUNK
            pltpu.sync_copy(agg_sh.at[pl.ds(r, CHUNK)], b0)
            pltpu.sync_copy(b0, out.at[cid, pl.ds(r, CHUNK)])

    return sc_segsum


_sc_segsum_80 = _make_sc_segsum(W0)
_sc_segsum_64 = _make_sc_segsum(H)


def _tc1_body(x_ref, w_ref, out_ref):
    p = jnp.dot(x_ref[...], w_ref[...], preferred_element_type=jnp.float32)
    col = lax.broadcasted_iota(jnp.int32, (N, W0), 1)
    out_ref[...] = p + (col == H).astype(jnp.float32)


def _tc2_body(agg_ref, x_ref, wr_ref, bl_ref, wl_ref, p1_ref, h1_ref, rc_ref):
    a = agg_ref[0, :N, :] + agg_ref[1, :N, :]
    cnt = a[:, H:H + 1]
    rc = 1.0 / jnp.maximum(cnt, 1.0)
    mean = a[:, :H] * rc
    s = jnp.dot(x_ref[...], wr_ref[...], preferred_element_type=jnp.float32)
    h1 = _elu(mean + bl_ref[...] + s)
    h1_ref[...] = h1
    p1_ref[...] = jnp.dot(h1, wl_ref[...], preferred_element_type=jnp.float32)
    rc_ref[...] = rc


def _tc3_body(agg_ref, h_ref, wr_ref, bl_ref, wl_ref, rc_ref, p2_ref, h2_ref):
    a = agg_ref[0, :N, :] + agg_ref[1, :N, :]
    mean = a * rc_ref[...]
    s = jnp.dot(h_ref[...], wr_ref[...], preferred_element_type=jnp.float32)
    h2 = _elu(mean + bl_ref[...] + s)
    h2_ref[...] = h2
    p2_ref[...] = jnp.dot(h2, wl_ref[...], preferred_element_type=jnp.float32)


def _tc4_body(agg_ref, h_ref, wr_ref, bl_ref, rc_ref, w0_ref, b0_ref, w1_ref,
              b1_ref, wo_ref, bo_ref, out_ref):
    a = agg_ref[0, :N, :] + agg_ref[1, :N, :]
    mean = a * rc_ref[...]
    s = jnp.dot(h_ref[...], wr_ref[...], preferred_element_type=jnp.float32)
    h3 = _elu(mean + bl_ref[...] + s)
    t = _elu(jnp.dot(h3, w0_ref[...], preferred_element_type=jnp.float32) + b0_ref[...])
    t = _elu(jnp.dot(t, w1_ref[...], preferred_element_type=jnp.float32) + b1_ref[...])
    out_ref[...] = jnp.dot(t, wo_ref[...], preferred_element_type=jnp.float32) + bo_ref[...]


_f32 = jnp.float32

_tc1 = pl.pallas_call(_tc1_body, out_shape=jax.ShapeDtypeStruct((N, W0), _f32))
_tc2 = pl.pallas_call(
    _tc2_body,
    out_shape=(
        jax.ShapeDtypeStruct((N, H), _f32),
        jax.ShapeDtypeStruct((N, H), _f32),
        jax.ShapeDtypeStruct((N, 1), _f32),
    ),
)
_tc3 = pl.pallas_call(
    _tc3_body,
    out_shape=(
        jax.ShapeDtypeStruct((N, H), _f32),
        jax.ShapeDtypeStruct((N, H), _f32),
    ),
)
_tc4 = pl.pallas_call(_tc4_body, out_shape=jax.ShapeDtypeStruct((N, D_OUT), _f32))


def _edge_blocks(v, padval):
    vp = jnp.concatenate([v, jnp.full((TOT_CH * CHUNK - E,), padval, jnp.int32)])
    flat = vp.reshape(TOT_CH, CHUNK)
    a = flat[:NS * CH].reshape(NS, CH, CHUNK)
    b = flat[NS * CH:].reshape(NS, CH, CHUNK)
    return jnp.stack([a, b], axis=1).reshape(NW, CH, CHUNK)


def kernel(x, edge_index, Wl0, bl0, Wr0, Wl1, bl1, Wr1, Wl2, bl2, Wr2,
           Wlin0, blin0, Wlin1, blin1, Wout, bout):
    src_p = _edge_blocks(edge_index[0], 0)
    dst_p = _edge_blocks(edge_index[1], N)
    zeros80 = jnp.zeros((CHUNK, W0), _f32)
    zeros64 = jnp.zeros((CHUNK, H), _f32)

    Wl0e = jnp.concatenate([Wl0, jnp.zeros((D_IN, W0 - H), _f32)], axis=1)
    bl0r = bl0.reshape(1, H)
    bl1r = bl1.reshape(1, H)
    bl2r = bl2.reshape(1, H)
    b0r = blin0.reshape(1, H)
    b1r = blin1.reshape(1, H)
    bor = bout.reshape(1, D_OUT)

    p0 = _tc1(x, Wl0e)
    agg0 = _sc_segsum_80(p0, src_p, dst_p, zeros80)
    p1, h1, rc = _tc2(agg0, x, Wr0, bl0r, Wl1)
    agg1 = _sc_segsum_64(p1, src_p, dst_p, zeros64)
    p2, h2 = _tc3(agg1, h1, Wr1, bl1r, Wl2, rc)
    agg2 = _sc_segsum_64(p2, src_p, dst_p, zeros64)
    return _tc4(agg2, h2, Wr2, bl2r, rc, Wlin0, b0r, Wlin1, b1r, Wout, bor)

# --- scband reference (transcript-rebuilt; emitter-appended) ---
"""Pipeline reference for scband-graph-sage-24541443129509 (READ-ONLY COPY).

The authoritative reference and input builder live on the scoring server;
editing this copy changes nothing except your own understanding.
"""

import jax, jax.numpy as jnp
import numpy as np

N = 10000
E = 320000
D_IN = 128
H = 64
D_OUT = 128


def _glorot(k, shape):
    return jax.random.normal(k, shape, dtype=jnp.float32) * jnp.sqrt(2.0 / (shape[0] + shape[1]))


def setup_inputs(seed: int = 0) -> dict:
    key = jax.random.key(seed)
    ks = jax.random.split(key, 16)
    inp = {}
    inp["x"] = jax.random.normal(ks[0], (N, D_IN), dtype=jnp.float32)
    inp["edge_index"] = jax.random.randint(ks[1], (2, E), 0, N, dtype=jnp.int32)
    # SAGEConv params: lin_l (on aggregated neighbors, with bias) + lin_r (on self, no bias)
    conv_dims = [(D_IN, H), (H, H), (H, H)]
    for i, (din, dout) in enumerate(conv_dims):
        inp[f"Wl{i}"] = _glorot(ks[2 + 3 * i], (din, dout))
        inp[f"bl{i}"] = jnp.zeros((dout,), dtype=jnp.float32)
        inp[f"Wr{i}"] = _glorot(ks[3 + 3 * i], (din, dout))
    # Linear head: two hidden linears (H->H) + output (H->D_OUT)
    inp["Wlin0"] = _glorot(ks[11], (H, H))
    inp["blin0"] = jnp.zeros((H,), dtype=jnp.float32)
    inp["Wlin1"] = _glorot(ks[12], (H, H))
    inp["blin1"] = jnp.zeros((H,), dtype=jnp.float32)
    inp["Wout"] = _glorot(ks[13], (H, D_OUT))
    inp["bout"] = jnp.zeros((D_OUT,), dtype=jnp.float32)
    return inp


def reference(x, edge_index, Wl0, bl0, Wr0, Wl1, bl1, Wr1, Wl2, bl2, Wr2, Wlin0, blin0, Wlin1, blin1, Wout, bout):
    src = edge_index[0]
    dst = edge_index[1]

    def sage_conv(h, Wl, bl, Wr):
        msgs = h[src]  # gather source node features per edge
        agg = jax.ops.segment_sum(msgs, dst, num_segments=N)  # scatter-add to dst
        cnt = jax.ops.segment_sum(jnp.ones((E,), dtype=jnp.float32), dst, num_segments=N)
        mean = agg / jnp.clip(cnt, 1.0, None)[:, None]  # mean aggregation
        return mean @ Wl + bl + h @ Wr

    h = x
    for Wl, bl, Wr in ((Wl0, bl0, Wr0), (Wl1, bl1, Wr1), (Wl2, bl2, Wr2)):
        h = sage_conv(h, Wl, bl, Wr)
        # dropout is identity in eval mode
        h = jax.nn.elu(h)
    for W, b in ((Wlin0, blin0), (Wlin1, blin1)):
        h = h @ W + b
        h = jax.nn.elu(h)
    return h @ Wout + bout

if __name__ == "__main__":
    import jax
    _d = setup_inputs()
    print(jax.jit(kernel)(*tuple(_d.values())))

</pallas_src>

<mosaic_0001>
#map = affine_map<(d0, d1) -> (0, 0)>
#map1 = affine_map<(d0, d1) -> (0, 0, 0)>
module attributes {stable_mosaic.version = 14 : i64} {
  func.func @sc_segsum(%arg0: i32, %arg1: i32, %arg2: memref<10000x64xf32, #tpu.memory_space<hbm>>, %arg3: memref<32x80x128xi32, #tpu.memory_space<hbm>>, %arg4: memref<32x80x128xi32, #tpu.memory_space<hbm>>, %arg5: memref<128x64xf32, #tpu.memory_space<hbm>>, %arg6: memref<2x10240x64xf32, #tpu.memory_space<hbm>>, %arg7: memref<80x128xi32, #tpu.memory_space<vmem>>, %arg8: memref<80x128xi32, #tpu.memory_space<vmem>>, %arg9: memref<128x64xf32, #tpu.memory_space<vmem>>, %arg10: memref<128x64xf32, #tpu.memory_space<vmem>>, %arg11: memref<128x64xf32, #tpu.memory_space<vmem>>, %arg12: memref<128x64xf32, #tpu.memory_space<vmem>>, %arg13: memref<128x64xf32, #tpu.memory_space<vmem>>, %arg14: memref<10240x64xf32, #tpu.memory_space<vmem_shared>>, %arg15: memref<!tpu.dma_semaphore, #tpu.memory_space<semaphore_mem>>, %arg16: memref<!tpu.dma_semaphore, #tpu.memory_space<semaphore_mem>>, %arg17: memref<!tpu.dma_semaphore, #tpu.memory_space<semaphore_mem>>, %arg18: memref<!tpu.dma_semaphore, #tpu.memory_space<semaphore_mem>>, %arg19: memref<!tpu.dma_semaphore, #tpu.memory_space<semaphore_mem>>, %arg20: memref<!tpu.dma_semaphore, #tpu.memory_space<semaphore_mem>>, %arg21: memref<!tpu.dma_semaphore, #tpu.memory_space<semaphore_mem>>, %arg22: memref<!tpu.dma_semaphore, #tpu.memory_space<semaphore_mem>>, %arg23: memref<!tpu.dma_semaphore, #tpu.memory_space<semaphore_mem>>, %arg24: memref<!tpu.dma_semaphore, #tpu.memory_space<semaphore_mem>>) attributes {dimension_semantics = [#tpu.dimension_semantics<core_parallel>, #tpu.dimension_semantics<subcore_parallel>], iteration_bounds = array<i64: 2, 16>, scalar_prefetch = 0 : i64, scratch_operands = 18 : i64, tpu.core_type = #tpu.core_type<sc_vector_subcore>, window_params = [{transform_indices = #map}, {transform_indices = #map1}, {transform_indices = #map1}, {transform_indices = #map}, {transform_indices = #map1}]} {
    %mul3A = arith.constant 2 : i32
    %mul3A_0 = arith.muli %arg1, %mul3A : i32
    %add3A = arith.addi %mul3A_0, %arg0 : i32
    "tpu.region"() ({
      %run_scoped3A = tpu.sem_alloc : memref<!tpu.dma_semaphore, #tpu.memory_space<semaphore_mem>>
      tpu.enqueue_dma source(%arg5 : memref<128x64xf32, #tpu.memory_space<hbm>>) target(%arg9 : memref<128x64xf32, #tpu.memory_space<vmem>>) target_semaphore(%run_scoped3A : memref<!tpu.dma_semaphore, #tpu.memory_space<semaphore_mem>>)
      tpu.wait_dma2 semaphore(%run_scoped3A : memref<!tpu.dma_semaphore, #tpu.memory_space<semaphore_mem>>) src(%arg5 : memref<128x64xf32, #tpu.memory_space<hbm>>) dst(%arg9 : memref<128x64xf32, #tpu.memory_space<vmem>>)
      tpu.yield
    }) : () -> ()
    %scan3A = arith.constant 0 : i32
    %scan3A_1 = arith.constant 5 : i32
    %scan3A_2 = arith.addi %scan3A, %scan3A_1 : i32
    %scan3A_3 = arith.constant 1 : i32
    scf.for %scan3A_77 = %scan3A to %scan3A_2 step %scan3A_3  : i32 {
      %mul3A_78 = arith.constant 1 : i32
      %mul3A_79 = arith.muli %scan3A_77, %mul3A_78 : i32
      %add3A_80 = arith.constant 0 : i32
      %add3A_81 = arith.addi %add3A_80, %mul3A_79 : i32
      %mul3A_82 = arith.constant 640 : i32
      %mul3A_83 = arith.muli %arg1, %mul3A_82 : i32
      %mul3A_84 = arith.constant 128 : i32
      %mul3A_85 = arith.muli %add3A_81, %mul3A_84 : i32
      %add3A_86 = arith.addi %mul3A_83, %mul3A_85 : i32
      "tpu.region"() ({
        %run_scoped3A = tpu.sem_alloc : memref<!tpu.dma_semaphore, #tpu.memory_space<semaphore_mem>>
        %dma_start3A_87 = arith.constant 0 : i32
        %dma_start3A_88 = tpu.memref_slice %arg14[%add3A_86, %dma_start3A_87] : memref<10240x64xf32, #tpu.memory_space<vmem_shared>> -> memref<128x64xf32, #tpu.memory_space<vmem_shared>>
        %dma_start3A_89 = arith.constant 0 : i32
        %dma_start3A_90 = tpu.memref_slice %arg14[%add3A_86, %dma_start3A_89] : memref<10240x64xf32, #tpu.memory_space<vmem_shared>> -> memref<128x64xf32, #tpu.memory_space<vmem_shared>>
        tpu.enqueue_dma source(%arg9 : memref<128x64xf32, #tpu.memory_space<vmem>>) target(%dma_start3A_90 : memref<128x64xf32, #tpu.memory_space<vmem_shared>>) target_semaphore(%run_scoped3A : memref<!tpu.dma_semaphore, #tpu.memory_space<semaphore_mem>>)
        %dma_wait3A_91 = arith.constant 0 : i32
        %dma_wait3A_92 = tpu.memref_slice %arg14[%add3A_86, %dma_wait3A_91] : memref<10240x64xf32, #tpu.memory_space<vmem_shared>> -> memref<128x64xf32, #tpu.memory_space<vmem_shared>>
        %dma_wait3A_93 = arith.constant 0 : i32
        %dma_wait3A_94 = tpu.memref_slice %arg14[%add3A_86, %dma_wait3A_93] : memref<10240x64xf32, #tpu.memory_space<vmem_shared>> -> memref<128x64xf32, #tpu.memory_space<vmem_shared>>
        tpu.wait_dma2 semaphore(%run_scoped3A : memref<!tpu.dma_semaphore, #tpu.memory_space<semaphore_mem>>) src(%arg9 : memref<128x64xf32, #tpu.memory_space<vmem>>) dst(%dma_wait3A_94 : memref<128x64xf32, #tpu.memory_space<vmem_shared>>)
        tpu.yield
      }) : () -> ()
    }
    %scan3A_4 = arith.constant 5 : i32
    "tpu.region"() ({
      %run_scoped3A = tpu.sem_alloc : memref<!tpu.dma_semaphore, #tpu.memory_space<semaphore_mem>>
      %dma_start3A_77 = arith.constant 0 : i32
      %dma_start3A_78 = arith.constant 0 : i32
      %dma_start3A_79 = tpu.memref_slice %arg3[%add3A, %dma_start3A_77, %dma_start3A_78] : memref<32x80x128xi32, #tpu.memory_space<hbm>> -> memref<1x80x128xi32, #tpu.memory_space<hbm>>
      %dma_start3A_80 = tpu.memref_squeeze %dma_start3A_79 : memref<1x80x128xi32, #tpu.memory_space<hbm>> -> memref<80x128xi32, #tpu.memory_space<hbm>>
      %dma_start3A_81 = arith.constant 0 : i32
      %dma_start3A_82 = arith.constant 0 : i32
      %dma_start3A_83 = tpu.memref_slice %arg3[%add3A, %dma_start3A_81, %dma_start3A_82] : memref<32x80x128xi32, #tpu.memory_space<hbm>> -> memref<1x80x128xi32, #tpu.memory_space<hbm>>
      %dma_start3A_84 = tpu.memref_squeeze %dma_start3A_83 : memref<1x80x128xi32, #tpu.memory_space<hbm>> -> memref<80x128xi32, #tpu.memory_space<hbm>>
      tpu.enqueue_dma source(%dma_start3A_84 : memref<80x128xi32, #tpu.memory_space<hbm>>) target(%arg7 : memref<80x128xi32, #tpu.memory_space<vmem>>) target_semaphore(%run_scoped3A : memref<!tpu.dma_semaphore, #tpu.memory_space<semaphore_mem>>)
      %dma_wait3A_85 = arith.constant 0 : i32
      %dma_wait3A_86 = arith.constant 0 : i32
      %dma_wait3A_87 = tpu.memref_slice %arg3[%add3A, %dma_wait3A_85, %dma_wait3A_86] : memref<32x80x128xi32, #tpu.memory_space<hbm>> -> memref<1x80x128xi32, #tpu.memory_space<hbm>>
      %dma_wait3A_88 = tpu.memref_squeeze %dma_wait3A_87 : memref<1x80x128xi32, #tpu.memory_space<hbm>> -> memref<80x128xi32, #tpu.memory_space<hbm>>
      %dma_wait3A_89 = arith.constant 0 : i32
      %dma_wait3A_90 = arith.constant 0 : i32
      %dma_wait3A_91 = tpu.memref_slice %arg3[%add3A, %dma_wait3A_89, %dma_wait3A_90] : memref<32x80x128xi32, #tpu.memory_space<hbm>> -> memref<1x80x128xi32, #tpu.memory_space<hbm>>
      %dma_wait3A_92 = tpu.memref_squeeze %dma_wait3A_91 : memref<1x80x128xi32, #tpu.memory_space<hbm>> -> memref<80x128xi32, #tpu.memory_space<hbm>>
      tpu.wait_dma2 semaphore(%run_scoped3A : memref<!tpu.dma_semaphore, #tpu.memory_space<semaphore_mem>>) src(%dma_wait3A_92 : memref<80x128xi32, #tpu.memory_space<hbm>>) dst(%arg7 : memref<80x128xi32, #tpu.memory_space<vmem>>)
      tpu.yield
    }) : () -> ()
    "tpu.region"() ({
      %run_scoped3A = tpu.sem_alloc : memref<!tpu.dma_semaphore, #tpu.memory_space<semaphore_mem>>
      %dma_start3A_77 = arith.constant 0 : i32
      %dma_start3A_78 = arith.constant 0 : i32
      %dma_start3A_79 = tpu.memref_slice %arg4[%add3A, %dma_start3A_77, %dma_start3A_78] : memref<32x80x128xi32, #tpu.memory_space<hbm>> -> memref<1x80x128xi32, #tpu.memory_space<hbm>>
      %dma_start3A_80 = tpu.memref_squeeze %dma_start3A_79 : memref<1x80x128xi32, #tpu.memory_space<hbm>> -> memref<80x128xi32, #tpu.memory_space<hbm>>
      %dma_start3A_81 = arith.constant 0 : i32
      %dma_start3A_82 = arith.constant 0 : i32
      %dma_start3A_83 = tpu.memref_slice %arg4[%add3A, %dma_start3A_81, %dma_start3A_82] : memref<32x80x128xi32, #tpu.memory_space<hbm>> -> memref<1x80x128xi32, #tpu.memory_space<hbm>>
      %dma_start3A_84 = tpu.memref_squeeze %dma_start3A_83 : memref<1x80x128xi32, #tpu.memory_space<hbm>> -> memref<80x128xi32, #tpu.memory_space<hbm>>
      tpu.enqueue_dma source(%dma_start3A_84 : memref<80x128xi32, #tpu.memory_space<hbm>>) target(%arg8 : memref<80x128xi32, #tpu.memory_space<vmem>>) target_semaphore(%run_scoped3A : memref<!tpu.dma_semaphore, #tpu.memory_space<semaphore_mem>>)
      %dma_wait3A_85 = arith.constant 0 : i32
      %dma_wait3A_86 = arith.constant 0 : i32
      %dma_wait3A_87 = tpu.memref_slice %arg4[%add3A, %dma_wait3A_85, %dma_wait3A_86] : memref<32x80x128xi32, #tpu.memory_space<hbm>> -> memref<1x80x128xi32, #tpu.memory_space<hbm>>
      %dma_wait3A_88 = tpu.memref_squeeze %dma_wait3A_87 : memref<1x80x128xi32, #tpu.memory_space<hbm>> -> memref<80x128xi32, #tpu.memory_space<hbm>>
      %dma_wait3A_89 = arith.constant 0 : i32
      %dma_wait3A_90 = arith.constant 0 : i32
      %dma_wait3A_91 = tpu.memref_slice %arg4[%add3A, %dma_wait3A_89, %dma_wait3A_90] : memref<32x80x128xi32, #tpu.memory_space<hbm>> -> memref<1x80x128xi32, #tpu.memory_space<hbm>>
      %dma_wait3A_92 = tpu.memref_squeeze %dma_wait3A_91 : memref<1x80x128xi32, #tpu.memory_space<hbm>> -> memref<80x128xi32, #tpu.memory_space<hbm>>
      tpu.wait_dma2 semaphore(%run_scoped3A : memref<!tpu.dma_semaphore, #tpu.memory_space<semaphore_mem>>) src(%dma_wait3A_92 : memref<80x128xi32, #tpu.memory_space<hbm>>) dst(%arg8 : memref<80x128xi32, #tpu.memory_space<vmem>>)
      tpu.yield
    }) : () -> ()
    %barrier3A = arith.constant 0 : index
    tpu.barrier barrier_id(%barrier3A)
    %dma_start3A = arith.constant 0 : i32
    %dma_start3A_5 = arith.constant 0 : i32
    %dma_start3A_6 = tpu.memref_slice %arg7[%dma_start3A, %dma_start3A_5] : memref<80x128xi32, #tpu.memory_space<vmem>> -> memref<1x128xi32, #tpu.memory_space<vmem>>
    %dma_start3A_7 = tpu.memref_squeeze %dma_start3A_6 : memref<1x128xi32, #tpu.memory_space<vmem>> -> memref<128xi32, #tpu.memory_space<vmem>>
    %dma_start3A_8 = arith.constant 0 : i32
    %dma_start3A_9 = arith.constant 0 : i32
    %dma_start3A_10 = tpu.memref_slice %arg2[%dma_start3A_8, %dma_start3A_9] : memref<10000x64xf32, #tpu.memory_space<hbm>> -> memref<10000x64xf32, #tpu.memory_space<hbm>>
    tpu.enqueue_indirect_dma source(%dma_start3A_10 : memref<10000x64xf32, #tpu.memory_space<hbm>>) target(%arg9 : memref<128x64xf32, #tpu.memory_space<vmem>>) offsets(%dma_start3A_7 : memref<128xi32, #tpu.memory_space<vmem>>) semaphore(%arg15 : memref<!tpu.dma_semaphore, #tpu.memory_space<semaphore_mem>>)
    %dma_start3A_11 = arith.constant 1 : i32
    %dma_start3A_12 = arith.constant 0 : i32
    %dma_start3A_13 = tpu.memref_slice %arg7[%dma_start3A_11, %dma_start3A_12] : memref<80x128xi32, #tpu.memory_space<vmem>> -> memref<1x128xi32, #tpu.memory_space<vmem>>
    %dma_start3A_14 = tpu.memref_squeeze %dma_start3A_13 : memref<1x128xi32, #tpu.memory_space<vmem>> -> memref<128xi32, #tpu.memory_space<vmem>>
    %dma_start3A_15 = arith.constant 0 : i32
    %dma_start3A_16 = arith.constant 0 : i32
    %dma_start3A_17 = tpu.memref_slice %arg2[%dma_start3A_15, %dma_start3A_16] : memref<10000x64xf32, #tpu.memory_space<hbm>> -> memref<10000x64xf32, #tpu.memory_space<hbm>>
    tpu.enqueue_indirect_dma source(%dma_start3A_17 : memref<10000x64xf32, #tpu.memory_space<hbm>>) target(%arg10 : memref<128x64xf32, #tpu.memory_space<vmem>>) offsets(%dma_start3A_14 : memref<128xi32, #tpu.memory_space<vmem>>) semaphore(%arg16 : memref<!tpu.dma_semaphore, #tpu.memory_space<semaphore_mem>>)
    %dma_start3A_18 = arith.constant 2 : i32
    %dma_start3A_19 = arith.constant 0 : i32
    %dma_start3A_20 = tpu.memref_slice %arg7[%dma_start3A_18, %dma_start3A_19] : memref<80x128xi32, #tpu.memory_space<vmem>> -> memref<1x128xi32, #tpu.memory_space<vmem>>
    %dma_start3A_21 = tpu.memref_squeeze %dma_start3A_20 : memref<1x128xi32, #tpu.memory_space<vmem>> -> memref<128xi32, #tpu.memory_space<vmem>>
    %dma_start3A_22 = arith.constant 0 : i32
    %dma_start3A_23 = arith.constant 0 : i32
    %dma_start3A_24 = tpu.memref_slice %arg2[%dma_start3A_22, %dma_start3A_23] : memref<10000x64xf32, #tpu.memory_space<hbm>> -> memref<10000x64xf32, #tpu.memory_space<hbm>>
    tpu.enqueue_indirect_dma source(%dma_start3A_24 : memref<10000x64xf32, #tpu.memory_space<hbm>>) target(%arg11 : memref<128x64xf32, #tpu.memory_space<vmem>>) offsets(%dma_start3A_21 : memref<128xi32, #tpu.memory_space<vmem>>) semaphore(%arg17 : memref<!tpu.dma_semaphore, #tpu.memory_space<semaphore_mem>>)
    %dma_start3A_25 = arith.constant 3 : i32
    %dma_start3A_26 = arith.constant 0 : i32
    %dma_start3A_27 = tpu.memref_slice %arg7[%dma_start3A_25, %dma_start3A_26] : memref<80x128xi32, #tpu.memory_space<vmem>> -> memref<1x128xi32, #tpu.memory_space<vmem>>
    %dma_start3A_28 = tpu.memref_squeeze %dma_start3A_27 : memref<1x128xi32, #tpu.memory_space<vmem>> -> memref<128xi32, #tpu.memory_space<vmem>>
    %dma_start3A_29 = arith.constant 0 : i32
    %dma_start3A_30 = arith.constant 0 : i32
    %dma_start3A_31 = tpu.memref_slice %arg2[%dma_start3A_29, %dma_start3A_30] : memref<10000x64xf32, #tpu.memory_space<hbm>> -> memref<10000x64xf32, #tpu.memory_space<hbm>>
    tpu.enqueue_indirect_dma source(%dma_start3A_31 : memref<10000x64xf32, #tpu.memory_space<hbm>>) target(%arg12 : memref<128x64xf32, #tpu.memory_space<vmem>>) offsets(%dma_start3A_28 : memref<128xi32, #tpu.memory_space<vmem>>) semaphore(%arg18 : memref<!tpu.dma_semaphore, #tpu.memory_space<semaphore_mem>>)
    %scan3A_32 = arith.constant 0 : i32
    %scan3A_33 = arith.constant 16 : i32
    %scan3A_34 = arith.addi %scan3A_32, %scan3A_33 : i32
    %scan3A_35 = arith.constant 1 : i32
    scf.for %scan3A_77 = %scan3A_32 to %scan3A_34 step %scan3A_35  : i32 {
      %mul3A_78 = arith.constant 1 : i32
      %mul3A_79 = arith.muli %scan3A_77, %mul3A_78 : i32
      %add3A_80 = arith.constant 0 : i32
      %add3A_81 = arith.addi %add3A_80, %mul3A_79 : i32
      %mul3A_82 = arith.constant 5 : i32
      %mul3A_83 = arith.muli %mul3A_82, %add3A_81 : i32
      %add3A_84 = arith.constant 0 : i32
      %add3A_85 = arith.addi %mul3A_83, %add3A_84 : i32
      %dma_wait3A_86 = arith.constant 0 : i32
      %dma_wait3A_87 = tpu.memref_slice %arg7[%add3A_85, %dma_wait3A_86] : memref<80x128xi32, #tpu.memory_space<vmem>> -> memref<1x128xi32, #tpu.memory_space<vmem>>
      %dma_wait3A_88 = tpu.memref_squeeze %dma_wait3A_87 : memref<1x128xi32, #tpu.memory_space<vmem>> -> memref<128xi32, #tpu.memory_space<vmem>>
      %dma_wait3A_89 = arith.constant 0 : i32
      %dma_wait3A_90 = arith.constant 0 : i32
      %dma_wait3A_91 = tpu.memref_slice %arg2[%dma_wait3A_89, %dma_wait3A_90] : memref<10000x64xf32, #tpu.memory_space<hbm>> -> memref<10000x64xf32, #tpu.memory_space<hbm>>
      tpu.wait_indirect_dma semaphore(%arg15 : memref<!tpu.dma_semaphore, #tpu.memory_space<semaphore_mem>>) src(%dma_wait3A_91 : memref<10000x64xf32, #tpu.memory_space<hbm>>) dst(%arg9 : memref<128x64xf32, #tpu.memory_space<vmem>>)
      %dma_start3A_92 = arith.constant 0 : i32
      %dma_start3A_93 = tpu.memref_slice %arg8[%add3A_85, %dma_start3A_92] : memref<80x128xi32, #tpu.memory_space<vmem>> -> memref<1x128xi32, #tpu.memory_space<vmem>>
      %dma_start3A_94 = tpu.memref_squeeze %dma_start3A_93 : memref<1x128xi32, #tpu.memory_space<vmem>> -> memref<128xi32, #tpu.memory_space<vmem>>
      %dma_start3A_95 = arith.constant 0 : i32
      %dma_start3A_96 = arith.constant 0 : i32
      %dma_start3A_97 = tpu.memref_slice %arg14[%dma_start3A_95, %dma_start3A_96] : memref<10240x64xf32, #tpu.memory_space<vmem_shared>> -> memref<10240x64xf32, #tpu.memory_space<vmem_shared>>
      tpu.enqueue_indirect_dma source(%arg9 : memref<128x64xf32, #tpu.memory_space<vmem>>) target(%dma_start3A_97 : memref<10240x64xf32, #tpu.memory_space<vmem_shared>>) offsets(%dma_start3A_94 : memref<128xi32, #tpu.memory_space<vmem>>) semaphore(%arg20 : memref<!tpu.dma_semaphore, #tpu.memory_space<semaphore_mem>>) {add = true}
      %add3A_98 = arith.constant 5 : i32
      %add3A_99 = arith.addi %add3A_85, %add3A_98 : i32
      %sub3A = arith.constant 1 : i32
      %sub3A_100 = arith.subi %add3A_99, %sub3A : i32
      %lt3A = arith.constant 80 : i32
      %lt3A_101 = arith.cmpi slt, %sub3A_100, %lt3A : i32
      %convert_element_type3A = arith.extui %lt3A_101 : i1 to i32
      %cond3A = arith.constant 0 : i32
      %cond3A_102 = arith.cmpi ne, %convert_element_type3A, %cond3A : i32
      scf.if %cond3A_102 {
        %ge3A = arith.constant 5 : i32
        %ge3A_203 = arith.cmpi sge, %sub3A_100, %ge3A : i32
        %convert_element_type3A_204 = arith.extui %ge3A_203 : i1 to i32
        %cond3A_205 = arith.constant 0 : i32
        %cond3A_206 = arith.cmpi ne, %convert_element_type3A_204, %cond3A_205 : i32
        scf.if %cond3A_206 {
          %sub3A_213 = arith.constant 5 : i32
          %sub3A_214 = arith.subi %sub3A_100, %sub3A_213 : i32
          %dma_wait3A_215 = arith.constant 0 : i32
          %dma_wait3A_216 = tpu.memref_slice %arg8[%sub3A_214, %dma_wait3A_215] : memref<80x128xi32, #tpu.memory_space<vmem>> -> memref<1x128xi32, #tpu.memory_space<vmem>>
          %dma_wait3A_217 = tpu.memref_squeeze %dma_wait3A_216 : memref<1x128xi32, #tpu.memory_space<vmem>> -> memref<128xi32, #tpu.memory_space<vmem>>
          %dma_wait3A_218 = arith.constant 0 : i32
          %dma_wait3A_219 = arith.constant 0 : i32
          %dma_wait3A_220 = tpu.memref_slice %arg14[%dma_wait3A_218, %dma_wait3A_219] : memref<10240x64xf32, #tpu.memory_space<vmem_shared>> -> memref<10240x64xf32, #tpu.memory_space<vmem_shared>>
          tpu.wait_indirect_dma semaphore(%arg24 : memref<!tpu.dma_semaphore, #tpu.memory_space<semaphore_mem>>) src(%arg13 : memref<128x64xf32, #tpu.memory_space<vmem>>) dst(%dma_wait3A_220 : memref<10240x64xf32, #tpu.memory_space<vmem_shared>>)
        } else {
        }
        %dma_start3A_207 = arith.constant 0 : i32
        %dma_start3A_208 = tpu.memref_slice %arg7[%sub3A_100, %dma_start3A_207] : memref<80x128xi32, #tpu.memory_space<vmem>> -> memref<1x128xi32, #tpu.memory_space<vmem>>
        %dma_start3A_209 = tpu.memref_squeeze %dma_start3A_208 : memref<1x128xi32, #tpu.memory_space<vmem>> -> memref<128xi32, #tpu.memory_space<vmem>>
        %dma_start3A_210 = arith.constant 0 : i32
        %dma_start3A_211 = arith.constant 0 : i32
        %dma_start3A_212 = tpu.memref_slice %arg2[%dma_start3A_210, %dma_start3A_211] : memref<10000x64xf32, #tpu.memory_space<hbm>> -> memref<10000x64xf32, #tpu.memory_space<hbm>>
        tpu.enqueue_indirect_dma source(%dma_start3A_212 : memref<10000x64xf32, #tpu.memory_space<hbm>>) target(%arg13 : memref<128x64xf32, #tpu.memory_space<vmem>>) offsets(%dma_start3A_209 : memref<128xi32, #tpu.memory_space<vmem>>) semaphore(%arg19 : memref<!tpu.dma_semaphore, #tpu.memory_space<semaphore_mem>>)
      } else {
      }
      %mul3A_103 = arith.constant 5 : i32
      %mul3A_104 = arith.muli %mul3A_103, %add3A_81 : i32
      %add3A_105 = arith.constant 1 : i32
      %add3A_106 = arith.addi %mul3A_104, %add3A_105 : i32
      %dma_wait3A_107 = arith.constant 0 : i32
      %dma_wait3A_108 = tpu.memref_slice %arg7[%add3A_106, %dma_wait3A_107] : memref<80x128xi32, #tpu.memory_space<vmem>> -> memref<1x128xi32, #tpu.memory_space<vmem>>
      %dma_wait3A_109 = tpu.memref_squeeze %dma_wait3A_108 : memref<1x128xi32, #tpu.memory_space<vmem>> -> memref<128xi32, #tpu.memory_space<vmem>>
      %dma_wait3A_110 = arith.constant 0 : i32
      %dma_wait3A_111 = arith.constant 0 : i32
      %dma_wait3A_112 = tpu.memref_slice %arg2[%dma_wait3A_110, %dma_wait3A_111] : memref<10000x64xf32, #tpu.memory_space<hbm>> -> memref<10000x64xf32, #tpu.memory_space<hbm>>
      tpu.wait_indirect_dma semaphore(%arg16 : memref<!tpu.dma_semaphore, #tpu.memory_space<semaphore_mem>>) src(%dma_wait3A_112 : memref<10000x64xf32, #tpu.memory_space<hbm>>) dst(%arg10 : memref<128x64xf32, #tpu.memory_space<vmem>>)
      %dma_start3A_113 = arith.constant 0 : i32
      %dma_start3A_114 = tpu.memref_slice %arg8[%add3A_106, %dma_start3A_113] : memref<80x128xi32, #tpu.memory_space<vmem>> -> memref<1x128xi32, #tpu.memory_space<vmem>>
      %dma_start3A_115 = tpu.memref_squeeze %dma_start3A_114 : memref<1x128xi32, #tpu.memory_space<vmem>> -> memref<128xi32, #tpu.memory_space<vmem>>
      %dma_start3A_116 = arith.constant 0 : i32
      %dma_start3A_117 = arith.constant 0 : i32
      %dma_start3A_118 = tpu.memref_slice %arg14[%dma_start3A_116, %dma_start3A_117] : memref<10240x64xf32, #tpu.memory_space<vmem_shared>> -> memref<10240x64xf32, #tpu.memory_space<vmem_shared>>
      tpu.enqueue_indirect_dma source(%arg10 : memref<128x64xf32, #tpu.memory_space<vmem>>) target(%dma_start3A_118 : memref<10240x64xf32, #tpu.memory_space<vmem_shared>>) offsets(%dma_start3A_115 : memref<128xi32, #tpu.memory_space<vmem>>) semaphore(%arg21 : memref<!tpu.dma_semaphore, #tpu.memory_space<semaphore_mem>>) {add = true}
      %add3A_119 = arith.constant 5 : i32
      %add3A_120 = arith.addi %add3A_106, %add3A_119 : i32
      %sub3A_121 = arith.constant 1 : i32
      %sub3A_122 = arith.subi %add3A_120, %sub3A_121 : i32
      %lt3A_123 = arith.constant 80 : i32
      %lt3A_124 = arith.cmpi slt, %sub3A_122, %lt3A_123 : i32
      %convert_element_type3A_125 = arith.extui %lt3A_124 : i1 to i32
      %cond3A_126 = arith.constant 0 : i32
      %cond3A_127 = arith.cmpi ne, %convert_element_type3A_125, %cond3A_126 : i32
      scf.if %cond3A_127 {
        %ge3A = arith.constant 5 : i32
        %ge3A_203 = arith.cmpi sge, %sub3A_122, %ge3A : i32
        %convert_element_type3A_204 = arith.extui %ge3A_203 : i1 to i32
        %cond3A_205 = arith.constant 0 : i32
        %cond3A_206 = arith.cmpi ne, %convert_element_type3A_204, %cond3A_205 : i32
        scf.if %cond3A_206 {
          %sub3A_213 = arith.constant 5 : i32
          %sub3A_214 = arith.subi %sub3A_122, %sub3A_213 : i32
          %dma_wait3A_215 = arith.constant 0 : i32
          %dma_wait3A_216 = tpu.memref_slice %arg8[%sub3A_214, %dma_wait3A_215] : memref<80x128xi32, #tpu.memory_space<vmem>> -> memref<1x128xi32, #tpu.memory_space<vmem>>
          %dma_wait3A_217 = tpu.memref_squeeze %dma_wait3A_216 : memref<1x128xi32, #tpu.memory_space<vmem>> -> memref<128xi32, #tpu.memory_space<vmem>>
          %dma_wait3A_218 = arith.constant 0 : i32
          %dma_wait3A_219 = arith.constant 0 : i32
          %dma_wait3A_220 = tpu.memref_slice %arg14[%dma_wait3A_218, %dma_wait3A_219] : memref<10240x64xf32, #tpu.memory_space<vmem_shared>> -> memref<10240x64xf32, #tpu.memory_space<vmem_shared>>
          tpu.wait_indirect_dma semaphore(%arg20 : memref<!tpu.dma_semaphore, #tpu.memory_space<semaphore_mem>>) src(%arg9 : memref<128x64xf32, #tpu.memory_space<vmem>>) dst(%dma_wait3A_220 : memref<10240x64xf32, #tpu.memory_space<vmem_shared>>)
        } else {
        }
        %dma_start3A_207 = arith.constant 0 : i32
        %dma_start3A_208 = tpu.memref_slice %arg7[%sub3A_122, %dma_start3A_207] : memref<80x128xi32, #tpu.memory_space<vmem>> -> memref<1x128xi32, #tpu.memory_space<vmem>>
        %dma_start3A_209 = tpu.memref_squeeze %dma_start3A_208 : memref<1x128xi32, #tpu.memory_space<vmem>> -> memref<128xi32, #tpu.memory_space<vmem>>
        %dma_start3A_210 = arith.constant 0 : i32
        %dma_start3A_211 = arith.constant 0 : i32
        %dma_start3A_212 = tpu.memref_slice %arg2[%dma_start3A_210, %dma_start3A_211] : memref<10000x64xf32, #tpu.memory_space<hbm>> -> memref<10000x64xf32, #tpu.memory_space<hbm>>
        tpu.enqueue_indirect_dma source(%dma_start3A_212 : memref<10000x64xf32, #tpu.memory_space<hbm>>) target(%arg9 : memref<128x64xf32, #tpu.memory_space<vmem>>) offsets(%dma_start3A_209 : memref<128xi32, #tpu.memory_space<vmem>>) semaphore(%arg15 : memref<!tpu.dma_semaphore, #tpu.memory_space<semaphore_mem>>)
      } else {
      }
      %mul3A_128 = arith.constant 5 : i32
      %mul3A_129 = arith.muli %mul3A_128, %add3A_81 : i32
      %add3A_130 = arith.constant 2 : i32
      %add3A_131 = arith.addi %mul3A_129, %add3A_130 : i32
      %dma_wait3A_132 = arith.constant 0 : i32
      %dma_wait3A_133 = tpu.memref_slice %arg7[%add3A_131, %dma_wait3A_132] : memref<80x128xi32, #tpu.memory_space<vmem>> -> memref<1x128xi32, #tpu.memory_space<vmem>>
      %dma_wait3A_134 = tpu.memref_squeeze %dma_wait3A_133 : memref<1x128xi32, #tpu.memory_space<vmem>> -> memref<128xi32, #tpu.memory_space<vmem>>
      %dma_wait3A_135 = arith.constant 0 : i32
      %dma_wait3A_136 = arith.constant 0 : i32
      %dma_wait3A_137 = tpu.memref_slice %arg2[%dma_wait3A_135, %dma_wait3A_136] : memref<10000x64xf32, #tpu.memory_space<hbm>> -> memref<10000x64xf32, #tpu.memory_space<hbm>>
      tpu.wait_indirect_dma semaphore(%arg17 : memref<!tpu.dma_semaphore, #tpu.memory_space<semaphore_mem>>) src(%dma_wait3A_137 : memref<10000x64xf32, #tpu.memory_space<hbm>>) dst(%arg11 : memref<128x64xf32, #tpu.memory_space<vmem>>)
      %dma_start3A_138 = arith.constant 0 : i32
      %dma_start3A_139 = tpu.memref_slice %arg8[%add3A_131, %dma_start3A_138] : memref<80x128xi32, #tpu.memory_space<vmem>> -> memref<1x128xi32, #tpu.memory_space<vmem>>
      %dma_start3A_140 = tpu.memref_squeeze %dma_start3A_139 : memref<1x128xi32, #tpu.memory_space<vmem>> -> memref<128xi32, #tpu.memory_space<vmem>>
      %dma_start3A_141 = arith.constant 0 : i32
      %dma_start3A_142 = arith.constant 0 : i32
      %dma_start3A_143 = tpu.memref_slice %arg14[%dma_start3A_141, %dma_start3A_142] : memref<10240x64xf32, #tpu.memory_space<vmem_shared>> -> memref<10240x64xf32, #tpu.memory_space<vmem_shared>>
      tpu.enqueue_indirect_dma source(%arg11 : memref<128x64xf32, #tpu.memory_space<vmem>>) target(%dma_start3A_143 : memref<10240x64xf32, #tpu.memory_space<vmem_shared>>) offsets(%dma_start3A_140 : memref<128xi32, #tpu.memory_space<vmem>>) semaphore(%arg22 : memref<!tpu.dma_semaphore, #tpu.memory_space<semaphore_mem>>) {add = true}
      %add3A_144 = arith.constant 5 : i32
      %add3A_145 = arith.addi %add3A_131, %add3A_144 : i32
      %sub3A_146 = arith.constant 1 : i32
      %sub3A_147 = arith.subi %add3A_145, %sub3A_146 : i32
      %lt3A_148 = arith.constant 80 : i32
      %lt3A_149 = arith.cmpi slt, %sub3A_147, %lt3A_148 : i32
      %convert_element_type3A_150 = arith.extui %lt3A_149 : i1 to i32
      %cond3A_151 = arith.constant 0 : i32
      %cond3A_152 = arith.cmpi ne, %convert_element_type3A_150, %cond3A_151 : i32
      scf.if %cond3A_152 {
        %ge3A = arith.constant 5 : i32
        %ge3A_203 = arith.cmpi sge, %sub3A_147, %ge3A : i32
        %convert_element_type3A_204 = arith.extui %ge3A_203 : i1 to i32
        %cond3A_205 = arith.constant 0 : i32
        %cond3A_206 = arith.cmpi ne, %convert_element_type3A_204, %cond3A_205 : i32
        scf.if %cond3A_206 {
          %sub3A_213 = arith.constant 5 : i32
          %sub3A_214 = arith.subi %sub3A_147, %sub3A_213 : i32
          %dma_wait3A_215 = arith.constant 0 : i32
          %dma_wait3A_216 = tpu.memref_slice %arg8[%sub3A_214, %dma_wait3A_215] : memref<80x128xi32, #tpu.memory_space<vmem>> -> memref<1x128xi32, #tpu.memory_space<vmem>>
          %dma_wait3A_217 = tpu.memref_squeeze %dma_wait3A_216 : memref<1x128xi32, #tpu.memory_space<vmem>> -> memref<128xi32, #tpu.memory_space<vmem>>
          %dma_wait3A_218 = arith.constant 0 : i32
          %dma_wait3A_219 = arith.constant 0 : i32
          %dma_wait3A_220 = tpu.memref_slice %arg14[%dma_wait3A_218, %dma_wait3A_219] : memref<10240x64xf32, #tpu.memory_space<vmem_shared>> -> memref<10240x64xf32, #tpu.memory_space<vmem_shared>>
          tpu.wait_indirect_dma semaphore(%arg21 : memref<!tpu.dma_semaphore, #tpu.memory_space<semaphore_mem>>) src(%arg10 : memref<128x64xf32, #tpu.memory_space<vmem>>) dst(%dma_wait3A_220 : memref<10240x64xf32, #tpu.memory_space<vmem_shared>>)
        } else {
        }
        %dma_start3A_207 = arith.constant 0 : i32
        %dma_start3A_208 = tpu.memref_slice %arg7[%sub3A_147, %dma_start3A_207] : memref<80x128xi32, #tpu.memory_space<vmem>> -> memref<1x128xi32, #tpu.memory_space<vmem>>
        %dma_start3A_209 = tpu.memref_squeeze %dma_start3A_208 : memref<1x128xi32, #tpu.memory_space<vmem>> -> memref<128xi32, #tpu.memory_space<vmem>>
        %dma_start3A_210 = arith.constant 0 : i32
        %dma_start3A_211 = arith.constant 0 : i32
        %dma_start3A_212 = tpu.memref_slice %arg2[%dma_start3A_210, %dma_start3A_211] : memref<10000x64xf32, #tpu.memory_space<hbm>> -> memref<10000x64xf32, #tpu.memory_space<hbm>>
        tpu.enqueue_indirect_dma source(%dma_start3A_212 : memref<10000x64xf32, #tpu.memory_space<hbm>>) target(%arg10 : memref<128x64xf32, #tpu.memory_space<vmem>>) offsets(%dma_start3A_209 : memref<128xi32, #tpu.memory_space<vmem>>) semaphore(%arg16 : memref<!tpu.dma_semaphore, #tpu.memory_space<semaphore_mem>>)
      } else {
      }
      %mul3A_153 = arith.constant 5 : i32
      %mul3A_154 = arith.muli %mul3A_153, %add3A_81 : i32
      %add3A_155 = arith.constant 3 : i32
      %add3A_156 = arith.addi %mul3A_154, %add3A_155 : i32
      %dma_wait3A_157 = arith.constant 0 : i32
      %dma_wait3A_158 = tpu.memref_slice %arg7[%add3A_156, %dma_wait3A_157] : memref<80x128xi32, #tpu.memory_space<vmem>> -> memref<1x128xi32, #tpu.memory_space<vmem>>
      %dma_wait3A_159 = tpu.memref_squeeze %dma_wait3A_158 : memref<1x128xi32, #tpu.memory_space<vmem>> -> memref<128xi32, #tpu.memory_space<vmem>>
      %dma_wait3A_160 = arith.constant 0 : i32
      %dma_wait3A_161 = arith.constant 0 : i32
      %dma_wait3A_162 = tpu.memref_slice %arg2[%dma_wait3A_160, %dma_wait3A_161] : memref<10000x64xf32, #tpu.memory_space<hbm>> -> memref<10000x64xf32, #tpu.memory_space<hbm>>
      tpu.wait_indirect_dma semaphore(%arg18 : memref<!tpu.dma_semaphore, #tpu.memory_space<semaphore_mem>>) src(%dma_wait3A_162 : memref<10000x64xf32, #tpu.memory_space<hbm>>) dst(%arg12 : memref<128x64xf32, #tpu.memory_space<vmem>>)
      %dma_start3A_163 = arith.constant 0 : i32
      %dma_start3A_164 = tpu.memref_slice %arg8[%add3A_156, %dma_start3A_163] : memref<80x128xi32, #tpu.memory_space<vmem>> -> memref<1x128xi32, #tpu.memory_space<vmem>>
      %dma_start3A_165 = tpu.memref_squeeze %dma_start3A_164 : memref<1x128xi32, #tpu.memory_space<vmem>> -> memref<128xi32, #tpu.memory_space<vmem>>
      %dma_start3A_166 = arith.constant 0 : i32
      %dma_start3A_167 = arith.constant 0 : i32
      %dma_start3A_168 = tpu.memref_slice %arg14[%dma_start3A_166, %dma_start3A_167] : memref<10240x64xf32, #tpu.memory_space<vmem_shared>> -> memref<10240x64xf32, #tpu.memory_space<vmem_shared>>
      tpu.enqueue_indirect_dma source(%arg12 : memref<128x64xf32, #tpu.memory_space<vmem>>) target(%dma_start3A_168 : memref<10240x64xf32, #tpu.memory_space<vmem_shared>>) offsets(%dma_start3A_165 : memref<128xi32, #tpu.memory_space<vmem>>) semaphore(%arg23 : memref<!tpu.dma_semaphore, #tpu.memory_space<semaphore_mem>>) {add = true}
      %add3A_169 = arith.constant 5 : i32
      %add3A_170 = arith.addi %add3A_156, %add3A_169 : i32
      %sub3A_171 = arith.constant 1 : i32
      %sub3A_172 = arith.subi %add3A_170, %sub3A_171 : i32
      %lt3A_173 = arith.constant 80 : i32
      %lt3A_174 = arith.cmpi slt, %sub3A_172, %lt3A_173 : i32
      %convert_element_type3A_175 = arith.extui %lt3A_174 : i1 to i32
      %cond3A_176 = arith.constant 0 : i32
      %cond3A_177 = arith.cmpi ne, %convert_element_type3A_175, %cond3A_176 : i32
      scf.if %cond3A_177 {
        %ge3A = arith.constant 5 : i32
        %ge3A_203 = arith.cmpi sge, %sub3A_172, %ge3A : i32
        %convert_element_type3A_204 = arith.extui %ge3A_203 : i1 to i32
        %cond3A_205 = arith.constant 0 : i32
        %cond3A_206 = arith.cmpi ne, %convert_element_type3A_204, %cond3A_205 : i32
        scf.if %cond3A_206 {
          %sub3A_213 = arith.constant 5 : i32
          %sub3A_214 = arith.subi %sub3A_172, %sub3A_213 : i32
          %dma_wait3A_215 = arith.constant 0 : i32
          %dma_wait3A_216 = tpu.memref_slice %arg8[%sub3A_214, %dma_wait3A_215] : memref<80x128xi32, #tpu.memory_space<vmem>> -> memref<1x128xi32, #tpu.memory_space<vmem>>
          %dma_wait3A_217 = tpu.memref_squeeze %dma_wait3A_216 : memref<1x128xi32, #tpu.memory_space<vmem>> -> memref<128xi32, #tpu.memory_space<vmem>>
          %dma_wait3A_218 = arith.constant 0 : i32
          %dma_wait3A_219 = arith.constant 0 : i32
          %dma_wait3A_220 = tpu.memref_slice %arg14[%dma_wait3A_218, %dma_wait3A_219] : memref<10240x64xf32, #tpu.memory_space<vmem_shared>> -> memref<10240x64xf32, #tpu.memory_space<vmem_shared>>
          tpu.wait_indirect_dma semaphore(%arg22 : memref<!tpu.dma_semaphore, #tpu.memory_space<semaphore_mem>>) src(%arg11 : memref<128x64xf32, #tpu.memory_space<vmem>>) dst(%dma_wait3A_220 : memref<10240x64xf32, #tpu.memory_space<vmem_shared>>)
        } else {
        }
        %dma_start3A_207 = arith.constant 0 : i32
        %dma_start3A_208 = tpu.memref_slice %arg7[%sub3A_172, %dma_start3A_207] : memref<80x128xi32, #tpu.memory_space<vmem>> -> memref<1x128xi32, #tpu.memory_space<vmem>>
        %dma_start3A_209 = tpu.memref_squeeze %dma_start3A_208 : memref<1x128xi32, #tpu.memory_space<vmem>> -> memref<128xi32, #tpu.memory_space<vmem>>
        %dma_start3A_210 = arith.constant 0 : i32
        %dma_start3A_211 = arith.constant 0 : i32
        %dma_start3A_212 = tpu.memref_slice %arg2[%dma_start3A_210, %dma_start3A_211] : memref<10000x64xf32, #tpu.memory_space<hbm>> -> memref<10000x64xf32, #tpu.memory_space<hbm>>
        tpu.enqueue_indirect_dma source(%dma_start3A_212 : memref<10000x64xf32, #tpu.memory_space<hbm>>) target(%arg11 : memref<128x64xf32, #tpu.memory_space<vmem>>) offsets(%dma_start3A_209 : memref<128xi32, #tpu.memory_space<vmem>>) semaphore(%arg17 : memref<!tpu.dma_semaphore, #tpu.memory_space<semaphore_mem>>)
      } else {
      }
      %mul3A_178 = arith.constant 5 : i32
      %mul3A_179 = arith.muli %mul3A_178, %add3A_81 : i32
      %add3A_180 = arith.constant 4 : i32
      %add3A_181 = arith.addi %mul3A_179, %add3A_180 : i32
      %dma_wait3A_182 = arith.constant 0 : i32
      %dma_wait3A_183 = tpu.memref_slice %arg7[%add3A_181, %dma_wait3A_182] : memref<80x128xi32, #tpu.memory_space<vmem>> -> memref<1x128xi32, #tpu.memory_space<vmem>>
      %dma_wait3A_184 = tpu.memref_squeeze %dma_wait3A_183 : memref<1x128xi32, #tpu.memory_space<vmem>> -> memref<128xi32, #tpu.memory_space<vmem>>
      %dma_wait3A_185 = arith.constant 0 : i32
      %dma_wait3A_186 = arith.constant 0 : i32
      %dma_wait3A_187 = tpu.memref_slice %arg2[%dma_wait3A_185, %dma_wait3A_186] : memref<10000x64xf32, #tpu.memory_space<hbm>> -> memref<10000x64xf32, #tpu.memory_space<hbm>>
      tpu.wait_indirect_dma semaphore(%arg19 : memref<!tpu.dma_semaphore, #tpu.memory_space<semaphore_mem>>) src(%dma_wait3A_187 : memref<10000x64xf32, #tpu.memory_space<hbm>>) dst(%arg13 : memref<128x64xf32, #tpu.memory_space<vmem>>)
      %dma_start3A_188 = arith.constant 0 : i32
      %dma_start3A_189 = tpu.memref_slice %arg8[%add3A_181, %dma_start3A_188] : memref<80x128xi32, #tpu.memory_space<vmem>> -> memref<1x128xi32, #tpu.memory_space<vmem>>
      %dma_start3A_190 = tpu.memref_squeeze %dma_start3A_189 : memref<1x128xi32, #tpu.memory_space<vmem>> -> memref<128xi32, #tpu.memory_space<vmem>>
      %dma_start3A_191 = arith.constant 0 : i32
      %dma_start3A_192 = arith.constant 0 : i32
      %dma_start3A_193 = tpu.memref_slice %arg14[%dma_start3A_191, %dma_start3A_192] : memref<10240x64xf32, #tpu.memory_space<vmem_shared>> -> memref<10240x64xf32, #tpu.memory_space<vmem_shared>>
      tpu.enqueue_indirect_dma source(%arg13 : memref<128x64xf32, #tpu.memory_space<vmem>>) target(%dma_start3A_193 : memref<10240x64xf32, #tpu.memory_space<vmem_shared>>) offsets(%dma_start3A_190 : memref<128xi32, #tpu.memory_space<vmem>>) semaphore(%arg24 : memref<!tpu.dma_semaphore, #tpu.memory_space<semaphore_mem>>) {add = true}
      %add3A_194 = arith.constant 5 : i32
      %add3A_195 = arith.addi %add3A_181, %add3A_194 : i32
      %sub3A_196 = arith.constant 1 : i32
      %sub3A_197 = arith.subi %add3A_195, %sub3A_196 : i32
      %lt3A_198 = arith.constant 80 : i32
      %lt3A_199 = arith.cmpi slt, %sub3A_197, %lt3A_198 : i32
      %convert_element_type3A_200 = arith.extui %lt3A_199 : i1 to i32
      %cond3A_201 = arith.constant 0 : i32
      %cond3A_202 = arith.cmpi ne, %convert_element_type3A_200, %cond3A_201 : i32
      scf.if %cond3A_202 {
        %ge3A = arith.constant 5 : i32
        %ge3A_203 = arith.cmpi sge, %sub3A_197, %ge3A : i32
        %convert_element_type3A_204 = arith.extui %ge3A_203 : i1 to i32
        %cond3A_205 = arith.constant 0 : i32
        %cond3A_206 = arith.cmpi ne, %convert_element_type3A_204, %cond3A_205 : i32
        scf.if %cond3A_206 {
          %sub3A_213 = arith.constant 5 : i32
          %sub3A_214 = arith.subi %sub3A_197, %sub3A_213 : i32
          %dma_wait3A_215 = arith.constant 0 : i32
          %dma_wait3A_216 = tpu.memref_slice %arg8[%sub3A_214, %dma_wait3A_215] : memref<80x128xi32, #tpu.memory_space<vmem>> -> memref<1x128xi32, #tpu.memory_space<vmem>>
          %dma_wait3A_217 = tpu.memref_squeeze %dma_wait3A_216 : memref<1x128xi32, #tpu.memory_space<vmem>> -> memref<128xi32, #tpu.memory_space<vmem>>
          %dma_wait3A_218 = arith.constant 0 : i32
          %dma_wait3A_219 = arith.constant 0 : i32
          %dma_wait3A_220 = tpu.memref_slice %arg14[%dma_wait3A_218, %dma_wait3A_219] : memref<10240x64xf32, #tpu.memory_space<vmem_shared>> -> memref<10240x64xf32, #tpu.memory_space<vmem_shared>>
          tpu.wait_indirect_dma semaphore(%arg23 : memref<!tpu.dma_semaphore, #tpu.memory_space<semaphore_mem>>) src(%arg12 : memref<128x64xf32, #tpu.memory_space<vmem>>) dst(%dma_wait3A_220 : memref<10240x64xf32, #tpu.memory_space<vmem_shared>>)
        } else {
        }
        %dma_start3A_207 = arith.constant 0 : i32
        %dma_start3A_208 = tpu.memref_slice %arg7[%sub3A_197, %dma_start3A_207] : memref<80x128xi32, #tpu.memory_space<vmem>> -> memref<1x128xi32, #tpu.memory_space<vmem>>
        %dma_start3A_209 = tpu.memref_squeeze %dma_start3A_208 : memref<1x128xi32, #tpu.memory_space<vmem>> -> memref<128xi32, #tpu.memory_space<vmem>>
        %dma_start3A_210 = arith.constant 0 : i32
        %dma_start3A_211 = arith.constant 0 : i32
        %dma_start3A_212 = tpu.memref_slice %arg2[%dma_start3A_210, %dma_start3A_211] : memref<10000x64xf32, #tpu.memory_space<hbm>> -> memref<10000x64xf32, #tpu.memory_space<hbm>>
        tpu.enqueue_indirect_dma source(%dma_start3A_212 : memref<10000x64xf32, #tpu.memory_space<hbm>>) target(%arg12 : memref<128x64xf32, #tpu.memory_space<vmem>>) offsets(%dma_start3A_209 : memref<128xi32, #tpu.memory_space<vmem>>) semaphore(%arg18 : memref<!tpu.dma_semaphore, #tpu.memory_space<semaphore_mem>>)
      } else {
      }
    }
    %scan3A_36 = arith.constant 16 : i32
    %dma_wait3A = arith.constant 75 : i32
    %dma_wait3A_37 = arith.constant 0 : i32
    %dma_wait3A_38 = tpu.memref_slice %arg8[%dma_wait3A, %dma_wait3A_37] : memref<80x128xi32, #tpu.memory_space<vmem>> -> memref<1x128xi32, #tpu.memory_space<vmem>>
    %dma_wait3A_39 = tpu.memref_squeeze %dma_wait3A_38 : memref<1x128xi32, #tpu.memory_space<vmem>> -> memref<128xi32, #tpu.memory_space<vmem>>
    %dma_wait3A_40 = arith.constant 0 : i32
    %dma_wait3A_41 = arith.constant 0 : i32
    %dma_wait3A_42 = tpu.memref_slice %arg14[%dma_wait3A_40, %dma_wait3A_41] : memref<10240x64xf32, #tpu.memory_space<vmem_shared>> -> memref<10240x64xf32, #tpu.memory_space<vmem_shared>>
    tpu.wait_indirect_dma semaphore(%arg20 : memref<!tpu.dma_semaphore, #tpu.memory_space<semaphore_mem>>) src(%arg9 : memref<128x64xf32, #tpu.memory_space<vmem>>) dst(%dma_wait3A_42 : memref<10240x64xf32, #tpu.memory_space<vmem_shared>>)
    %dma_wait3A_43 = arith.constant 76 : i32
    %dma_wait3A_44 = arith.constant 0 : i32
    %dma_wait3A_45 = tpu.memref_slice %arg8[%dma_wait3A_43, %dma_wait3A_44] : memref<80x128xi32, #tpu.memory_space<vmem>> -> memref<1x128xi32, #tpu.memory_space<vmem>>
    %dma_wait3A_46 = tpu.memref_squeeze %dma_wait3A_45 : memref<1x128xi32, #tpu.memory_space<vmem>> -> memref<128xi32, #tpu.memory_space<vmem>>
    %dma_wait3A_47 = arith.constant 0 : i32
    %dma_wait3A_48 = arith.constant 0 : i32
    %dma_wait3A_49 = tpu.memref_slice %arg14[%dma_wait3A_47, %dma_wait3A_48] : memref<10240x64xf32, #tpu.memory_space<vmem_shared>> -> memref<10240x64xf32, #tpu.memory_space<vmem_shared>>
    tpu.wait_indirect_dma semaphore(%arg21 : memref<!tpu.dma_semaphore, #tpu.memory_space<semaphore_mem>>) src(%arg10 : memref<128x64xf32, #tpu.memory_space<vmem>>) dst(%dma_wait3A_49 : memref<10240x64xf32, #tpu.memory_space<vmem_shared>>)
    %dma_wait3A_50 = arith.constant 77 : i32
    %dma_wait3A_51 = arith.constant 0 : i32
    %dma_wait3A_52 = tpu.memref_slice %arg8[%dma_wait3A_50, %dma_wait3A_51] : memref<80x128xi32, #tpu.memory_space<vmem>> -> memref<1x128xi32, #tpu.memory_space<vmem>>
    %dma_wait3A_53 = tpu.memref_squeeze %dma_wait3A_52 : memref<1x128xi32, #tpu.memory_space<vmem>> -> memref<128xi32, #tpu.memory_space<vmem>>
    %dma_wait3A_54 = arith.constant 0 : i32
    %dma_wait3A_55 = arith.constant 0 : i32
    %dma_wait3A_56 = tpu.memref_slice %arg14[%dma_wait3A_54, %dma_wait3A_55] : memref<10240x64xf32, #tpu.memory_space<vmem_shared>> -> memref<10240x64xf32, #tpu.memory_space<vmem_shared>>
    tpu.wait_indirect_dma semaphore(%arg22 : memref<!tpu.dma_semaphore, #tpu.memory_space<semaphore_mem>>) src(%arg11 : memref<128x64xf32, #tpu.memory_space<vmem>>) dst(%dma_wait3A_56 : memref<10240x64xf32, #tpu.memory_space<vmem_shared>>)
    %dma_wait3A_57 = arith.constant 78 : i32
    %dma_wait3A_58 = arith.constant 0 : i32
    %dma_wait3A_59 = tpu.memref_slice %arg8[%dma_wait3A_57, %dma_wait3A_58] : memref<80x128xi32, #tpu.memory_space<vmem>> -> memref<1x128xi32, #tpu.memory_space<vmem>>
    %dma_wait3A_60 = tpu.memref_squeeze %dma_wait3A_59 : memref<1x128xi32, #tpu.memory_space<vmem>> -> memref<128xi32, #tpu.memory_space<vmem>>
    %dma_wait3A_61 = arith.constant 0 : i32
    %dma_wait3A_62 = arith.constant 0 : i32
    %dma_wait3A_63 = tpu.memref_slice %arg14[%dma_wait3A_61, %dma_wait3A_62] : memref<10240x64xf32, #tpu.memory_space<vmem_shared>> -> memref<10240x64xf32, #tpu.memory_space<vmem_shared>>
    tpu.wait_indirect_dma semaphore(%arg23 : memref<!tpu.dma_semaphore, #tpu.memory_space<semaphore_mem>>) src(%arg12 : memref<128x64xf32, #tpu.memory_space<vmem>>) dst(%dma_wait3A_63 : memref<10240x64xf32, #tpu.memory_space<vmem_shared>>)
    %dma_wait3A_64 = arith.constant 79 : i32
    %dma_wait3A_65 = arith.constant 0 : i32
    %dma_wait3A_66 = tpu.memref_slice %arg8[%dma_wait3A_64, %dma_wait3A_65] : memref<80x128xi32, #tpu.memory_space<vmem>> -> memref<1x128xi32, #tpu.memory_space<vmem>>
    %dma_wait3A_67 = tpu.memref_squeeze %dma_wait3A_66 : memref<1x128xi32, #tpu.memory_space<vmem>> -> memref<128xi32, #tpu.memory_space<vmem>>
    %dma_wait3A_68 = arith.constant 0 : i32
    %dma_wait3A_69 = arith.constant 0 : i32
    %dma_wait3A_70 = tpu.memref_slice %arg14[%dma_wait3A_68, %dma_wait3A_69] : memref<10240x64xf32, #tpu.memory_space<vmem_shared>> -> memref<10240x64xf32, #tpu.memory_space<vmem_shared>>
    tpu.wait_indirect_dma semaphore(%arg24 : memref<!tpu.dma_semaphore, #tpu.memory_space<semaphore_mem>>) src(%arg13 : memref<128x64xf32, #tpu.memory_space<vmem>>) dst(%dma_wait3A_70 : memref<10240x64xf32, #tpu.memory_space<vmem_shared>>)
    %barrier3A_71 = arith.constant 0 : index
    tpu.barrier barrier_id(%barrier3A_71)
    %scan3A_72 = arith.constant 0 : i32
    %scan3A_73 = arith.constant 5 : i32
    %scan3A_74 = arith.addi %scan3A_72, %scan3A_73 : i32
    %scan3A_75 = arith.constant 1 : i32
    scf.for %scan3A_77 = %scan3A_72 to %scan3A_74 step %scan3A_75  : i32 {
      %mul3A_78 = arith.constant 1 : i32
      %mul3A_79 = arith.muli %scan3A_77, %mul3A_78 : i32
      %add3A_80 = arith.constant 0 : i32
      %add3A_81 = arith.addi %add3A_80, %mul3A_79 : i32
      %mul3A_82 = arith.constant 640 : i32
      %mul3A_83 = arith.muli %arg1, %mul3A_82 : i32
      %mul3A_84 = arith.constant 128 : i32
      %mul3A_85 = arith.muli %add3A_81, %mul3A_84 : i32
      %add3A_86 = arith.addi %mul3A_83, %mul3A_85 : i32
      "tpu.region"() ({
        %run_scoped3A = tpu.sem_alloc : memref<!tpu.dma_semaphore, #tpu.memory_space<semaphore_mem>>
        %dma_start3A_87 = arith.constant 0 : i32
        %dma_start3A_88 = tpu.memref_slice %arg14[%add3A_86, %dma_start3A_87] : memref<10240x64xf32, #tpu.memory_space<vmem_shared>> -> memref<128x64xf32, #tpu.memory_space<vmem_shared>>
        %dma_start3A_89 = arith.constant 0 : i32
        %dma_start3A_90 = tpu.memref_slice %arg14[%add3A_86, %dma_start3A_89] : memref<10240x64xf32, #tpu.memory_space<vmem_shared>> -> memref<128x64xf32, #tpu.memory_space<vmem_shared>>
        tpu.enqueue_dma source(%dma_start3A_90 : memref<128x64xf32, #tpu.memory_space<vmem_shared>>) target(%arg9 : memref<128x64xf32, #tpu.memory_space<vmem>>) target_semaphore(%run_scoped3A : memref<!tpu.dma_semaphore, #tpu.memory_space<semaphore_mem>>)
        %dma_wait3A_91 = arith.constant 0 : i32
        %dma_wait3A_92 = tpu.memref_slice %arg14[%add3A_86, %dma_wait3A_91] : memref<10240x64xf32, #tpu.memory_space<vmem_shared>> -> memref<128x64xf32, #tpu.memory_space<vmem_shared>>
        %dma_wait3A_93 = arith.constant 0 : i32
        %dma_wait3A_94 = tpu.memref_slice %arg14[%add3A_86, %dma_wait3A_93] : memref<10240x64xf32, #tpu.memory_space<vmem_shared>> -> memref<128x64xf32, #tpu.memory_space<vmem_shared>>
        tpu.wait_dma2 semaphore(%run_scoped3A : memref<!tpu.dma_semaphore, #tpu.memory_space<semaphore_mem>>) src(%dma_wait3A_94 : memref<128x64xf32, #tpu.memory_space<vmem_shared>>) dst(%arg9 : memref<128x64xf32, #tpu.memory_space<vmem>>)
        tpu.yield
      }) : () -> ()
      "tpu.region"() ({
        %run_scoped3A = tpu.sem_alloc : memref<!tpu.dma_semaphore, #tpu.memory_space<semaphore_mem>>
        %dma_start3A_87 = arith.constant 0 : i32
        %dma_start3A_88 = tpu.memref_slice %arg6[%arg0, %add3A_86, %dma_start3A_87] : memref<2x10240x64xf32, #tpu.memory_space<hbm>> -> memref<1x128x64xf32, #tpu.memory_space<hbm>>
        %dma_start3A_89 = tpu.memref_squeeze %dma_start3A_88 : memref<1x128x64xf32, #tpu.memory_space<hbm>> -> memref<128x64xf32, #tpu.memory_space<hbm>>
        %dma_start3A_90 = arith.constant 0 : i32
        %dma_start3A_91 = tpu.memref_slice %arg6[%arg0, %add3A_86, %dma_start3A_90] : memref<2x10240x64xf32, #tpu.memory_space<hbm>> -> memref<1x128x64xf32, #tpu.memory_space<hbm>>
        %dma_start3A_92 = tpu.memref_squeeze %dma_start3A_91 : memref<1x128x64xf32, #tpu.memory_space<hbm>> -> memref<128x64xf32, #tpu.memory_space<hbm>>
        tpu.enqueue_dma source(%arg9 : memref<128x64xf32, #tpu.memory_space<vmem>>) target(%dma_start3A_92 : memref<128x64xf32, #tpu.memory_space<hbm>>) target_semaphore(%run_scoped3A : memref<!tpu.dma_semaphore, #tpu.memory_space<semaphore_mem>>)
        %dma_wait3A_93 = arith.constant 0 : i32
        %dma_wait3A_94 = tpu.memref_slice %arg6[%arg0, %add3A_86, %dma_wait3A_93] : memref<2x10240x64xf32, #tpu.memory_space<hbm>> -> memref<1x128x64xf32, #tpu.memory_space<hbm>>
        %dma_wait3A_95 = tpu.memref_squeeze %dma_wait3A_94 : memref<1x128x64xf32, #tpu.memory_space<hbm>> -> memref<128x64xf32, #tpu.memory_space<hbm>>
        %dma_wait3A_96 = arith.constant 0 : i32
        %dma_wait3A_97 = tpu.memref_slice %arg6[%arg0, %add3A_86, %dma_wait3A_96] : memref<2x10240x64xf32, #tpu.memory_space<hbm>> -> memref<1x128x64xf32, #tpu.memory_space<hbm>>
        %dma_wait3A_98 = tpu.memref_squeeze %dma_wait3A_97 : memref<1x128x64xf32, #tpu.memory_space<hbm>> -> memref<128x64xf32, #tpu.memory_space<hbm>>
        tpu.wait_dma2 semaphore(%run_scoped3A : memref<!tpu.dma_semaphore, #tpu.memory_space<semaphore_mem>>) src(%arg9 : memref<128x64xf32, #tpu.memory_space<vmem>>) dst(%dma_wait3A_98 : memref<128x64xf32, #tpu.memory_space<hbm>>)
        tpu.yield
      }) : () -> ()
    }
    %scan3A_76 = arith.constant 5 : i32
    return
  }
}

#map = affine_map<(d0, d1) -> (0, 0)>
#map1 = affine_map<(d0, d1) -> (0, 0, 0)>
module attributes {stable_mosaic.version = 14 : i64} {
  func.func @sc_segsum(%arg0: i32, %arg1: i32, %arg2: memref<10000x80xf32, #tpu.memory_space<hbm>>, %arg3: memref<32x80x128xi32, #tpu.memory_space<hbm>>, %arg4: memref<32x80x128xi32, #tpu.memory_space<hbm>>, %arg5: memref<128x80xf32, #tpu.memory_space<hbm>>, %arg6: memref<2x10240x80xf32, #tpu.memory_space<hbm>>, %arg7: memref<80x128xi32, #tpu.memory_space<vmem>>, %arg8: memref<80x128xi32, #tpu.memory_space<vmem>>, %arg9: memref<128x80xf32, #tpu.memory_space<vmem>>, %arg10: memref<128x80xf32, #tpu.memory_space<vmem>>, %arg11: memref<128x80xf32, #tpu.memory_space<vmem>>, %arg12: memref<128x80xf32, #tpu.memory_space<vmem>>, %arg13: memref<128x80xf32, #tpu.memory_space<vmem>>, %arg14: memref<10240x80xf32, #tpu.memory_space<vmem_shared>>, %arg15: memref<!tpu.dma_semaphore, #tpu.memory_space<semaphore_mem>>, %arg16: memref<!tpu.dma_semaphore, #tpu.memory_space<semaphore_mem>>, %arg17: memref<!tpu.dma_semaphore, #tpu.memory_space<semaphore_mem>>, %arg18: memref<!tpu.dma_semaphore, #tpu.memory_space<semaphore_mem>>, %arg19: memref<!tpu.dma_semaphore, #tpu.memory_space<semaphore_mem>>, %arg20: memref<!tpu.dma_semaphore, #tpu.memory_space<semaphore_mem>>, %arg21: memref<!tpu.dma_semaphore, #tpu.memory_space<semaphore_mem>>, %arg22: memref<!tpu.dma_semaphore, #tpu.memory_space<semaphore_mem>>, %arg23: memref<!tpu.dma_semaphore, #tpu.memory_space<semaphore_mem>>, %arg24: memref<!tpu.dma_semaphore, #tpu.memory_space<semaphore_mem>>) attributes {dimension_semantics = [#tpu.dimension_semantics<core_parallel>, #tpu.dimension_semantics<subcore_parallel>], iteration_bounds = array<i64: 2, 16>, scalar_prefetch = 0 : i64, scratch_operands = 18 : i64, tpu.core_type = #tpu.core_type<sc_vector_subcore>, window_params = [{transform_indices = #map}, {transform_indices = #map1}, {transform_indices = #map1}, {transform_indices = #map}, {transform_indices = #map1}]} {
    %mul3A = arith.constant 2 : i32
    %mul3A_0 = arith.muli %arg1, %mul3A : i32
    %add3A = arith.addi %mul3A_0, %arg0 : i32
    "tpu.region"() ({
      %run_scoped3A = tpu.sem_alloc : memref<!tpu.dma_semaphore, #tpu.memory_space<semaphore_mem>>
      tpu.enqueue_dma source(%arg5 : memref<128x80xf32, #tpu.memory_space<hbm>>) target(%arg9 : memref<128x80xf32, #tpu.memory_space<vmem>>) target_semaphore(%run_scoped3A : memref<!tpu.dma_semaphore, #tpu.memory_space<semaphore_mem>>)
      tpu.wait_dma2 semaphore(%run_scoped3A : memref<!tpu.dma_semaphore, #tpu.memory_space<semaphore_mem>>) src(%arg5 : memref<128x80xf32, #tpu.memory_space<hbm>>) dst(%arg9 : memref<128x80xf32, #tpu.memory_space<vmem>>)
      tpu.yield
    }) : () -> ()
    %scan3A = arith.constant 0 : i32
    %scan3A_1 = arith.constant 5 : i32
    %scan3A_2 = arith.addi %scan3A, %scan3A_1 : i32
    %scan3A_3 = arith.constant 1 : i32
    scf.for %scan3A_77 = %scan3A to %scan3A_2 step %scan3A_3  : i32 {
      %mul3A_78 = arith.constant 1 : i32
      %mul3A_79 = arith.muli %scan3A_77, %mul3A_78 : i32
      %add3A_80 = arith.constant 0 : i32
      %add3A_81 = arith.addi %add3A_80, %mul3A_79 : i32
      %mul3A_82 = arith.constant 640 : i32
      %mul3A_83 = arith.muli %arg1, %mul3A_82 : i32
      %mul3A_84 = arith.constant 128 : i32
      %mul3A_85 = arith.muli %add3A_81, %mul3A_84 : i32
      %add3A_86 = arith.addi %mul3A_83, %mul3A_85 : i32
      "tpu.region"() ({
        %run_scoped3A = tpu.sem_alloc : memref<!tpu.dma_semaphore, #tpu.memory_space<semaphore_mem>>
        %dma_start3A_87 = arith.constant 0 : i32
        %dma_start3A_88 = tpu.memref_slice %arg14[%add3A_86, %dma_start3A_87] : memref<10240x80xf32, #tpu.memory_space<vmem_shared>> -> memref<128x80xf32, #tpu.memory_space<vmem_shared>>
        %dma_start3A_89 = arith.constant 0 : i32
        %dma_start3A_90 = tpu.memref_slice %arg14[%add3A_86, %dma_start3A_89] : memref<10240x80xf32, #tpu.memory_space<vmem_shared>> -> memref<128x80xf32, #tpu.memory_space<vmem_shared>>
        tpu.enqueue_dma source(%arg9 : memref<128x80xf32, #tpu.memory_space<vmem>>) target(%dma_start3A_90 : memref<128x80xf32, #tpu.memory_space<vmem_shared>>) target_semaphore(%run_scoped3A : memref<!tpu.dma_semaphore, #tpu.memory_space<semaphore_mem>>)
        %dma_wait3A_91 = arith.constant 0 : i32
        %dma_wait3A_92 = tpu.memref_slice %arg14[%add3A_86, %dma_wait3A_91] : memref<10240x80xf32, #tpu.memory_space<vmem_shared>> -> memref<128x80xf32, #tpu.memory_space<vmem_shared>>
        %dma_wait3A_93 = arith.constant 0 : i32
        %dma_wait3A_94 = tpu.memref_slice %arg14[%add3A_86, %dma_wait3A_93] : memref<10240x80xf32, #tpu.memory_space<vmem_shared>> -> memref<128x80xf32, #tpu.memory_space<vmem_shared>>
        tpu.wait_dma2 semaphore(%run_scoped3A : memref<!tpu.dma_semaphore, #tpu.memory_space<semaphore_mem>>) src(%arg9 : memref<128x80xf32, #tpu.memory_space<vmem>>) dst(%dma_wait3A_94 : memref<128x80xf32, #tpu.memory_space<vmem_shared>>)
        tpu.yield
      }) : () -> ()
    }
    %scan3A_4 = arith.constant 5 : i32
    "tpu.region"() ({
      %run_scoped3A = tpu.sem_alloc : memref<!tpu.dma_semaphore, #tpu.memory_space<semaphore_mem>>
      %dma_start3A_77 = arith.constant 0 : i32
      %dma_start3A_78 = arith.constant 0 : i32
      %dma_start3A_79 = tpu.memref_slice %arg3[%add3A, %dma_start3A_77, %dma_start3A_78] : memref<32x80x128xi32, #tpu.memory_space<hbm>> -> memref<1x80x128xi32, #tpu.memory_space<hbm>>
      %dma_start3A_80 = tpu.memref_squeeze %dma_start3A_79 : memref<1x80x128xi32, #tpu.memory_space<hbm>> -> memref<80x128xi32, #tpu.memory_space<hbm>>
      %dma_start3A_81 = arith.constant 0 : i32
      %dma_start3A_82 = arith.constant 0 : i32
      %dma_start3A_83 = tpu.memref_slice %arg3[%add3A, %dma_start3A_81, %dma_start3A_82] : memref<32x80x128xi32, #tpu.memory_space<hbm>> -> memref<1x80x128xi32, #tpu.memory_space<hbm>>
      %dma_start3A_84 = tpu.memref_squeeze %dma_start3A_83 : memref<1x80x128xi32, #tpu.memory_space<hbm>> -> memref<80x128xi32, #tpu.memory_space<hbm>>
      tpu.enqueue_dma source(%dma_start3A_84 : memref<80x128xi32, #tpu.memory_space<hbm>>) target(%arg7 : memref<80x128xi32, #tpu.memory_space<vmem>>) target_semaphore(%run_scoped3A : memref<!tpu.dma_semaphore, #tpu.memory_space<semaphore_mem>>)
      %dma_wait3A_85 = arith.constant 0 : i32
      %dma_wait3A_86 = arith.constant 0 : i32
      %dma_wait3A_87 = tpu.memref_slice %arg3[%add3A, %dma_wait3A_85, %dma_wait3A_86] : memref<32x80x128xi32, #tpu.memory_space<hbm>> -> memref<1x80x128xi32, #tpu.memory_space<hbm>>
      %dma_wait3A_88 = tpu.memref_squeeze %dma_wait3A_87 : memref<1x80x128xi32, #tpu.memory_space<hbm>> -> memref<80x128xi32, #tpu.memory_space<hbm>>
      %dma_wait3A_89 = arith.constant 0 : i32
      %dma_wait3A_90 = arith.constant 0 : i32
      %dma_wait3A_91 = tpu.memref_slice %arg3[%add3A, %dma_wait3A_89, %dma_wait3A_90] : memref<32x80x128xi32, #tpu.memory_space<hbm>> -> memref<1x80x128xi32, #tpu.memory_space<hbm>>
      %dma_wait3A_92 = tpu.memref_squeeze %dma_wait3A_91 : memref<1x80x128xi32, #tpu.memory_space<hbm>> -> memref<80x128xi32, #tpu.memory_space<hbm>>
      tpu.wait_dma2 semaphore(%run_scoped3A : memref<!tpu.dma_semaphore, #tpu.memory_space<semaphore_mem>>) src(%dma_wait3A_92 : memref<80x128xi32, #tpu.memory_space<hbm>>) dst(%arg7 : memref<80x128xi32, #tpu.memory_space<vmem>>)
      tpu.yield
    }) : () -> ()
    "tpu.region"() ({
      %run_scoped3A = tpu.sem_alloc : memref<!tpu.dma_semaphore, #tpu.memory_space<semaphore_mem>>
      %dma_start3A_77 = arith.constant 0 : i32
      %dma_start3A_78 = arith.constant 0 : i32
      %dma_start3A_79 = tpu.memref_slice %arg4[%add3A, %dma_start3A_77, %dma_start3A_78] : memref<32x80x128xi32, #tpu.memory_space<hbm>> -> memref<1x80x128xi32, #tpu.memory_space<hbm>>
      %dma_start3A_80 = tpu.memref_squeeze %dma_start3A_79 : memref<1x80x128xi32, #tpu.memory_space<hbm>> -> memref<80x128xi32, #tpu.memory_space<hbm>>
      %dma_start3A_81 = arith.constant 0 : i32
      %dma_start3A_82 = arith.constant 0 : i32
      %dma_start3A_83 = tpu.memref_slice %arg4[%add3A, %dma_start3A_81, %dma_start3A_82] : memref<32x80x128xi32, #tpu.memory_space<hbm>> -> memref<1x80x128xi32, #tpu.memory_space<hbm>>
      %dma_start3A_84 = tpu.memref_squeeze %dma_start3A_83 : memref<1x80x128xi32, #tpu.memory_space<hbm>> -> memref<80x128xi32, #tpu.memory_space<hbm>>
      tpu.enqueue_dma source(%dma_start3A_84 : memref<80x128xi32, #tpu.memory_space<hbm>>) target(%arg8 : memref<80x128xi32, #tpu.memory_space<vmem>>) target_semaphore(%run_scoped3A : memref<!tpu.dma_semaphore, #tpu.memory_space<semaphore_mem>>)
      %dma_wait3A_85 = arith.constant 0 : i32
      %dma_wait3A_86 = arith.constant 0 : i32
      %dma_wait3A_87 = tpu.memref_slice %arg4[%add3A, %dma_wait3A_85, %dma_wait3A_86] : memref<32x80x128xi32, #tpu.memory_space<hbm>> -> memref<1x80x128xi32, #tpu.memory_space<hbm>>
      %dma_wait3A_88 = tpu.memref_squeeze %dma_wait3A_87 : memref<1x80x128xi32, #tpu.memory_space<hbm>> -> memref<80x128xi32, #tpu.memory_space<hbm>>
      %dma_wait3A_89 = arith.constant 0 : i32
      %dma_wait3A_90 = arith.constant 0 : i32
      %dma_wait3A_91 = tpu.memref_slice %arg4[%add3A, %dma_wait3A_89, %dma_wait3A_90] : memref<32x80x128xi32, #tpu.memory_space<hbm>> -> memref<1x80x128xi32, #tpu.memory_space<hbm>>
      %dma_wait3A_92 = tpu.memref_squeeze %dma_wait3A_91 : memref<1x80x128xi32, #tpu.memory_space<hbm>> -> memref<80x128xi32, #tpu.memory_space<hbm>>
      tpu.wait_dma2 semaphore(%run_scoped3A : memref<!tpu.dma_semaphore, #tpu.memory_space<semaphore_mem>>) src(%dma_wait3A_92 : memref<80x128xi32, #tpu.memory_space<hbm>>) dst(%arg8 : memref<80x128xi32, #tpu.memory_space<vmem>>)
      tpu.yield
    }) : () -> ()
    %barrier3A = arith.constant 0 : index
    tpu.barrier barrier_id(%barrier3A)
    %dma_start3A = arith.constant 0 : i32
    %dma_start3A_5 = arith.constant 0 : i32
    %dma_start3A_6 = tpu.memref_slice %arg7[%dma_start3A, %dma_start3A_5] : memref<80x128xi32, #tpu.memory_space<vmem>> -> memref<1x128xi32, #tpu.memory_space<vmem>>
    %dma_start3A_7 = tpu.memref_squeeze %dma_start3A_6 : memref<1x128xi32, #tpu.memory_space<vmem>> -> memref<128xi32, #tpu.memory_space<vmem>>
    %dma_start3A_8 = arith.constant 0 : i32
    %dma_start3A_9 = arith.constant 0 : i32
    %dma_start3A_10 = tpu.memref_slice %arg2[%dma_start3A_8, %dma_start3A_9] : memref<10000x80xf32, #tpu.memory_space<hbm>> -> memref<10000x80xf32, #tpu.memory_space<hbm>>
    tpu.enqueue_indirect_dma source(%dma_start3A_10 : memref<10000x80xf32, #tpu.memory_space<hbm>>) target(%arg9 : memref<128x80xf32, #tpu.memory_space<vmem>>) offsets(%dma_start3A_7 : memref<128xi32, #tpu.memory_space<vmem>>) semaphore(%arg15 : memref<!tpu.dma_semaphore, #tpu.memory_space<semaphore_mem>>)
    %dma_start3A_11 = arith.constant 1 : i32
    %dma_start3A_12 = arith.constant 0 : i32
    %dma_start3A_13 = tpu.memref_slice %arg7[%dma_start3A_11, %dma_start3A_12] : memref<80x128xi32, #tpu.memory_space<vmem>> -> memref<1x128xi32, #tpu.memory_space<vmem>>
    %dma_start3A_14 = tpu.memref_squeeze %dma_start3A_13 : memref<1x128xi32, #tpu.memory_space<vmem>> -> memref<128xi32, #tpu.memory_space<vmem>>
    %dma_start3A_15 = arith.constant 0 : i32
    %dma_start3A_16 = arith.constant 0 : i32
    %dma_start3A_17 = tpu.memref_slice %arg2[%dma_start3A_15, %dma_start3A_16] : memref<10000x80xf32, #tpu.memory_space<hbm>> -> memref<10000x80xf32, #tpu.memory_space<hbm>>
    tpu.enqueue_indirect_dma source(%dma_start3A_17 : memref<10000x80xf32, #tpu.memory_space<hbm>>) target(%arg10 : memref<128x80xf32, #tpu.memory_space<vmem>>) offsets(%dma_start3A_14 : memref<128xi32, #tpu.memory_space<vmem>>) semaphore(%arg16 : memref<!tpu.dma_semaphore, #tpu.memory_space<semaphore_mem>>)
    %dma_start3A_18 = arith.constant 2 : i32
    %dma_start3A_19 = arith.constant 0 : i32
    %dma_start3A_20 = tpu.memref_slice %arg7[%dma_start3A_18, %dma_start3A_19] : memref<80x128xi32, #tpu.memory_space<vmem>> -> memref<1x128xi32, #tpu.memory_space<vmem>>
    %dma_start3A_21 = tpu.memref_squeeze %dma_start3A_20 : memref<1x128xi32, #tpu.memory_space<vmem>> -> memref<128xi32, #tpu.memory_space<vmem>>
    %dma_start3A_22 = arith.constant 0 : i32
    %dma_start3A_23 = arith.constant 0 : i32
    %dma_start3A_24 = tpu.memref_slice %arg2[%dma_start3A_22, %dma_start3A_23] : memref<10000x80xf32, #tpu.memory_space<hbm>> -> memref<10000x80xf32, #tpu.memory_space<hbm>>
    tpu.enqueue_indirect_dma source(%dma_start3A_24 : memref<10000x80xf32, #tpu.memory_space<hbm>>) target(%arg11 : memref<128x80xf32, #tpu.memory_space<vmem>>) offsets(%dma_start3A_21 : memref<128xi32, #tpu.memory_space<vmem>>) semaphore(%arg17 : memref<!tpu.dma_semaphore, #tpu.memory_space<semaphore_mem>>)
    %dma_start3A_25 = arith.constant 3 : i32
    %dma_start3A_26 = arith.constant 0 : i32
    %dma_start3A_27 = tpu.memref_slice %arg7[%dma_start3A_25, %dma_start3A_26] : memref<80x128xi32, #tpu.memory_space<vmem>> -> memref<1x128xi32, #tpu.memory_space<vmem>>
    %dma_start3A_28 = tpu.memref_squeeze %dma_start3A_27 : memref<1x128xi32, #tpu.memory_space<vmem>> -> memref<128xi32, #tpu.memory_space<vmem>>
    %dma_start3A_29 = arith.constant 0 : i32
    %dma_start3A_30 = arith.constant 0 : i32
    %dma_start3A_31 = tpu.memref_slice %arg2[%dma_start3A_29, %dma_start3A_30] : memref<10000x80xf32, #tpu.memory_space<hbm>> -> memref<10000x80xf32, #tpu.memory_space<hbm>>
    tpu.enqueue_indirect_dma source(%dma_start3A_31 : memref<10000x80xf32, #tpu.memory_space<hbm>>) target(%arg12 : memref<128x80xf32, #tpu.memory_space<vmem>>) offsets(%dma_start3A_28 : memref<128xi32, #tpu.memory_space<vmem>>) semaphore(%arg18 : memref<!tpu.dma_semaphore, #tpu.memory_space<semaphore_mem>>)
    %scan3A_32 = arith.constant 0 : i32
    %scan3A_33 = arith.constant 16 : i32
    %scan3A_34 = arith.addi %scan3A_32, %scan3A_33 : i32
    %scan3A_35 = arith.constant 1 : i32
    scf.for %scan3A_77 = %scan3A_32 to %scan3A_34 step %scan3A_35  : i32 {
      %mul3A_78 = arith.constant 1 : i32
      %mul3A_79 = arith.muli %scan3A_77, %mul3A_78 : i32
      %add3A_80 = arith.constant 0 : i32
      %add3A_81 = arith.addi %add3A_80, %mul3A_79 : i32
      %mul3A_82 = arith.constant 5 : i32
      %mul3A_83 = arith.muli %mul3A_82, %add3A_81 : i32
      %add3A_84 = arith.constant 0 : i32
      %add3A_85 = arith.addi %mul3A_83, %add3A_84 : i32
      %dma_wait3A_86 = arith.constant 0 : i32
      %dma_wait3A_87 = tpu.memref_slice %arg7[%add3A_85, %dma_wait3A_86] : memref<80x128xi32, #tpu.memory_space<vmem>> -> memref<1x128xi32, #tpu.memory_space<vmem>>
      %dma_wait3A_88 = tpu.memref_squeeze %dma_wait3A_87 : memref<1x128xi32, #tpu.memory_space<vmem>> -> memref<128xi32, #tpu.memory_space<vmem>>
      %dma_wait3A_89 = arith.constant 0 : i32
      %dma_wait3A_90 = arith.constant 0 : i32
      %dma_wait3A_91 = tpu.memref_slice %arg2[%dma_wait3A_89, %dma_wait3A_90] : memref<10000x80xf32, #tpu.memory_space<hbm>> -> memref<10000x80xf32, #tpu.memory_space<hbm>>
      tpu.wait_indirect_dma semaphore(%arg15 : memref<!tpu.dma_semaphore, #tpu.memory_space<semaphore_mem>>) src(%dma_wait3A_91 : memref<10000x80xf32, #tpu.memory_space<hbm>>) dst(%arg9 : memref<128x80xf32, #tpu.memory_space<vmem>>)
      %dma_start3A_92 = arith.constant 0 : i32
      %dma_start3A_93 = tpu.memref_slice %arg8[%add3A_85, %dma_start3A_92] : memref<80x128xi32, #tpu.memory_space<vmem>> -> memref<1x128xi32, #tpu.memory_space<vmem>>
      %dma_start3A_94 = tpu.memref_squeeze %dma_start3A_93 : memref<1x128xi32, #tpu.memory_space<vmem>> -> memref<128xi32, #tpu.memory_space<vmem>>
      %dma_start3A_95 = arith.constant 0 : i32
      %dma_start3A_96 = arith.constant 0 : i32
      %dma_start3A_97 = tpu.memref_slice %arg14[%dma_start3A_95, %dma_start3A_96] : memref<10240x80xf32, #tpu.memory_space<vmem_shared>> -> memref<10240x80xf32, #tpu.memory_space<vmem_shared>>
      tpu.enqueue_indirect_dma source(%arg9 : memref<128x80xf32, #tpu.memory_space<vmem>>) target(%dma_start3A_97 : memref<10240x80xf32, #tpu.memory_space<vmem_shared>>) offsets(%dma_start3A_94 : memref<128xi32, #tpu.memory_space<vmem>>) semaphore(%arg20 : memref<!tpu.dma_semaphore, #tpu.memory_space<semaphore_mem>>) {add = true}
      %add3A_98 = arith.constant 5 : i32
      %add3A_99 = arith.addi %add3A_85, %add3A_98 : i32
      %sub3A = arith.constant 1 : i32
      %sub3A_100 = arith.subi %add3A_99, %sub3A : i32
      %lt3A = arith.constant 80 : i32
      %lt3A_101 = arith.cmpi slt, %sub3A_100, %lt3A : i32
      %convert_element_type3A = arith.extui %lt3A_101 : i1 to i32
      %cond3A = arith.constant 0 : i32
      %cond3A_102 = arith.cmpi ne, %convert_element_type3A, %cond3A : i32
      scf.if %cond3A_102 {
        %ge3A = arith.constant 5 : i32
        %ge3A_203 = arith.cmpi sge, %sub3A_100, %ge3A : i32
        %convert_element_type3A_204 = arith.extui %ge3A_203 : i1 to i32
        %cond3A_205 = arith.constant 0 : i32
        %cond3A_206 = arith.cmpi ne, %convert_element_type3A_204, %cond3A_205 : i32
        scf.if %cond3A_206 {
          %sub3A_213 = arith.constant 5 : i32
          %sub3A_214 = arith.subi %sub3A_100, %sub3A_213 : i32
          %dma_wait3A_215 = arith.constant 0 : i32
          %dma_wait3A_216 = tpu.memref_slice %arg8[%sub3A_214, %dma_wait3A_215] : memref<80x128xi32, #tpu.memory_space<vmem>> -> memref<1x128xi32, #tpu.memory_space<vmem>>
          %dma_wait3A_217 = tpu.memref_squeeze %dma_wait3A_216 : memref<1x128xi32, #tpu.memory_space<vmem>> -> memref<128xi32, #tpu.memory_space<vmem>>
          %dma_wait3A_218 = arith.constant 0 : i32
          %dma_wait3A_219 = arith.constant 0 : i32
          %dma_wait3A_220 = tpu.memref_slice %arg14[%dma_wait3A_218, %dma_wait3A_219] : memref<10240x80xf32, #tpu.memory_space<vmem_shared>> -> memref<10240x80xf32, #tpu.memory_space<vmem_shared>>
          tpu.wait_indirect_dma semaphore(%arg24 : memref<!tpu.dma_semaphore, #tpu.memory_space<semaphore_mem>>) src(%arg13 : memref<128x80xf32, #tpu.memory_space<vmem>>) dst(%dma_wait3A_220 : memref<10240x80xf32, #tpu.memory_space<vmem_shared>>)
        } else {
        }
        %dma_start3A_207 = arith.constant 0 : i32
        %dma_start3A_208 = tpu.memref_slice %arg7[%sub3A_100, %dma_start3A_207] : memref<80x128xi32, #tpu.memory_space<vmem>> -> memref<1x128xi32, #tpu.memory_space<vmem>>
        %dma_start3A_209 = tpu.memref_squeeze %dma_start3A_208 : memref<1x128xi32, #tpu.memory_space<vmem>> -> memref<128xi32, #tpu.memory_space<vmem>>
        %dma_start3A_210 = arith.constant 0 : i32
        %dma_start3A_211 = arith.constant 0 : i32
        %dma_start3A_212 = tpu.memref_slice %arg2[%dma_start3A_210, %dma_start3A_211] : memref<10000x80xf32, #tpu.memory_space<hbm>> -> memref<10000x80xf32, #tpu.memory_space<hbm>>
        tpu.enqueue_indirect_dma source(%dma_start3A_212 : memref<10000x80xf32, #tpu.memory_space<hbm>>) target(%arg13 : memref<128x80xf32, #tpu.memory_space<vmem>>) offsets(%dma_start3A_209 : memref<128xi32, #tpu.memory_space<vmem>>) semaphore(%arg19 : memref<!tpu.dma_semaphore, #tpu.memory_space<semaphore_mem>>)
      } else {
      }
      %mul3A_103 = arith.constant 5 : i32
      %mul3A_104 = arith.muli %mul3A_103, %add3A_81 : i32
      %add3A_105 = arith.constant 1 : i32
      %add3A_106 = arith.addi %mul3A_104, %add3A_105 : i32
      %dma_wait3A_107 = arith.constant 0 : i32
      %dma_wait3A_108 = tpu.memref_slice %arg7[%add3A_106, %dma_wait3A_107] : memref<80x128xi32, #tpu.memory_space<vmem>> -> memref<1x128xi32, #tpu.memory_space<vmem>>
      %dma_wait3A_109 = tpu.memref_squeeze %dma_wait3A_108 : memref<1x128xi32, #tpu.memory_space<vmem>> -> memref<128xi32, #tpu.memory_space<vmem>>
      %dma_wait3A_110 = arith.constant 0 : i32
      %dma_wait3A_111 = arith.constant 0 : i32
      %dma_wait3A_112 = tpu.memref_slice %arg2[%dma_wait3A_110, %dma_wait3A_111] : memref<10000x80xf32, #tpu.memory_space<hbm>> -> memref<10000x80xf32, #tpu.memory_space<hbm>>
      tpu.wait_indirect_dma semaphore(%arg16 : memref<!tpu.dma_semaphore, #tpu.memory_space<semaphore_mem>>) src(%dma_wait3A_112 : memref<10000x80xf32, #tpu.memory_space<hbm>>) dst(%arg10 : memref<128x80xf32, #tpu.memory_space<vmem>>)
      %dma_start3A_113 = arith.constant 0 : i32
      %dma_start3A_114 = tpu.memref_slice %arg8[%add3A_106, %dma_start3A_113] : memref<80x128xi32, #tpu.memory_space<vmem>> -> memref<1x128xi32, #tpu.memory_space<vmem>>
      %dma_start3A_115 = tpu.memref_squeeze %dma_start3A_114 : memref<1x128xi32, #tpu.memory_space<vmem>> -> memref<128xi32, #tpu.memory_space<vmem>>
      %dma_start3A_116 = arith.constant 0 : i32
      %dma_start3A_117 = arith.constant 0 : i32
      %dma_start3A_118 = tpu.memref_slice %arg14[%dma_start3A_116, %dma_start3A_117] : memref<10240x80xf32, #tpu.memory_space<vmem_shared>> -> memref<10240x80xf32, #tpu.memory_space<vmem_shared>>
      tpu.enqueue_indirect_dma source(%arg10 : memref<128x80xf32, #tpu.memory_space<vmem>>) target(%dma_start3A_118 : memref<10240x80xf32, #tpu.memory_space<vmem_shared>>) offsets(%dma_start3A_115 : memref<128xi32, #tpu.memory_space<vmem>>) semaphore(%arg21 : memref<!tpu.dma_semaphore, #tpu.memory_space<semaphore_mem>>) {add = true}
      %add3A_119 = arith.constant 5 : i32
      %add3A_120 = arith.addi %add3A_106, %add3A_119 : i32
      %sub3A_121 = arith.constant 1 : i32
      %sub3A_122 = arith.subi %add3A_120, %sub3A_121 : i32
      %lt3A_123 = arith.constant 80 : i32
      %lt3A_124 = arith.cmpi slt, %sub3A_122, %lt3A_123 : i32
      %convert_element_type3A_125 = arith.extui %lt3A_124 : i1 to i32
      %cond3A_126 = arith.constant 0 : i32
      %cond3A_127 = arith.cmpi ne, %convert_element_type3A_125, %cond3A_126 : i32
      scf.if %cond3A_127 {
        %ge3A = arith.constant 5 : i32
        %ge3A_203 = arith.cmpi sge, %sub3A_122, %ge3A : i32
        %convert_element_type3A_204 = arith.extui %ge3A_203 : i1 to i32
        %cond3A_205 = arith.constant 0 : i32
        %cond3A_206 = arith.cmpi ne, %convert_element_type3A_204, %cond3A_205 : i32
        scf.if %cond3A_206 {
          %sub3A_213 = arith.constant 5 : i32
          %sub3A_214 = arith.subi %sub3A_122, %sub3A_213 : i32
          %dma_wait3A_215 = arith.constant 0 : i32
          %dma_wait3A_216 = tpu.memref_slice %arg8[%sub3A_214, %dma_wait3A_215] : memref<80x128xi32, #tpu.memory_space<vmem>> -> memref<1x128xi32, #tpu.memory_space<vmem>>
          %dma_wait3A_217 = tpu.memref_squeeze %dma_wait3A_216 : memref<1x128xi32, #tpu.memory_space<vmem>> -> memref<128xi32, #tpu.memory_space<vmem>>
          %dma_wait3A_218 = arith.constant 0 : i32
          %dma_wait3A_219 = arith.constant 0 : i32
          %dma_wait3A_220 = tpu.memref_slice %arg14[%dma_wait3A_218, %dma_wait3A_219] : memref<10240x80xf32, #tpu.memory_space<vmem_shared>> -> memref<10240x80xf32, #tpu.memory_space<vmem_shared>>
          tpu.wait_indirect_dma semaphore(%arg20 : memref<!tpu.dma_semaphore, #tpu.memory_space<semaphore_mem>>) src(%arg9 : memref<128x80xf32, #tpu.memory_space<vmem>>) dst(%dma_wait3A_220 : memref<10240x80xf32, #tpu.memory_space<vmem_shared>>)
        } else {
        }
        %dma_start3A_207 = arith.constant 0 : i32
        %dma_start3A_208 = tpu.memref_slice %arg7[%sub3A_122, %dma_start3A_207] : memref<80x128xi32, #tpu.memory_space<vmem>> -> memref<1x128xi32, #tpu.memory_space<vmem>>
        %dma_start3A_209 = tpu.memref_squeeze %dma_start3A_208 : memref<1x128xi32, #tpu.memory_space<vmem>> -> memref<128xi32, #tpu.memory_space<vmem>>
        %dma_start3A_210 = arith.constant 0 : i32
        %dma_start3A_211 = arith.constant 0 : i32
        %dma_start3A_212 = tpu.memref_slice %arg2[%dma_start3A_210, %dma_start3A_211] : memref<10000x80xf32, #tpu.memory_space<hbm>> -> memref<10000x80xf32, #tpu.memory_space<hbm>>
        tpu.enqueue_indirect_dma source(%dma_start3A_212 : memref<10000x80xf32, #tpu.memory_space<hbm>>) target(%arg9 : memref<128x80xf32, #tpu.memory_space<vmem>>) offsets(%dma_start3A_209 : memref<128xi32, #tpu.memory_space<vmem>>) semaphore(%arg15 : memref<!tpu.dma_semaphore, #tpu.memory_space<semaphore_mem>>)
      } else {
      }
      %mul3A_128 = arith.constant 5 : i32
      %mul3A_129 = arith.muli %mul3A_128, %add3A_81 : i32
      %add3A_130 = arith.constant 2 : i32
      %add3A_131 = arith.addi %mul3A_129, %add3A_130 : i32
      %dma_wait3A_132 = arith.constant 0 : i32
      %dma_wait3A_133 = tpu.memref_slice %arg7[%add3A_131, %dma_wait3A_132] : memref<80x128xi32, #tpu.memory_space<vmem>> -> memref<1x128xi32, #tpu.memory_space<vmem>>
      %dma_wait3A_134 = tpu.memref_squeeze %dma_wait3A_133 : memref<1x128xi32, #tpu.memory_space<vmem>> -> memref<128xi32, #tpu.memory_space<vmem>>
      %dma_wait3A_135 = arith.constant 0 : i32
      %dma_wait3A_136 = arith.constant 0 : i32
      %dma_wait3A_137 = tpu.memref_slice %arg2[%dma_wait3A_135, %dma_wait3A_136] : memref<10000x80xf32, #tpu.memory_space<hbm>> -> memref<10000x80xf32, #tpu.memory_space<hbm>>
      tpu.wait_indirect_dma semaphore(%arg17 : memref<!tpu.dma_semaphore, #tpu.memory_space<semaphore_mem>>) src(%dma_wait3A_137 : memref<10000x80xf32, #tpu.memory_space<hbm>>) dst(%arg11 : memref<128x80xf32, #tpu.memory_space<vmem>>)
      %dma_start3A_138 = arith.constant 0 : i32
      %dma_start3A_139 = tpu.memref_slice %arg8[%add3A_131, %dma_start3A_138] : memref<80x128xi32, #tpu.memory_space<vmem>> -> memref<1x128xi32, #tpu.memory_space<vmem>>
      %dma_start3A_140 = tpu.memref_squeeze %dma_start3A_139 : memref<1x128xi32, #tpu.memory_space<vmem>> -> memref<128xi32, #tpu.memory_space<vmem>>
      %dma_start3A_141 = arith.constant 0 : i32
      %dma_start3A_142 = arith.constant 0 : i32
      %dma_start3A_143 = tpu.memref_slice %arg14[%dma_start3A_141, %dma_start3A_142] : memref<10240x80xf32, #tpu.memory_space<vmem_shared>> -> memref<10240x80xf32, #tpu.memory_space<vmem_shared>>
      tpu.enqueue_indirect_dma source(%arg11 : memref<128x80xf32, #tpu.memory_space<vmem>>) target(%dma_start3A_143 : memref<10240x80xf32, #tpu.memory_space<vmem_shared>>) offsets(%dma_start3A_140 : memref<128xi32, #tpu.memory_space<vmem>>) semaphore(%arg22 : memref<!tpu.dma_semaphore, #tpu.memory_space<semaphore_mem>>) {add = true}
      %add3A_144 = arith.constant 5 : i32
      %add3A_145 = arith.addi %add3A_131, %add3A_144 : i32
      %sub3A_146 = arith.constant 1 : i32
      %sub3A_147 = arith.subi %add3A_145, %sub3A_146 : i32
      %lt3A_148 = arith.constant 80 : i32
      %lt3A_149 = arith.cmpi slt, %sub3A_147, %lt3A_148 : i32
      %convert_element_type3A_150 = arith.extui %lt3A_149 : i1 to i32
      %cond3A_151 = arith.constant 0 : i32
      %cond3A_152 = arith.cmpi ne, %convert_element_type3A_150, %cond3A_151 : i32
      scf.if %cond3A_152 {
        %ge3A = arith.constant 5 : i32
        %ge3A_203 = arith.cmpi sge, %sub3A_147, %ge3A : i32
        %convert_element_type3A_204 = arith.extui %ge3A_203 : i1 to i32
        %cond3A_205 = arith.constant 0 : i32
        %cond3A_206 = arith.cmpi ne, %convert_element_type3A_204, %cond3A_205 : i32
        scf.if %cond3A_206 {
          %sub3A_213 = arith.constant 5 : i32
          %sub3A_214 = arith.subi %sub3A_147, %sub3A_213 : i32
          %dma_wait3A_215 = arith.constant 0 : i32
          %dma_wait3A_216 = tpu.memref_slice %arg8[%sub3A_214, %dma_wait3A_215] : memref<80x128xi32, #tpu.memory_space<vmem>> -> memref<1x128xi32, #tpu.memory_space<vmem>>
          %dma_wait3A_217 = tpu.memref_squeeze %dma_wait3A_216 : memref<1x128xi32, #tpu.memory_space<vmem>> -> memref<128xi32, #tpu.memory_space<vmem>>
          %dma_wait3A_218 = arith.constant 0 : i32
          %dma_wait3A_219 = arith.constant 0 : i32
          %dma_wait3A_220 = tpu.memref_slice %arg14[%dma_wait3A_218, %dma_wait3A_219] : memref<10240x80xf32, #tpu.memory_space<vmem_shared>> -> memref<10240x80xf32, #tpu.memory_space<vmem_shared>>
          tpu.wait_indirect_dma semaphore(%arg21 : memref<!tpu.dma_semaphore, #tpu.memory_space<semaphore_mem>>) src(%arg10 : memref<128x80xf32, #tpu.memory_space<vmem>>) dst(%dma_wait3A_220 : memref<10240x80xf32, #tpu.memory_space<vmem_shared>>)
        } else {
        }
        %dma_start3A_207 = arith.constant 0 : i32
        %dma_start3A_208 = tpu.memref_slice %arg7[%sub3A_147, %dma_start3A_207] : memref<80x128xi32, #tpu.memory_space<vmem>> -> memref<1x128xi32, #tpu.memory_space<vmem>>
        %dma_start3A_209 = tpu.memref_squeeze %dma_start3A_208 : memref<1x128xi32, #tpu.memory_space<vmem>> -> memref<128xi32, #tpu.memory_space<vmem>>
        %dma_start3A_210 = arith.constant 0 : i32
        %dma_start3A_211 = arith.constant 0 : i32
        %dma_start3A_212 = tpu.memref_slice %arg2[%dma_start3A_210, %dma_start3A_211] : memref<10000x80xf32, #tpu.memory_space<hbm>> -> memref<10000x80xf32, #tpu.memory_space<hbm>>
        tpu.enqueue_indirect_dma source(%dma_start3A_212 : memref<10000x80xf32, #tpu.memory_space<hbm>>) target(%arg10 : memref<128x80xf32, #tpu.memory_space<vmem>>) offsets(%dma_start3A_209 : memref<128xi32, #tpu.memory_space<vmem>>) semaphore(%arg16 : memref<!tpu.dma_semaphore, #tpu.memory_space<semaphore_mem>>)
      } else {
      }
      %mul3A_153 = arith.constant 5 : i32
      %mul3A_154 = arith.muli %mul3A_153, %add3A_81 : i32
      %add3A_155 = arith.constant 3 : i32
      %add3A_156 = arith.addi %mul3A_154, %add3A_155 : i32
      %dma_wait3A_157 = arith.constant 0 : i32
      %dma_wait3A_158 = tpu.memref_slice %arg7[%add3A_156, %dma_wait3A_157] : memref<80x128xi32, #tpu.memory_space<vmem>> -> memref<1x128xi32, #tpu.memory_space<vmem>>
      %dma_wait3A_159 = tpu.memref_squeeze %dma_wait3A_158 : memref<1x128xi32, #tpu.memory_space<vmem>> -> memref<128xi32, #tpu.memory_space<vmem>>
      %dma_wait3A_160 = arith.constant 0 : i32
      %dma_wait3A_161 = arith.constant 0 : i32
      %dma_wait3A_162 = tpu.memref_slice %arg2[%dma_wait3A_160, %dma_wait3A_161] : memref<10000x80xf32, #tpu.memory_space<hbm>> -> memref<10000x80xf32, #tpu.memory_space<hbm>>
      tpu.wait_indirect_dma semaphore(%arg18 : memref<!tpu.dma_semaphore, #tpu.memory_space<semaphore_mem>>) src(%dma_wait3A_162 : memref<10000x80xf32, #tpu.memory_space<hbm>>) dst(%arg12 : memref<128x80xf32, #tpu.memory_space<vmem>>)
      %dma_start3A_163 = arith.constant 0 : i32
      %dma_start3A_164 = tpu.memref_slice %arg8[%add3A_156, %dma_start3A_163] : memref<80x128xi32, #tpu.memory_space<vmem>> -> memref<1x128xi32, #tpu.memory_space<vmem>>
      %dma_start3A_165 = tpu.memref_squeeze %dma_start3A_164 : memref<1x128xi32, #tpu.memory_space<vmem>> -> memref<128xi32, #tpu.memory_space<vmem>>
      %dma_start3A_166 = arith.constant 0 : i32
      %dma_start3A_167 = arith.constant 0 : i32
      %dma_start3A_168 = tpu.memref_slice %arg14[%dma_start3A_166, %dma_start3A_167] : memref<10240x80xf32, #tpu.memory_space<vmem_shared>> -> memref<10240x80xf32, #tpu.memory_space<vmem_shared>>
      tpu.enqueue_indirect_dma source(%arg12 : memref<128x80xf32, #tpu.memory_space<vmem>>) target(%dma_start3A_168 : memref<10240x80xf32, #tpu.memory_space<vmem_shared>>) offsets(%dma_start3A_165 : memref<128xi32, #tpu.memory_space<vmem>>) semaphore(%arg23 : memref<!tpu.dma_semaphore, #tpu.memory_space<semaphore_mem>>) {add = true}
      %add3A_169 = arith.constant 5 : i32
      %add3A_170 = arith.addi %add3A_156, %add3A_169 : i32
      %sub3A_171 = arith.constant 1 : i32
      %sub3A_172 = arith.subi %add3A_170, %sub3A_171 : i32
      %lt3A_173 = arith.constant 80 : i32
      %lt3A_174 = arith.cmpi slt, %sub3A_172, %lt3A_173 : i32
      %convert_element_type3A_175 = arith.extui %lt3A_174 : i1 to i32
      %cond3A_176 = arith.constant 0 : i32
      %cond3A_177 = arith.cmpi ne, %convert_element_type3A_175, %cond3A_176 : i32
      scf.if %cond3A_177 {
        %ge3A = arith.constant 5 : i32
        %ge3A_203 = arith.cmpi sge, %sub3A_172, %ge3A : i32
        %convert_element_type3A_204 = arith.extui %ge3A_203 : i1 to i32
        %cond3A_205 = arith.constant 0 : i32
        %cond3A_206 = arith.cmpi ne, %convert_element_type3A_204, %cond3A_205 : i32
        scf.if %cond3A_206 {
          %sub3A_213 = arith.constant 5 : i32
          %sub3A_214 = arith.subi %sub3A_172, %sub3A_213 : i32
          %dma_wait3A_215 = arith.constant 0 : i32
          %dma_wait3A_216 = tpu.memref_slice %arg8[%sub3A_214, %dma_wait3A_215] : memref<80x128xi32, #tpu.memory_space<vmem>> -> memref<1x128xi32, #tpu.memory_space<vmem>>
          %dma_wait3A_217 = tpu.memref_squeeze %dma_wait3A_216 : memref<1x128xi32, #tpu.memory_space<vmem>> -> memref<128xi32, #tpu.memory_space<vmem>>
          %dma_wait3A_218 = arith.constant 0 : i32
          %dma_wait3A_219 = arith.constant 0 : i32
          %dma_wait3A_220 = tpu.memref_slice %arg14[%dma_wait3A_218, %dma_wait3A_219] : memref<10240x80xf32, #tpu.memory_space<vmem_shared>> -> memref<10240x80xf32, #tpu.memory_space<vmem_shared>>
          tpu.wait_indirect_dma semaphore(%arg22 : memref<!tpu.dma_semaphore, #tpu.memory_space<semaphore_mem>>) src(%arg11 : memref<128x80xf32, #tpu.memory_space<vmem>>) dst(%dma_wait3A_220 : memref<10240x80xf32, #tpu.memory_space<vmem_shared>>)
        } else {
        }
        %dma_start3A_207 = arith.constant 0 : i32
        %dma_start3A_208 = tpu.memref_slice %arg7[%sub3A_172, %dma_start3A_207] : memref<80x128xi32, #tpu.memory_space<vmem>> -> memref<1x128xi32, #tpu.memory_space<vmem>>
        %dma_start3A_209 = tpu.memref_squeeze %dma_start3A_208 : memref<1x128xi32, #tpu.memory_space<vmem>> -> memref<128xi32, #tpu.memory_space<vmem>>
        %dma_start3A_210 = arith.constant 0 : i32
        %dma_start3A_211 = arith.constant 0 : i32
        %dma_start3A_212 = tpu.memref_slice %arg2[%dma_start3A_210, %dma_start3A_211] : memref<10000x80xf32, #tpu.memory_space<hbm>> -> memref<10000x80xf32, #tpu.memory_space<hbm>>
        tpu.enqueue_indirect_dma source(%dma_start3A_212 : memref<10000x80xf32, #tpu.memory_space<hbm>>) target(%arg11 : memref<128x80xf32, #tpu.memory_space<vmem>>) offsets(%dma_start3A_209 : memref<128xi32, #tpu.memory_space<vmem>>) semaphore(%arg17 : memref<!tpu.dma_semaphore, #tpu.memory_space<semaphore_mem>>)
      } else {
      }
      %mul3A_178 = arith.constant 5 : i32
      %mul3A_179 = arith.muli %mul3A_178, %add3A_81 : i32
      %add3A_180 = arith.constant 4 : i32
      %add3A_181 = arith.addi %mul3A_179, %add3A_180 : i32
      %dma_wait3A_182 = arith.constant 0 : i32
      %dma_wait3A_183 = tpu.memref_slice %arg7[%add3A_181, %dma_wait3A_182] : memref<80x128xi32, #tpu.memory_space<vmem>> -> memref<1x128xi32, #tpu.memory_space<vmem>>
      %dma_wait3A_184 = tpu.memref_squeeze %dma_wait3A_183 : memref<1x128xi32, #tpu.memory_space<vmem>> -> memref<128xi32, #tpu.memory_space<vmem>>
      %dma_wait3A_185 = arith.constant 0 : i32
      %dma_wait3A_186 = arith.constant 0 : i32
      %dma_wait3A_187 = tpu.memref_slice %arg2[%dma_wait3A_185, %dma_wait3A_186] : memref<10000x80xf32, #tpu.memory_space<hbm>> -> memref<10000x80xf32, #tpu.memory_space<hbm>>
      tpu.wait_indirect_dma semaphore(%arg19 : memref<!tpu.dma_semaphore, #tpu.memory_space<semaphore_mem>>) src(%dma_wait3A_187 : memref<10000x80xf32, #tpu.memory_space<hbm>>) dst(%arg13 : memref<128x80xf32, #tpu.memory_space<vmem>>)
      %dma_start3A_188 = arith.constant 0 : i32
      %dma_start3A_189 = tpu.memref_slice %arg8[%add3A_181, %dma_start3A_188] : memref<80x128xi32, #tpu.memory_space<vmem>> -> memref<1x128xi32, #tpu.memory_space<vmem>>
      %dma_start3A_190 = tpu.memref_squeeze %dma_start3A_189 : memref<1x128xi32, #tpu.memory_space<vmem>> -> memref<128xi32, #tpu.memory_space<vmem>>
      %dma_start3A_191 = arith.constant 0 : i32
      %dma_start3A_192 = arith.constant 0 : i32
      %dma_start3A_193 = tpu.memref_slice %arg14[%dma_start3A_191, %dma_start3A_192] : memref<10240x80xf32, #tpu.memory_space<vmem_shared>> -> memref<10240x80xf32, #tpu.memory_space<vmem_shared>>
      tpu.enqueue_indirect_dma source(%arg13 : memref<128x80xf32, #tpu.memory_space<vmem>>) target(%dma_start3A_193 : memref<10240x80xf32, #tpu.memory_space<vmem_shared>>) offsets(%dma_start3A_190 : memref<128xi32, #tpu.memory_space<vmem>>) semaphore(%arg24 : memref<!tpu.dma_semaphore, #tpu.memory_space<semaphore_mem>>) {add = true}
      %add3A_194 = arith.constant 5 : i32
      %add3A_195 = arith.addi %add3A_181, %add3A_194 : i32
      %sub3A_196 = arith.constant 1 : i32
      %sub3A_197 = arith.subi %add3A_195, %sub3A_196 : i32
      %lt3A_198 = arith.constant 80 : i32
      %lt3A_199 = arith.cmpi slt, %sub3A_197, %lt3A_198 : i32
      %convert_element_type3A_200 = arith.extui %lt3A_199 : i1 to i32
      %cond3A_201 = arith.constant 0 : i32
      %cond3A_202 = arith.cmpi ne, %convert_element_type3A_200, %cond3A_201 : i32
      scf.if %cond3A_202 {
        %ge3A = arith.constant 5 : i32
        %ge3A_203 = arith.cmpi sge, %sub3A_197, %ge3A : i32
        %convert_element_type3A_204 = arith.extui %ge3A_203 : i1 to i32
        %cond3A_205 = arith.constant 0 : i32
        %cond3A_206 = arith.cmpi ne, %convert_element_type3A_204, %cond3A_205 : i32
        scf.if %cond3A_206 {
          %sub3A_213 = arith.constant 5 : i32
          %sub3A_214 = arith.subi %sub3A_197, %sub3A_213 : i32
          %dma_wait3A_215 = arith.constant 0 : i32
          %dma_wait3A_216 = tpu.memref_slice %arg8[%sub3A_214, %dma_wait3A_215] : memref<80x128xi32, #tpu.memory_space<vmem>> -> memref<1x128xi32, #tpu.memory_space<vmem>>
          %dma_wait3A_217 = tpu.memref_squeeze %dma_wait3A_216 : memref<1x128xi32, #tpu.memory_space<vmem>> -> memref<128xi32, #tpu.memory_space<vmem>>
          %dma_wait3A_218 = arith.constant 0 : i32
          %dma_wait3A_219 = arith.constant 0 : i32
          %dma_wait3A_220 = tpu.memref_slice %arg14[%dma_wait3A_218, %dma_wait3A_219] : memref<10240x80xf32, #tpu.memory_space<vmem_shared>> -> memref<10240x80xf32, #tpu.memory_space<vmem_shared>>
          tpu.wait_indirect_dma semaphore(%arg23 : memref<!tpu.dma_semaphore, #tpu.memory_space<semaphore_mem>>) src(%arg12 : memref<128x80xf32, #tpu.memory_space<vmem>>) dst(%dma_wait3A_220 : memref<10240x80xf32, #tpu.memory_space<vmem_shared>>)
        } else {
        }
        %dma_start3A_207 = arith.constant 0 : i32
        %dma_start3A_208 = tpu.memref_slice %arg7[%sub3A_197, %dma_start3A_207] : memref<80x128xi32, #tpu.memory_space<vmem>> -> memref<1x128xi32, #tpu.memory_space<vmem>>
        %dma_start3A_209 = tpu.memref_squeeze %dma_start3A_208 : memref<1x128xi32, #tpu.memory_space<vmem>> -> memref<128xi32, #tpu.memory_space<vmem>>
        %dma_start3A_210 = arith.constant 0 : i32
        %dma_start3A_211 = arith.constant 0 : i32
        %dma_start3A_212 = tpu.memref_slice %arg2[%dma_start3A_210, %dma_start3A_211] : memref<10000x80xf32, #tpu.memory_space<hbm>> -> memref<10000x80xf32, #tpu.memory_space<hbm>>
        tpu.enqueue_indirect_dma source(%dma_start3A_212 : memref<10000x80xf32, #tpu.memory_space<hbm>>) target(%arg12 : memref<128x80xf32, #tpu.memory_space<vmem>>) offsets(%dma_start3A_209 : memref<128xi32, #tpu.memory_space<vmem>>) semaphore(%arg18 : memref<!tpu.dma_semaphore, #tpu.memory_space<semaphore_mem>>)
      } else {
      }
    }
    %scan3A_36 = arith.constant 16 : i32
    %dma_wait3A = arith.constant 75 : i32
    %dma_wait3A_37 = arith.constant 0 : i32
    %dma_wait3A_38 = tpu.memref_slice %arg8[%dma_wait3A, %dma_wait3A_37] : memref<80x128xi32, #tpu.memory_space<vmem>> -> memref<1x128xi32, #tpu.memory_space<vmem>>
    %dma_wait3A_39 = tpu.memref_squeeze %dma_wait3A_38 : memref<1x128xi32, #tpu.memory_space<vmem>> -> memref<128xi32, #tpu.memory_space<vmem>>
    %dma_wait3A_40 = arith.constant 0 : i32
    %dma_wait3A_41 = arith.constant 0 : i32
    %dma_wait3A_42 = tpu.memref_slice %arg14[%dma_wait3A_40, %dma_wait3A_41] : memref<10240x80xf32, #tpu.memory_space<vmem_shared>> -> memref<10240x80xf32, #tpu.memory_space<vmem_shared>>
    tpu.wait_indirect_dma semaphore(%arg20 : memref<!tpu.dma_semaphore, #tpu.memory_space<semaphore_mem>>) src(%arg9 : memref<128x80xf32, #tpu.memory_space<vmem>>) dst(%dma_wait3A_42 : memref<10240x80xf32, #tpu.memory_space<vmem_shared>>)
    %dma_wait3A_43 = arith.constant 76 : i32
    %dma_wait3A_44 = arith.constant 0 : i32
    %dma_wait3A_45 = tpu.memref_slice %arg8[%dma_wait3A_43, %dma_wait3A_44] : memref<80x128xi32, #tpu.memory_space<vmem>> -> memref<1x128xi32, #tpu.memory_space<vmem>>
    %dma_wait3A_46 = tpu.memref_squeeze %dma_wait3A_45 : memref<1x128xi32, #tpu.memory_space<vmem>> -> memref<128xi32, #tpu.memory_space<vmem>>
    %dma_wait3A_47 = arith.constant 0 : i32
    %dma_wait3A_48 = arith.constant 0 : i32
    %dma_wait3A_49 = tpu.memref_slice %arg14[%dma_wait3A_47, %dma_wait3A_48] : memref<10240x80xf32, #tpu.memory_space<vmem_shared>> -> memref<10240x80xf32, #tpu.memory_space<vmem_shared>>
    tpu.wait_indirect_dma semaphore(%arg21 : memref<!tpu.dma_semaphore, #tpu.memory_space<semaphore_mem>>) src(%arg10 : memref<128x80xf32, #tpu.memory_space<vmem>>) dst(%dma_wait3A_49 : memref<10240x80xf32, #tpu.memory_space<vmem_shared>>)
    %dma_wait3A_50 = arith.constant 77 : i32
    %dma_wait3A_51 = arith.constant 0 : i32
    %dma_wait3A_52 = tpu.memref_slice %arg8[%dma_wait3A_50, %dma_wait3A_51] : memref<80x128xi32, #tpu.memory_space<vmem>> -> memref<1x128xi32, #tpu.memory_space<vmem>>
    %dma_wait3A_53 = tpu.memref_squeeze %dma_wait3A_52 : memref<1x128xi32, #tpu.memory_space<vmem>> -> memref<128xi32, #tpu.memory_space<vmem>>
    %dma_wait3A_54 = arith.constant 0 : i32
    %dma_wait3A_55 = arith.constant 0 : i32
    %dma_wait3A_56 = tpu.memref_slice %arg14[%dma_wait3A_54, %dma_wait3A_55] : memref<10240x80xf32, #tpu.memory_space<vmem_shared>> -> memref<10240x80xf32, #tpu.memory_space<vmem_shared>>
    tpu.wait_indirect_dma semaphore(%arg22 : memref<!tpu.dma_semaphore, #tpu.memory_space<semaphore_mem>>) src(%arg11 : memref<128x80xf32, #tpu.memory_space<vmem>>) dst(%dma_wait3A_56 : memref<10240x80xf32, #tpu.memory_space<vmem_shared>>)
    %dma_wait3A_57 = arith.constant 78 : i32
    %dma_wait3A_58 = arith.constant 0 : i32
    %dma_wait3A_59 = tpu.memref_slice %arg8[%dma_wait3A_57, %dma_wait3A_58] : memref<80x128xi32, #tpu.memory_space<vmem>> -> memref<1x128xi32, #tpu.memory_space<vmem>>
    %dma_wait3A_60 = tpu.memref_squeeze %dma_wait3A_59 : memref<1x128xi32, #tpu.memory_space<vmem>> -> memref<128xi32, #tpu.memory_space<vmem>>
    %dma_wait3A_61 = arith.constant 0 : i32
    %dma_wait3A_62 = arith.constant 0 : i32
    %dma_wait3A_63 = tpu.memref_slice %arg14[%dma_wait3A_61, %dma_wait3A_62] : memref<10240x80xf32, #tpu.memory_space<vmem_shared>> -> memref<10240x80xf32, #tpu.memory_space<vmem_shared>>
    tpu.wait_indirect_dma semaphore(%arg23 : memref<!tpu.dma_semaphore, #tpu.memory_space<semaphore_mem>>) src(%arg12 : memref<128x80xf32, #tpu.memory_space<vmem>>) dst(%dma_wait3A_63 : memref<10240x80xf32, #tpu.memory_space<vmem_shared>>)
    %dma_wait3A_64 = arith.constant 79 : i32
    %dma_wait3A_65 = arith.constant 0 : i32
    %dma_wait3A_66 = tpu.memref_slice %arg8[%dma_wait3A_64, %dma_wait3A_65] : memref<80x128xi32, #tpu.memory_space<vmem>> -> memref<1x128xi32, #tpu.memory_space<vmem>>
    %dma_wait3A_67 = tpu.memref_squeeze %dma_wait3A_66 : memref<1x128xi32, #tpu.memory_space<vmem>> -> memref<128xi32, #tpu.memory_space<vmem>>
    %dma_wait3A_68 = arith.constant 0 : i32
    %dma_wait3A_69 = arith.constant 0 : i32
    %dma_wait3A_70 = tpu.memref_slice %arg14[%dma_wait3A_68, %dma_wait3A_69] : memref<10240x80xf32, #tpu.memory_space<vmem_shared>> -> memref<10240x80xf32, #tpu.memory_space<vmem_shared>>
    tpu.wait_indirect_dma semaphore(%arg24 : memref<!tpu.dma_semaphore, #tpu.memory_space<semaphore_mem>>) src(%arg13 : memref<128x80xf32, #tpu.memory_space<vmem>>) dst(%dma_wait3A_70 : memref<10240x80xf32, #tpu.memory_space<vmem_shared>>)
    %barrier3A_71 = arith.constant 0 : index
    tpu.barrier barrier_id(%barrier3A_71)
    %scan3A_72 = arith.constant 0 : i32
    %scan3A_73 = arith.constant 5 : i32
    %scan3A_74 = arith.addi %scan3A_72, %scan3A_73 : i32
    %scan3A_75 = arith.constant 1 : i32
    scf.for %scan3A_77 = %scan3A_72 to %scan3A_74 step %scan3A_75  : i32 {
      %mul3A_78 = arith.constant 1 : i32
      %mul3A_79 = arith.muli %scan3A_77, %mul3A_78 : i32
      %add3A_80 = arith.constant 0 : i32
      %add3A_81 = arith.addi %add3A_80, %mul3A_79 : i32
      %mul3A_82 = arith.constant 640 : i32
      %mul3A_83 = arith.muli %arg1, %mul3A_82 : i32
      %mul3A_84 = arith.constant 128 : i32
      %mul3A_85 = arith.muli %add3A_81, %mul3A_84 : i32
      %add3A_86 = arith.addi %mul3A_83, %mul3A_85 : i32
      "tpu.region"() ({
        %run_scoped3A = tpu.sem_alloc : memref<!tpu.dma_semaphore, #tpu.memory_space<semaphore_mem>>
        %dma_start3A_87 = arith.constant 0 : i32
        %dma_start3A_88 = tpu.memref_slice %arg14[%add3A_86, %dma_start3A_87] : memref<10240x80xf32, #tpu.memory_space<vmem_shared>> -> memref<128x80xf32, #tpu.memory_space<vmem_shared>>
        %dma_start3A_89 = arith.constant 0 : i32
        %dma_start3A_90 = tpu.memref_slice %arg14[%add3A_86, %dma_start3A_89] : memref<10240x80xf32, #tpu.memory_space<vmem_shared>> -> memref<128x80xf32, #tpu.memory_space<vmem_shared>>
        tpu.enqueue_dma source(%dma_start3A_90 : memref<128x80xf32, #tpu.memory_space<vmem_shared>>) target(%arg9 : memref<128x80xf32, #tpu.memory_space<vmem>>) target_semaphore(%run_scoped3A : memref<!tpu.dma_semaphore, #tpu.memory_space<semaphore_mem>>)
        %dma_wait3A_91 = arith.constant 0 : i32
        %dma_wait3A_92 = tpu.memref_slice %arg14[%add3A_86, %dma_wait3A_91] : memref<10240x80xf32, #tpu.memory_space<vmem_shared>> -> memref<128x80xf32, #tpu.memory_space<vmem_shared>>
        %dma_wait3A_93 = arith.constant 0 : i32
        %dma_wait3A_94 = tpu.memref_slice %arg14[%add3A_86, %dma_wait3A_93] : memref<10240x80xf32, #tpu.memory_space<vmem_shared>> -> memref<128x80xf32, #tpu.memory_space<vmem_shared>>
        tpu.wait_dma2 semaphore(%run_scoped3A : memref<!tpu.dma_semaphore, #tpu.memory_space<semaphore_mem>>) src(%dma_wait3A_94 : memref<128x80xf32, #tpu.memory_space<vmem_shared>>) dst(%arg9 : memref<128x80xf32, #tpu.memory_space<vmem>>)
        tpu.yield
      }) : () -> ()
      "tpu.region"() ({
        %run_scoped3A = tpu.sem_alloc : memref<!tpu.dma_semaphore, #tpu.memory_space<semaphore_mem>>
        %dma_start3A_87 = arith.constant 0 : i32
        %dma_start3A_88 = tpu.memref_slice %arg6[%arg0, %add3A_86, %dma_start3A_87] : memref<2x10240x80xf32, #tpu.memory_space<hbm>> -> memref<1x128x80xf32, #tpu.memory_space<hbm>>
        %dma_start3A_89 = tpu.memref_squeeze %dma_start3A_88 : memref<1x128x80xf32, #tpu.memory_space<hbm>> -> memref<128x80xf32, #tpu.memory_space<hbm>>
        %dma_start3A_90 = arith.constant 0 : i32
        %dma_start3A_91 = tpu.memref_slice %arg6[%arg0, %add3A_86, %dma_start3A_90] : memref<2x10240x80xf32, #tpu.memory_space<hbm>> -> memref<1x128x80xf32, #tpu.memory_space<hbm>>
        %dma_start3A_92 = tpu.memref_squeeze %dma_start3A_91 : memref<1x128x80xf32, #tpu.memory_space<hbm>> -> memref<128x80xf32, #tpu.memory_space<hbm>>
        tpu.enqueue_dma source(%arg9 : memref<128x80xf32, #tpu.memory_space<vmem>>) target(%dma_start3A_92 : memref<128x80xf32, #tpu.memory_space<hbm>>) target_semaphore(%run_scoped3A : memref<!tpu.dma_semaphore, #tpu.memory_space<semaphore_mem>>)
        %dma_wait3A_93 = arith.constant 0 : i32
        %dma_wait3A_94 = tpu.memref_slice %arg6[%arg0, %add3A_86, %dma_wait3A_93] : memref<2x10240x80xf32, #tpu.memory_space<hbm>> -> memref<1x128x80xf32, #tpu.memory_space<hbm>>
        %dma_wait3A_95 = tpu.memref_squeeze %dma_wait3A_94 : memref<1x128x80xf32, #tpu.memory_space<hbm>> -> memref<128x80xf32, #tpu.memory_space<hbm>>
        %dma_wait3A_96 = arith.constant 0 : i32
        %dma_wait3A_97 = tpu.memref_slice %arg6[%arg0, %add3A_86, %dma_wait3A_96] : memref<2x10240x80xf32, #tpu.memory_space<hbm>> -> memref<1x128x80xf32, #tpu.memory_space<hbm>>
        %dma_wait3A_98 = tpu.memref_squeeze %dma_wait3A_97 : memref<1x128x80xf32, #tpu.memory_space<hbm>> -> memref<128x80xf32, #tpu.memory_space<hbm>>
        tpu.wait_dma2 semaphore(%run_scoped3A : memref<!tpu.dma_semaphore, #tpu.memory_space<semaphore_mem>>) src(%arg9 : memref<128x80xf32, #tpu.memory_space<vmem>>) dst(%dma_wait3A_98 : memref<128x80xf32, #tpu.memory_space<hbm>>)
        tpu.yield
      }) : () -> ()
    }
    %scan3A_76 = arith.constant 5 : i32
    return
  }
}

#map = affine_map<(d0, d1) -> (0, 0)>
#map1 = affine_map<(d0, d1) -> (0, 0, 0)>
module attributes {stable_mosaic.version = 14 : i64} {
  func.func @sc_segsum(%arg0: i32, %arg1: i32, %arg2: memref<10000x64xf32, #tpu.memory_space<hbm>>, %arg3: memref<32x80x128xi32, #tpu.memory_space<hbm>>, %arg4: memref<32x80x128xi32, #tpu.memory_space<hbm>>, %arg5: memref<128x64xf32, #tpu.memory_space<hbm>>, %arg6: memref<2x10240x64xf32, #tpu.memory_space<hbm>>, %arg7: memref<80x128xi32, #tpu.memory_space<vmem>>, %arg8: memref<80x128xi32, #tpu.memory_space<vmem>>, %arg9: memref<128x64xf32, #tpu.memory_space<vmem>>, %arg10: memref<128x64xf32, #tpu.memory_space<vmem>>, %arg11: memref<128x64xf32, #tpu.memory_space<vmem>>, %arg12: memref<128x64xf32, #tpu.memory_space<vmem>>, %arg13: memref<128x64xf32, #tpu.memory_space<vmem>>, %arg14: memref<10240x64xf32, #tpu.memory_space<vmem_shared>>, %arg15: memref<!tpu.dma_semaphore, #tpu.memory_space<semaphore_mem>>, %arg16: memref<!tpu.dma_semaphore, #tpu.memory_space<semaphore_mem>>, %arg17: memref<!tpu.dma_semaphore, #tpu.memory_space<semaphore_mem>>, %arg18: memref<!tpu.dma_semaphore, #tpu.memory_space<semaphore_mem>>, %arg19: memref<!tpu.dma_semaphore, #tpu.memory_space<semaphore_mem>>, %arg20: memref<!tpu.dma_semaphore, #tpu.memory_space<semaphore_mem>>, %arg21: memref<!tpu.dma_semaphore, #tpu.memory_space<semaphore_mem>>, %arg22: memref<!tpu.dma_semaphore, #tpu.memory_space<semaphore_mem>>, %arg23: memref<!tpu.dma_semaphore, #tpu.memory_space<semaphore_mem>>, %arg24: memref<!tpu.dma_semaphore, #tpu.memory_space<semaphore_mem>>) attributes {dimension_semantics = [#tpu.dimension_semantics<core_parallel>, #tpu.dimension_semantics<subcore_parallel>], iteration_bounds = array<i64: 2, 16>, scalar_prefetch = 0 : i64, scratch_operands = 18 : i64, tpu.core_type = #tpu.core_type<sc_vector_subcore>, window_params = [{transform_indices = #map}, {transform_indices = #map1}, {transform_indices = #map1}, {transform_indices = #map}, {transform_indices = #map1}]} {
    %mul3A = arith.constant 2 : i32
    %mul3A_0 = arith.muli %arg1, %mul3A : i32
    %add3A = arith.addi %mul3A_0, %arg0 : i32
    "tpu.region"() ({
      %run_scoped3A = tpu.sem_alloc : memref<!tpu.dma_semaphore, #tpu.memory_space<semaphore_mem>>
      tpu.enqueue_dma source(%arg5 : memref<128x64xf32, #tpu.memory_space<hbm>>) target(%arg9 : memref<128x64xf32, #tpu.memory_space<vmem>>) target_semaphore(%run_scoped3A : memref<!tpu.dma_semaphore, #tpu.memory_space<semaphore_mem>>)
      tpu.wait_dma2 semaphore(%run_scoped3A : memref<!tpu.dma_semaphore, #tpu.memory_space<semaphore_mem>>) src(%arg5 : memref<128x64xf32, #tpu.memory_space<hbm>>) dst(%arg9 : memref<128x64xf32, #tpu.memory_space<vmem>>)
      tpu.yield
    }) : () -> ()
    %scan3A = arith.constant 0 : i32
    %scan3A_1 = arith.constant 5 : i32
    %scan3A_2 = arith.addi %scan3A, %scan3A_1 : i32
    %scan3A_3 = arith.constant 1 : i32
    scf.for %scan3A_77 = %scan3A to %scan3A_2 step %scan3A_3  : i32 {
      %mul3A_78 = arith.constant 1 : i32
      %mul3A_79 = arith.muli %scan3A_77, %mul3A_78 : i32
      %add3A_80 = arith.constant 0 : i32
      %add3A_81 = arith.addi %add3A_80, %mul3A_79 : i32
      %mul3A_82 = arith.constant 640 : i32
      %mul3A_83 = arith.muli %arg1, %mul3A_82 : i32
      %mul3A_84 = arith.constant 128 : i32
      %mul3A_85 = arith.muli %add3A_81, %mul3A_84 : i32
      %add3A_86 = arith.addi %mul3A_83, %mul3A_85 : i32
      "tpu.region"() ({
        %run_scoped3A = tpu.sem_alloc : memref<!tpu.dma_semaphore, #tpu.memory_space<semaphore_mem>>
        %dma_start3A_87 = arith.constant 0 : i32
        %dma_start3A_88 = tpu.memref_slice %arg14[%add3A_86, %dma_start3A_87] : memref<10240x64xf32, #tpu.memory_space<vmem_shared>> -> memref<128x64xf32, #tpu.memory_space<vmem_shared>>
        %dma_start3A_89 = arith.constant 0 : i32
        %dma_start3A_90 = tpu.memref_slice %arg14[%add3A_86, %dma_start3A_89] : memref<10240x64xf32, #tpu.memory_space<vmem_shared>> -> memref<128x64xf32, #tpu.memory_space<vmem_shared>>
        tpu.enqueue_dma source(%arg9 : memref<128x64xf32, #tpu.memory_space<vmem>>) target(%dma_start3A_90 : memref<128x64xf32, #tpu.memory_space<vmem_shared>>) target_semaphore(%run_scoped3A : memref<!tpu.dma_semaphore, #tpu.memory_space<semaphore_mem>>)
        %dma_wait3A_91 = arith.constant 0 : i32
        %dma_wait3A_92 = tpu.memref_slice %arg14[%add3A_86, %dma_wait3A_91] : memref<10240x64xf32, #tpu.memory_space<vmem_shared>> -> memref<128x64xf32, #tpu.memory_space<vmem_shared>>
        %dma_wait3A_93 = arith.constant 0 : i32
        %dma_wait3A_94 = tpu.memref_slice %arg14[%add3A_86, %dma_wait3A_93] : memref<10240x64xf32, #tpu.memory_space<vmem_shared>> -> memref<128x64xf32, #tpu.memory_space<vmem_shared>>
        tpu.wait_dma2 semaphore(%run_scoped3A : memref<!tpu.dma_semaphore, #tpu.memory_space<semaphore_mem>>) src(%arg9 : memref<128x64xf32, #tpu.memory_space<vmem>>) dst(%dma_wait3A_94 : memref<128x64xf32, #tpu.memory_space<vmem_shared>>)
        tpu.yield
      }) : () -> ()
    }
    %scan3A_4 = arith.constant 5 : i32
    "tpu.region"() ({
      %run_scoped3A = tpu.sem_alloc : memref<!tpu.dma_semaphore, #tpu.memory_space<semaphore_mem>>
      %dma_start3A_77 = arith.constant 0 : i32
      %dma_start3A_78 = arith.constant 0 : i32
      %dma_start3A_79 = tpu.memref_slice %arg3[%add3A, %dma_start3A_77, %dma_start3A_78] : memref<32x80x128xi32, #tpu.memory_space<hbm>> -> memref<1x80x128xi32, #tpu.memory_space<hbm>>
      %dma_start3A_80 = tpu.memref_squeeze %dma_start3A_79 : memref<1x80x128xi32, #tpu.memory_space<hbm>> -> memref<80x128xi32, #tpu.memory_space<hbm>>
      %dma_start3A_81 = arith.constant 0 : i32
      %dma_start3A_82 = arith.constant 0 : i32
      %dma_start3A_83 = tpu.memref_slice %arg3[%add3A, %dma_start3A_81, %dma_start3A_82] : memref<32x80x128xi32, #tpu.memory_space<hbm>> -> memref<1x80x128xi32, #tpu.memory_space<hbm>>
      %dma_start3A_84 = tpu.memref_squeeze %dma_start3A_83 : memref<1x80x128xi32, #tpu.memory_space<hbm>> -> memref<80x128xi32, #tpu.memory_space<hbm>>
      tpu.enqueue_dma source(%dma_start3A_84 : memref<80x128xi32, #tpu.memory_space<hbm>>) target(%arg7 : memref<80x128xi32, #tpu.memory_space<vmem>>) target_semaphore(%run_scoped3A : memref<!tpu.dma_semaphore, #tpu.memory_space<semaphore_mem>>)
      %dma_wait3A_85 = arith.constant 0 : i32
      %dma_wait3A_86 = arith.constant 0 : i32
      %dma_wait3A_87 = tpu.memref_slice %arg3[%add3A, %dma_wait3A_85, %dma_wait3A_86] : memref<32x80x128xi32, #tpu.memory_space<hbm>> -> memref<1x80x128xi32, #tpu.memory_space<hbm>>
      %dma_wait3A_88 = tpu.memref_squeeze %dma_wait3A_87 : memref<1x80x128xi32, #tpu.memory_space<hbm>> -> memref<80x128xi32, #tpu.memory_space<hbm>>
      %dma_wait3A_89 = arith.constant 0 : i32
      %dma_wait3A_90 = arith.constant 0 : i32
      %dma_wait3A_91 = tpu.memref_slice %arg3[%add3A, %dma_wait3A_89, %dma_wait3A_90] : memref<32x80x128xi32, #tpu.memory_space<hbm>> -> memref<1x80x128xi32, #tpu.memory_space<hbm>>
      %dma_wait3A_92 = tpu.memref_squeeze %dma_wait3A_91 : memref<1x80x128xi32, #tpu.memory_space<hbm>> -> memref<80x128xi32, #tpu.memory_space<hbm>>
      tpu.wait_dma2 semaphore(%run_scoped3A : memref<!tpu.dma_semaphore, #tpu.memory_space<semaphore_mem>>) src(%dma_wait3A_92 : memref<80x128xi32, #tpu.memory_space<hbm>>) dst(%arg7 : memref<80x128xi32, #tpu.memory_space<vmem>>)
      tpu.yield
    }) : () -> ()
    "tpu.region"() ({
      %run_scoped3A = tpu.sem_alloc : memref<!tpu.dma_semaphore, #tpu.memory_space<semaphore_mem>>
      %dma_start3A_77 = arith.constant 0 : i32
      %dma_start3A_78 = arith.constant 0 : i32
      %dma_start3A_79 = tpu.memref_slice %arg4[%add3A, %dma_start3A_77, %dma_start3A_78] : memref<32x80x128xi32, #tpu.memory_space<hbm>> -> memref<1x80x128xi32, #tpu.memory_space<hbm>>
      %dma_start3A_80 = tpu.memref_squeeze %dma_start3A_79 : memref<1x80x128xi32, #tpu.memory_space<hbm>> -> memref<80x128xi32, #tpu.memory_space<hbm>>
      %dma_start3A_81 = arith.constant 0 : i32
      %dma_start3A_82 = arith.constant 0 : i32
      %dma_start3A_83 = tpu.memref_slice %arg4[%add3A, %dma_start3A_81, %dma_start3A_82] : memref<32x80x128xi32, #tpu.memory_space<hbm>> -> memref<1x80x128xi32, #tpu.memory_space<hbm>>
      %dma_start3A_84 = tpu.memref_squeeze %dma_start3A_83 : memref<1x80x128xi32, #tpu.memory_space<hbm>> -> memref<80x128xi32, #tpu.memory_space<hbm>>
      tpu.enqueue_dma source(%dma_start3A_84 : memref<80x128xi32, #tpu.memory_space<hbm>>) target(%arg8 : memref<80x128xi32, #tpu.memory_space<vmem>>) target_semaphore(%run_scoped3A : memref<!tpu.dma_semaphore, #tpu.memory_space<semaphore_mem>>)
      %dma_wait3A_85 = arith.constant 0 : i32
      %dma_wait3A_86 = arith.constant 0 : i32
      %dma_wait3A_87 = tpu.memref_slice %arg4[%add3A, %dma_wait3A_85, %dma_wait3A_86] : memref<32x80x128xi32, #tpu.memory_space<hbm>> -> memref<1x80x128xi32, #tpu.memory_space<hbm>>
      %dma_wait3A_88 = tpu.memref_squeeze %dma_wait3A_87 : memref<1x80x128xi32, #tpu.memory_space<hbm>> -> memref<80x128xi32, #tpu.memory_space<hbm>>
      %dma_wait3A_89 = arith.constant 0 : i32
      %dma_wait3A_90 = arith.constant 0 : i32
      %dma_wait3A_91 = tpu.memref_slice %arg4[%add3A, %dma_wait3A_89, %dma_wait3A_90] : memref<32x80x128xi32, #tpu.memory_space<hbm>> -> memref<1x80x128xi32, #tpu.memory_space<hbm>>
      %dma_wait3A_92 = tpu.memref_squeeze %dma_wait3A_91 : memref<1x80x128xi32, #tpu.memory_space<hbm>> -> memref<80x128xi32, #tpu.memory_space<hbm>>
      tpu.wait_dma2 semaphore(%run_scoped3A : memref<!tpu.dma_semaphore, #tpu.memory_space<semaphore_mem>>) src(%dma_wait3A_92 : memref<80x128xi32, #tpu.memory_space<hbm>>) dst(%arg8 : memref<80x128xi32, #tpu.memory_space<vmem>>)
      tpu.yield
    }) : () -> ()
    %barrier3A = arith.constant 0 : index
    tpu.barrier barrier_id(%barrier3A)
    %dma_start3A = arith.constant 0 : i32
    %dma_start3A_5 = arith.constant 0 : i32
    %dma_start3A_6 = tpu.memref_slice %arg7[%dma_start3A, %dma_start3A_5] : memref<80x128xi32, #tpu.memory_space<vmem>> -> memref<1x128xi32, #tpu.memory_space<vmem>>
    %dma_start3A_7 = tpu.memref_squeeze %dma_start3A_6 : memref<1x128xi32, #tpu.memory_space<vmem>> -> memref<128xi32, #tpu.memory_space<vmem>>
    %dma_start3A_8 = arith.constant 0 : i32
    %dma_start3A_9 = arith.constant 0 : i32
    %dma_start3A_10 = tpu.memref_slice %arg2[%dma_start3A_8, %dma_start3A_9] : memref<10000x64xf32, #tpu.memory_space<hbm>> -> memref<10000x64xf32, #tpu.memory_space<hbm>>
    tpu.enqueue_indirect_dma source(%dma_start3A_10 : memref<10000x64xf32, #tpu.memory_space<hbm>>) target(%arg9 : memref<128x64xf32, #tpu.memory_space<vmem>>) offsets(%dma_start3A_7 : memref<128xi32, #tpu.memory_space<vmem>>) semaphore(%arg15 : memref<!tpu.dma_semaphore, #tpu.memory_space<semaphore_mem>>)
    %dma_start3A_11 = arith.constant 1 : i32
    %dma_start3A_12 = arith.constant 0 : i32
    %dma_start3A_13 = tpu.memref_slice %arg7[%dma_start3A_11, %dma_start3A_12] : memref<80x128xi32, #tpu.memory_space<vmem>> -> memref<1x128xi32, #tpu.memory_space<vmem>>
    %dma_start3A_14 = tpu.memref_squeeze %dma_start3A_13 : memref<1x128xi32, #tpu.memory_space<vmem>> -> memref<128xi32, #tpu.memory_space<vmem>>
    %dma_start3A_15 = arith.constant 0 : i32
    %dma_start3A_16 = arith.constant 0 : i32
    %dma_start3A_17 = tpu.memref_slice %arg2[%dma_start3A_15, %dma_start3A_16] : memref<10000x64xf32, #tpu.memory_space<hbm>> -> memref<10000x64xf32, #tpu.memory_space<hbm>>
    tpu.enqueue_indirect_dma source(%dma_start3A_17 : memref<10000x64xf32, #tpu.memory_space<hbm>>) target(%arg10 : memref<128x64xf32, #tpu.memory_space<vmem>>) offsets(%dma_start3A_14 : memref<128xi32, #tpu.memory_space<vmem>>) semaphore(%arg16 : memref<!tpu.dma_semaphore, #tpu.memory_space<semaphore_mem>>)
    %dma_start3A_18 = arith.constant 2 : i32
    %dma_start3A_19 = arith.constant 0 : i32
    %dma_start3A_20 = tpu.memref_slice %arg7[%dma_start3A_18, %dma_start3A_19] : memref<80x128xi32, #tpu.memory_space<vmem>> -> memref<1x128xi32, #tpu.memory_space<vmem>>
    %dma_start3A_21 = tpu.memref_squeeze %dma_start3A_20 : memref<1x128xi32, #tpu.memory_space<vmem>> -> memref<128xi32, #tpu.memory_space<vmem>>
    %dma_start3A_22 = arith.constant 0 : i32
    %dma_start3A_23 = arith.constant 0 : i32
    %dma_start3A_24 = tpu.memref_slice %arg2[%dma_start3A_22, %dma_start3A_23] : memref<10000x64xf32, #tpu.memory_space<hbm>> -> memref<10000x64xf32, #tpu.memory_space<hbm>>
    tpu.enqueue_indirect_dma source(%dma_start3A_24 : memref<10000x64xf32, #tpu.memory_space<hbm>>) target(%arg11 : memref<128x64xf32, #tpu.memory_space<vmem>>) offsets(%dma_start3A_21 : memref<128xi32, #tpu.memory_space<vmem>>) semaphore(%arg17 : memref<!tpu.dma_semaphore, #tpu.memory_space<semaphore_mem>>)
    %dma_start3A_25 = arith.constant 3 : i32
    %dma_start3A_26 = arith.constant 0 : i32
    %dma_start3A_27 = tpu.memref_slice %arg7[%dma_start3A_25, %dma_start3A_26] : memref<80x128xi32, #tpu.memory_space<vmem>> -> memref<1x128xi32, #tpu.memory_space<vmem>>
    %dma_start3A_28 = tpu.memref_squeeze %dma_start3A_27 : memref<1x128xi32, #tpu.memory_space<vmem>> -> memref<128xi32, #tpu.memory_space<vmem>>
    %dma_start3A_29 = arith.constant 0 : i32
    %dma_start3A_30 = arith.constant 0 : i32
    %dma_start3A_31 = tpu.memref_slice %arg2[%dma_start3A_29, %dma_start3A_30] : memref<10000x64xf32, #tpu.memory_space<hbm>> -> memref<10000x64xf32, #tpu.memory_space<hbm>>
    tpu.enqueue_indirect_dma source(%dma_start3A_31 : memref<10000x64xf32, #tpu.memory_space<hbm>>) target(%arg12 : memref<128x64xf32, #tpu.memory_space<vmem>>) offsets(%dma_start3A_28 : memref<128xi32, #tpu.memory_space<vmem>>) semaphore(%arg18 : memref<!tpu.dma_semaphore, #tpu.memory_space<semaphore_mem>>)
    %scan3A_32 = arith.constant 0 : i32
    %scan3A_33 = arith.constant 16 : i32
    %scan3A_34 = arith.addi %scan3A_32, %scan3A_33 : i32
    %scan3A_35 = arith.constant 1 : i32
    scf.for %scan3A_77 = %scan3A_32 to %scan3A_34 step %scan3A_35  : i32 {
      %mul3A_78 = arith.constant 1 : i32
      %mul3A_79 = arith.muli %scan3A_77, %mul3A_78 : i32
      %add3A_80 = arith.constant 0 : i32
      %add3A_81 = arith.addi %add3A_80, %mul3A_79 : i32
      %mul3A_82 = arith.constant 5 : i32
      %mul3A_83 = arith.muli %mul3A_82, %add3A_81 : i32
      %add3A_84 = arith.constant 0 : i32
      %add3A_85 = arith.addi %mul3A_83, %add3A_84 : i32
      %dma_wait3A_86 = arith.constant 0 : i32
      %dma_wait3A_87 = tpu.memref_slice %arg7[%add3A_85, %dma_wait3A_86] : memref<80x128xi32, #tpu.memory_space<vmem>> -> memref<1x128xi32, #tpu.memory_space<vmem>>
      %dma_wait3A_88 = tpu.memref_squeeze %dma_wait3A_87 : memref<1x128xi32, #tpu.memory_space<vmem>> -> memref<128xi32, #tpu.memory_space<vmem>>
      %dma_wait3A_89 = arith.constant 0 : i32
      %dma_wait3A_90 = arith.constant 0 : i32
      %dma_wait3A_91 = tpu.memref_slice %arg2[%dma_wait3A_89, %dma_wait3A_90] : memref<10000x64xf32, #tpu.memory_space<hbm>> -> memref<10000x64xf32, #tpu.memory_space<hbm>>
      tpu.wait_indirect_dma semaphore(%arg15 : memref<!tpu.dma_semaphore, #tpu.memory_space<semaphore_mem>>) src(%dma_wait3A_91 : memref<10000x64xf32, #tpu.memory_space<hbm>>) dst(%arg9 : memref<128x64xf32, #tpu.memory_space<vmem>>)
      %dma_start3A_92 = arith.constant 0 : i32
      %dma_start3A_93 = tpu.memref_slice %arg8[%add3A_85, %dma_start3A_92] : memref<80x128xi32, #tpu.memory_space<vmem>> -> memref<1x128xi32, #tpu.memory_space<vmem>>
      %dma_start3A_94 = tpu.memref_squeeze %dma_start3A_93 : memref<1x128xi32, #tpu.memory_space<vmem>> -> memref<128xi32, #tpu.memory_space<vmem>>
      %dma_start3A_95 = arith.constant 0 : i32
      %dma_start3A_96 = arith.constant 0 : i32
      %dma_start3A_97 = tpu.memref_slice %arg14[%dma_start3A_95, %dma_start3A_96] : memref<10240x64xf32, #tpu.memory_space<vmem_shared>> -> memref<10240x64xf32, #tpu.memory_space<vmem_shared>>
      tpu.enqueue_indirect_dma source(%arg9 : memref<128x64xf32, #tpu.memory_space<vmem>>) target(%dma_start3A_97 : memref<10240x64xf32, #tpu.memory_space<vmem_shared>>) offsets(%dma_start3A_94 : memref<128xi32, #tpu.memory_space<vmem>>) semaphore(%arg20 : memref<!tpu.dma_semaphore, #tpu.memory_space<semaphore_mem>>) {add = true}
      %add3A_98 = arith.constant 5 : i32
      %add3A_99 = arith.addi %add3A_85, %add3A_98 : i32
      %sub3A = arith.constant 1 : i32
      %sub3A_100 = arith.subi %add3A_99, %sub3A : i32
      %lt3A = arith.constant 80 : i32
      %lt3A_101 = arith.cmpi slt, %sub3A_100, %lt3A : i32
      %convert_element_type3A = arith.extui %lt3A_101 : i1 to i32
      %cond3A = arith.constant 0 : i32
      %cond3A_102 = arith.cmpi ne, %convert_element_type3A, %cond3A : i32
      scf.if %cond3A_102 {
        %ge3A = arith.constant 5 : i32
        %ge3A_203 = arith.cmpi sge, %sub3A_100, %ge3A : i32
        %convert_element_type3A_204 = arith.extui %ge3A_203 : i1 to i32
        %cond3A_205 = arith.constant 0 : i32
        %cond3A_206 = arith.cmpi ne, %convert_element_type3A_204, %cond3A_205 : i32
        scf.if %cond3A_206 {
          %sub3A_213 = arith.constant 5 : i32
          %sub3A_214 = arith.subi %sub3A_100, %sub3A_213 : i32
          %dma_wait3A_215 = arith.constant 0 : i32
          %dma_wait3A_216 = tpu.memref_slice %arg8[%sub3A_214, %dma_wait3A_215] : memref<80x128xi32, #tpu.memory_space<vmem>> -> memref<1x128xi32, #tpu.memory_space<vmem>>
          %dma_wait3A_217 = tpu.memref_squeeze %dma_wait3A_216 : memref<1x128xi32, #tpu.memory_space<vmem>> -> memref<128xi32, #tpu.memory_space<vmem>>
          %dma_wait3A_218 = arith.constant 0 : i32
          %dma_wait3A_219 = arith.constant 0 : i32
          %dma_wait3A_220 = tpu.memref_slice %arg14[%dma_wait3A_218, %dma_wait3A_219] : memref<10240x64xf32, #tpu.memory_space<vmem_shared>> -> memref<10240x64xf32, #tpu.memory_space<vmem_shared>>
          tpu.wait_indirect_dma semaphore(%arg24 : memref<!tpu.dma_semaphore, #tpu.memory_space<semaphore_mem>>) src(%arg13 : memref<128x64xf32, #tpu.memory_space<vmem>>) dst(%dma_wait3A_220 : memref<10240x64xf32, #tpu.memory_space<vmem_shared>>)
        } else {
        }
        %dma_start3A_207 = arith.constant 0 : i32
        %dma_start3A_208 = tpu.memref_slice %arg7[%sub3A_100, %dma_start3A_207] : memref<80x128xi32, #tpu.memory_space<vmem>> -> memref<1x128xi32, #tpu.memory_space<vmem>>
        %dma_start3A_209 = tpu.memref_squeeze %dma_start3A_208 : memref<1x128xi32, #tpu.memory_space<vmem>> -> memref<128xi32, #tpu.memory_space<vmem>>
        %dma_start3A_210 = arith.constant 0 : i32
        %dma_start3A_211 = arith.constant 0 : i32
        %dma_start3A_212 = tpu.memref_slice %arg2[%dma_start3A_210, %dma_start3A_211] : memref<10000x64xf32, #tpu.memory_space<hbm>> -> memref<10000x64xf32, #tpu.memory_space<hbm>>
        tpu.enqueue_indirect_dma source(%dma_start3A_212 : memref<10000x64xf32, #tpu.memory_space<hbm>>) target(%arg13 : memref<128x64xf32, #tpu.memory_space<vmem>>) offsets(%dma_start3A_209 : memref<128xi32, #tpu.memory_space<vmem>>) semaphore(%arg19 : memref<!tpu.dma_semaphore, #tpu.memory_space<semaphore_mem>>)
      } else {
      }
      %mul3A_103 = arith.constant 5 : i32
      %mul3A_104 = arith.muli %mul3A_103, %add3A_81 : i32
      %add3A_105 = arith.constant 1 : i32
      %add3A_106 = arith.addi %mul3A_104, %add3A_105 : i32
      %dma_wait3A_107 = arith.constant 0 : i32
      %dma_wait3A_108 = tpu.memref_slice %arg7[%add3A_106, %dma_wait3A_107] : memref<80x128xi32, #tpu.memory_space<vmem>> -> memref<1x128xi32, #tpu.memory_space<vmem>>
      %dma_wait3A_109 = tpu.memref_squeeze %dma_wait3A_108 : memref<1x128xi32, #tpu.memory_space<vmem>> -> memref<128xi32, #tpu.memory_space<vmem>>
      %dma_wait3A_110 = arith.constant 0 : i32
      %dma_wait3A_111 = arith.constant 0 : i32
      %dma_wait3A_112 = tpu.memref_slice %arg2[%dma_wait3A_110, %dma_wait3A_111] : memref<10000x64xf32, #tpu.memory_space<hbm>> -> memref<10000x64xf32, #tpu.memory_space<hbm>>
      tpu.wait_indirect_dma semaphore(%arg16 : memref<!tpu.dma_semaphore, #tpu.memory_space<semaphore_mem>>) src(%dma_wait3A_112 : memref<10000x64xf32, #tpu.memory_space<hbm>>) dst(%arg10 : memref<128x64xf32, #tpu.memory_space<vmem>>)
      %dma_start3A_113 = arith.constant 0 : i32
      %dma_start3A_114 = tpu.memref_slice %arg8[%add3A_106, %dma_start3A_113] : memref<80x128xi32, #tpu.memory_space<vmem>> -> memref<1x128xi32, #tpu.memory_space<vmem>>
      %dma_start3A_115 = tpu.memref_squeeze %dma_start3A_114 : memref<1x128xi32, #tpu.memory_space<vmem>> -> memref<128xi32, #tpu.memory_space<vmem>>
      %dma_start3A_116 = arith.constant 0 : i32
      %dma_start3A_117 = arith.constant 0 : i32
      %dma_start3A_118 = tpu.memref_slice %arg14[%dma_start3A_116, %dma_start3A_117] : memref<10240x64xf32, #tpu.memory_space<vmem_shared>> -> memref<10240x64xf32, #tpu.memory_space<vmem_shared>>
      tpu.enqueue_indirect_dma source(%arg10 : memref<128x64xf32, #tpu.memory_space<vmem>>) target(%dma_start3A_118 : memref<10240x64xf32, #tpu.memory_space<vmem_shared>>) offsets(%dma_start3A_115 : memref<128xi32, #tpu.memory_space<vmem>>) semaphore(%arg21 : memref<!tpu.dma_semaphore, #tpu.memory_space<semaphore_mem>>) {add = true}
      %add3A_119 = arith.constant 5 : i32
      %add3A_120 = arith.addi %add3A_106, %add3A_119 : i32
      %sub3A_121 = arith.constant 1 : i32
      %sub3A_122 = arith.subi %add3A_120, %sub3A_121 : i32
      %lt3A_123 = arith.constant 80 : i32
      %lt3A_124 = arith.cmpi slt, %sub3A_122, %lt3A_123 : i32
      %convert_element_type3A_125 = arith.extui %lt3A_124 : i1 to i32
      %cond3A_126 = arith.constant 0 : i32
      %cond3A_127 = arith.cmpi ne, %convert_element_type3A_125, %cond3A_126 : i32
      scf.if %cond3A_127 {
        %ge3A = arith.constant 5 : i32
        %ge3A_203 = arith.cmpi sge, %sub3A_122, %ge3A : i32
        %convert_element_type3A_204 = arith.extui %ge3A_203 : i1 to i32
        %cond3A_205 = arith.constant 0 : i32
        %cond3A_206 = arith.cmpi ne, %convert_element_type3A_204, %cond3A_205 : i32
        scf.if %cond3A_206 {
          %sub3A_213 = arith.constant 5 : i32
          %sub3A_214 = arith.subi %sub3A_122, %sub3A_213 : i32
          %dma_wait3A_215 = arith.constant 0 : i32
          %dma_wait3A_216 = tpu.memref_slice %arg8[%sub3A_214, %dma_wait3A_215] : memref<80x128xi32, #tpu.memory_space<vmem>> -> memref<1x128xi32, #tpu.memory_space<vmem>>
          %dma_wait3A_217 = tpu.memref_squeeze %dma_wait3A_216 : memref<1x128xi32, #tpu.memory_space<vmem>> -> memref<128xi32, #tpu.memory_space<vmem>>
          %dma_wait3A_218 = arith.constant 0 : i32
          %dma_wait3A_219 = arith.constant 0 : i32
          %dma_wait3A_220 = tpu.memref_slice %arg14[%dma_wait3A_218, %dma_wait3A_219] : memref<10240x64xf32, #tpu.memory_space<vmem_shared>> -> memref<10240x64xf32, #tpu.memory_space<vmem_shared>>
          tpu.wait_indirect_dma semaphore(%arg20 : memref<!tpu.dma_semaphore, #tpu.memory_space<semaphore_mem>>) src(%arg9 : memref<128x64xf32, #tpu.memory_space<vmem>>) dst(%dma_wait3A_220 : memref<10240x64xf32, #tpu.memory_space<vmem_shared>>)
        } else {
        }
        %dma_start3A_207 = arith.constant 0 : i32
        %dma_start3A_208 = tpu.memref_slice %arg7[%sub3A_122, %dma_start3A_207] : memref<80x128xi32, #tpu.memory_space<vmem>> -> memref<1x128xi32, #tpu.memory_space<vmem>>
        %dma_start3A_209 = tpu.memref_squeeze %dma_start3A_208 : memref<1x128xi32, #tpu.memory_space<vmem>> -> memref<128xi32, #tpu.memory_space<vmem>>
        %dma_start3A_210 = arith.constant 0 : i32
        %dma_start3A_211 = arith.constant 0 : i32
        %dma_start3A_212 = tpu.memref_slice %arg2[%dma_start3A_210, %dma_start3A_211] : memref<10000x64xf32, #tpu.memory_space<hbm>> -> memref<10000x64xf32, #tpu.memory_space<hbm>>
        tpu.enqueue_indirect_dma source(%dma_start3A_212 : memref<10000x64xf32, #tpu.memory_space<hbm>>) target(%arg9 : memref<128x64xf32, #tpu.memory_space<vmem>>) offsets(%dma_start3A_209 : memref<128xi32, #tpu.memory_space<vmem>>) semaphore(%arg15 : memref<!tpu.dma_semaphore, #tpu.memory_space<semaphore_mem>>)
      } else {
      }
      %mul3A_128 = arith.constant 5 : i32
      %mul3A_129 = arith.muli %mul3A_128, %add3A_81 : i32
      %add3A_130 = arith.constant 2 : i32
      %add3A_131 = arith.addi %mul3A_129, %add3A_130 : i32
      %dma_wait3A_132 = arith.constant 0 : i32
      %dma_wait3A_133 = tpu.memref_slice %arg7[%add3A_131, %dma_wait3A_132] : memref<80x128xi32, #tpu.memory_space<vmem>> -> memref<1x128xi32, #tpu.memory_space<vmem>>
      %dma_wait3A_134 = tpu.memref_squeeze %dma_wait3A_133 : memref<1x128xi32, #tpu.memory_space<vmem>> -> memref<128xi32, #tpu.memory_space<vmem>>
      %dma_wait3A_135 = arith.constant 0 : i32
      %dma_wait3A_136 = arith.constant 0 : i32
      %dma_wait3A_137 = tpu.memref_slice %arg2[%dma_wait3A_135, %dma_wait3A_136] : memref<10000x64xf32, #tpu.memory_space<hbm>> -> memref<10000x64xf32, #tpu.memory_space<hbm>>
      tpu.wait_indirect_dma semaphore(%arg17 : memref<!tpu.dma_semaphore, #tpu.memory_space<semaphore_mem>>) src(%dma_wait3A_137 : memref<10000x64xf32, #tpu.memory_space<hbm>>) dst(%arg11 : memref<128x64xf32, #tpu.memory_space<vmem>>)
      %dma_start3A_138 = arith.constant 0 : i32
      %dma_start3A_139 = tpu.memref_slice %arg8[%add3A_131, %dma_start3A_138] : memref<80x128xi32, #tpu.memory_space<vmem>> -> memref<1x128xi32, #tpu.memory_space<vmem>>
      %dma_start3A_140 = tpu.memref_squeeze %dma_start3A_139 : memref<1x128xi32, #tpu.memory_space<vmem>> -> memref<128xi32, #tpu.memory_space<vmem>>
      %dma_start3A_141 = arith.constant 0 : i32
      %dma_start3A_142 = arith.constant 0 : i32
      %dma_start3A_143 = tpu.memref_slice %arg14[%dma_start3A_141, %dma_start3A_142] : memref<10240x64xf32, #tpu.memory_space<vmem_shared>> -> memref<10240x64xf32, #tpu.memory_space<vmem_shared>>
      tpu.enqueue_indirect_dma source(%arg11 : memref<128x64xf32, #tpu.memory_space<vmem>>) target(%dma_start3A_143 : memref<10240x64xf32, #tpu.memory_space<vmem_shared>>) offsets(%dma_start3A_140 : memref<128xi32, #tpu.memory_space<vmem>>) semaphore(%arg22 : memref<!tpu.dma_semaphore, #tpu.memory_space<semaphore_mem>>) {add = true}
      %add3A_144 = arith.constant 5 : i32
      %add3A_145 = arith.addi %add3A_131, %add3A_144 : i32
      %sub3A_146 = arith.constant 1 : i32
      %sub3A_147 = arith.subi %add3A_145, %sub3A_146 : i32
      %lt3A_148 = arith.constant 80 : i32
      %lt3A_149 = arith.cmpi slt, %sub3A_147, %lt3A_148 : i32
      %convert_element_type3A_150 = arith.extui %lt3A_149 : i1 to i32
      %cond3A_151 = arith.constant 0 : i32
      %cond3A_152 = arith.cmpi ne, %convert_element_type3A_150, %cond3A_151 : i32
      scf.if %cond3A_152 {
        %ge3A = arith.constant 5 : i32
        %ge3A_203 = arith.cmpi sge, %sub3A_147, %ge3A : i32
        %convert_element_type3A_204 = arith.extui %ge3A_203 : i1 to i32
        %cond3A_205 = arith.constant 0 : i32
        %cond3A_206 = arith.cmpi ne, %convert_element_type3A_204, %cond3A_205 : i32
        scf.if %cond3A_206 {
          %sub3A_213 = arith.constant 5 : i32
          %sub3A_214 = arith.subi %sub3A_147, %sub3A_213 : i32
          %dma_wait3A_215 = arith.constant 0 : i32
          %dma_wait3A_216 = tpu.memref_slice %arg8[%sub3A_214, %dma_wait3A_215] : memref<80x128xi32, #tpu.memory_space<vmem>> -> memref<1x128xi32, #tpu.memory_space<vmem>>
          %dma_wait3A_217 = tpu.memref_squeeze %dma_wait3A_216 : memref<1x128xi32, #tpu.memory_space<vmem>> -> memref<128xi32, #tpu.memory_space<vmem>>
          %dma_wait3A_218 = arith.constant 0 : i32
          %dma_wait3A_219 = arith.constant 0 : i32
          %dma_wait3A_220 = tpu.memref_slice %arg14[%dma_wait3A_218, %dma_wait3A_219] : memref<10240x64xf32, #tpu.memory_space<vmem_shared>> -> memref<10240x64xf32, #tpu.memory_space<vmem_shared>>
          tpu.wait_indirect_dma semaphore(%arg21 : memref<!tpu.dma_semaphore, #tpu.memory_space<semaphore_mem>>) src(%arg10 : memref<128x64xf32, #tpu.memory_space<vmem>>) dst(%dma_wait3A_220 : memref<10240x64xf32, #tpu.memory_space<vmem_shared>>)
        } else {
        }
        %dma_start3A_207 = arith.constant 0 : i32
        %dma_start3A_208 = tpu.memref_slice %arg7[%sub3A_147, %dma_start3A_207] : memref<80x128xi32, #tpu.memory_space<vmem>> -> memref<1x128xi32, #tpu.memory_space<vmem>>
        %dma_start3A_209 = tpu.memref_squeeze %dma_start3A_208 : memref<1x128xi32, #tpu.memory_space<vmem>> -> memref<128xi32, #tpu.memory_space<vmem>>
        %dma_start3A_210 = arith.constant 0 : i32
        %dma_start3A_211 = arith.constant 0 : i32
        %dma_start3A_212 = tpu.memref_slice %arg2[%dma_start3A_210, %dma_start3A_211] : memref<10000x64xf32, #tpu.memory_space<hbm>> -> memref<10000x64xf32, #tpu.memory_space<hbm>>
        tpu.enqueue_indirect_dma source(%dma_start3A_212 : memref<10000x64xf32, #tpu.memory_space<hbm>>) target(%arg10 : memref<128x64xf32, #tpu.memory_space<vmem>>) offsets(%dma_start3A_209 : memref<128xi32, #tpu.memory_space<vmem>>) semaphore(%arg16 : memref<!tpu.dma_semaphore, #tpu.memory_space<semaphore_mem>>)
      } else {
      }
      %mul3A_153 = arith.constant 5 : i32
      %mul3A_154 = arith.muli %mul3A_153, %add3A_81 : i32
      %add3A_155 = arith.constant 3 : i32
      %add3A_156 = arith.addi %mul3A_154, %add3A_155 : i32
      %dma_wait3A_157 = arith.constant 0 : i32
      %dma_wait3A_158 = tpu.memref_slice %arg7[%add3A_156, %dma_wait3A_157] : memref<80x128xi32, #tpu.memory_space<vmem>> -> memref<1x128xi32, #tpu.memory_space<vmem>>
      %dma_wait3A_159 = tpu.memref_squeeze %dma_wait3A_158 : memref<1x128xi32, #tpu.memory_space<vmem>> -> memref<128xi32, #tpu.memory_space<vmem>>
      %dma_wait3A_160 = arith.constant 0 : i32
      %dma_wait3A_161 = arith.constant 0 : i32
      %dma_wait3A_162 = tpu.memref_slice %arg2[%dma_wait3A_160, %dma_wait3A_161] : memref<10000x64xf32, #tpu.memory_space<hbm>> -> memref<10000x64xf32, #tpu.memory_space<hbm>>
      tpu.wait_indirect_dma semaphore(%arg18 : memref<!tpu.dma_semaphore, #tpu.memory_space<semaphore_mem>>) src(%dma_wait3A_162 : memref<10000x64xf32, #tpu.memory_space<hbm>>) dst(%arg12 : memref<128x64xf32, #tpu.memory_space<vmem>>)
      %dma_start3A_163 = arith.constant 0 : i32
      %dma_start3A_164 = tpu.memref_slice %arg8[%add3A_156, %dma_start3A_163] : memref<80x128xi32, #tpu.memory_space<vmem>> -> memref<1x128xi32, #tpu.memory_space<vmem>>
      %dma_start3A_165 = tpu.memref_squeeze %dma_start3A_164 : memref<1x128xi32, #tpu.memory_space<vmem>> -> memref<128xi32, #tpu.memory_space<vmem>>
      %dma_start3A_166 = arith.constant 0 : i32
      %dma_start3A_167 = arith.constant 0 : i32
      %dma_start3A_168 = tpu.memref_slice %arg14[%dma_start3A_166, %dma_start3A_167] : memref<10240x64xf32, #tpu.memory_space<vmem_shared>> -> memref<10240x64xf32, #tpu.memory_space<vmem_shared>>
      tpu.enqueue_indirect_dma source(%arg12 : memref<128x64xf32, #tpu.memory_space<vmem>>) target(%dma_start3A_168 : memref<10240x64xf32, #tpu.memory_space<vmem_shared>>) offsets(%dma_start3A_165 : memref<128xi32, #tpu.memory_space<vmem>>) semaphore(%arg23 : memref<!tpu.dma_semaphore, #tpu.memory_space<semaphore_mem>>) {add = true}
      %add3A_169 = arith.constant 5 : i32
      %add3A_170 = arith.addi %add3A_156, %add3A_169 : i32
      %sub3A_171 = arith.constant 1 : i32
      %sub3A_172 = arith.subi %add3A_170, %sub3A_171 : i32
      %lt3A_173 = arith.constant 80 : i32
      %lt3A_174 = arith.cmpi slt, %sub3A_172, %lt3A_173 : i32
      %convert_element_type3A_175 = arith.extui %lt3A_174 : i1 to i32
      %cond3A_176 = arith.constant 0 : i32
      %cond3A_177 = arith.cmpi ne, %convert_element_type3A_175, %cond3A_176 : i32
      scf.if %cond3A_177 {
        %ge3A = arith.constant 5 : i32
        %ge3A_203 = arith.cmpi sge, %sub3A_172, %ge3A : i32
        %convert_element_type3A_204 = arith.extui %ge3A_203 : i1 to i32
        %cond3A_205 = arith.constant 0 : i32
        %cond3A_206 = arith.cmpi ne, %convert_element_type3A_204, %cond3A_205 : i32
        scf.if %cond3A_206 {
          %sub3A_213 = arith.constant 5 : i32
          %sub3A_214 = arith.subi %sub3A_172, %sub3A_213 : i32
          %dma_wait3A_215 = arith.constant 0 : i32
          %dma_wait3A_216 = tpu.memref_slice %arg8[%sub3A_214, %dma_wait3A_215] : memref<80x128xi32, #tpu.memory_space<vmem>> -> memref<1x128xi32, #tpu.memory_space<vmem>>
          %dma_wait3A_217 = tpu.memref_squeeze %dma_wait3A_216 : memref<1x128xi32, #tpu.memory_space<vmem>> -> memref<128xi32, #tpu.memory_space<vmem>>
          %dma_wait3A_218 = arith.constant 0 : i32
          %dma_wait3A_219 = arith.constant 0 : i32
          %dma_wait3A_220 = tpu.memref_slice %arg14[%dma_wait3A_218, %dma_wait3A_219] : memref<10240x64xf32, #tpu.memory_space<vmem_shared>> -> memref<10240x64xf32, #tpu.memory_space<vmem_shared>>
          tpu.wait_indirect_dma semaphore(%arg22 : memref<!tpu.dma_semaphore, #tpu.memory_space<semaphore_mem>>) src(%arg11 : memref<128x64xf32, #tpu.memory_space<vmem>>) dst(%dma_wait3A_220 : memref<10240x64xf32, #tpu.memory_space<vmem_shared>>)
        } else {
        }
        %dma_start3A_207 = arith.constant 0 : i32
        %dma_start3A_208 = tpu.memref_slice %arg7[%sub3A_172, %dma_start3A_207] : memref<80x128xi32, #tpu.memory_space<vmem>> -> memref<1x128xi32, #tpu.memory_space<vmem>>
        %dma_start3A_209 = tpu.memref_squeeze %dma_start3A_208 : memref<1x128xi32, #tpu.memory_space<vmem>> -> memref<128xi32, #tpu.memory_space<vmem>>
        %dma_start3A_210 = arith.constant 0 : i32
        %dma_start3A_211 = arith.constant 0 : i32
        %dma_start3A_212 = tpu.memref_slice %arg2[%dma_start3A_210, %dma_start3A_211] : memref<10000x64xf32, #tpu.memory_space<hbm>> -> memref<10000x64xf32, #tpu.memory_space<hbm>>
        tpu.enqueue_indirect_dma source(%dma_start3A_212 : memref<10000x64xf32, #tpu.memory_space<hbm>>) target(%arg11 : memref<128x64xf32, #tpu.memory_space<vmem>>) offsets(%dma_start3A_209 : memref<128xi32, #tpu.memory_space<vmem>>) semaphore(%arg17 : memref<!tpu.dma_semaphore, #tpu.memory_space<semaphore_mem>>)
      } else {
      }
      %mul3A_178 = arith.constant 5 : i32
      %mul3A_179 = arith.muli %mul3A_178, %add3A_81 : i32
      %add3A_180 = arith.constant 4 : i32
      %add3A_181 = arith.addi %mul3A_179, %add3A_180 : i32
      %dma_wait3A_182 = arith.constant 0 : i32
      %dma_wait3A_183 = tpu.memref_slice %arg7[%add3A_181, %dma_wait3A_182] : memref<80x128xi32, #tpu.memory_space<vmem>> -> memref<1x128xi32, #tpu.memory_space<vmem>>
      %dma_wait3A_184 = tpu.memref_squeeze %dma_wait3A_183 : memref<1x128xi32, #tpu.memory_space<vmem>> -> memref<128xi32, #tpu.memory_space<vmem>>
      %dma_wait3A_185 = arith.constant 0 : i32
      %dma_wait3A_186 = arith.constant 0 : i32
      %dma_wait3A_187 = tpu.memref_slice %arg2[%dma_wait3A_185, %dma_wait3A_186] : memref<10000x64xf32, #tpu.memory_space<hbm>> -> memref<10000x64xf32, #tpu.memory_space<hbm>>
      tpu.wait_indirect_dma semaphore(%arg19 : memref<!tpu.dma_semaphore, #tpu.memory_space<semaphore_mem>>) src(%dma_wait3A_187 : memref<10000x64xf32, #tpu.memory_space<hbm>>) dst(%arg13 : memref<128x64xf32, #tpu.memory_space<vmem>>)
      %dma_start3A_188 = arith.constant 0 : i32
      %dma_start3A_189 = tpu.memref_slice %arg8[%add3A_181, %dma_start3A_188] : memref<80x128xi32, #tpu.memory_space<vmem>> -> memref<1x128xi32, #tpu.memory_space<vmem>>
      %dma_start3A_190 = tpu.memref_squeeze %dma_start3A_189 : memref<1x128xi32, #tpu.memory_space<vmem>> -> memref<128xi32, #tpu.memory_space<vmem>>
      %dma_start3A_191 = arith.constant 0 : i32
      %dma_start3A_192 = arith.constant 0 : i32
      %dma_start3A_193 = tpu.memref_slice %arg14[%dma_start3A_191, %dma_start3A_192] : memref<10240x64xf32, #tpu.memory_space<vmem_shared>> -> memref<10240x64xf32, #tpu.memory_space<vmem_shared>>
      tpu.enqueue_indirect_dma source(%arg13 : memref<128x64xf32, #tpu.memory_space<vmem>>) target(%dma_start3A_193 : memref<10240x64xf32, #tpu.memory_space<vmem_shared>>) offsets(%dma_start3A_190 : memref<128xi32, #tpu.memory_space<vmem>>) semaphore(%arg24 : memref<!tpu.dma_semaphore, #tpu.memory_space<semaphore_mem>>) {add = true}
      %add3A_194 = arith.constant 5 : i32
      %add3A_195 = arith.addi %add3A_181, %add3A_194 : i32
      %sub3A_196 = arith.constant 1 : i32
      %sub3A_197 = arith.subi %add3A_195, %sub3A_196 : i32
      %lt3A_198 = arith.constant 80 : i32
      %lt3A_199 = arith.cmpi slt, %sub3A_197, %lt3A_198 : i32
      %convert_element_type3A_200 = arith.extui %lt3A_199 : i1 to i32
      %cond3A_201 = arith.constant 0 : i32
      %cond3A_202 = arith.cmpi ne, %convert_element_type3A_200, %cond3A_201 : i32
      scf.if %cond3A_202 {
        %ge3A = arith.constant 5 : i32
        %ge3A_203 = arith.cmpi sge, %sub3A_197, %ge3A : i32
        %convert_element_type3A_204 = arith.extui %ge3A_203 : i1 to i32
        %cond3A_205 = arith.constant 0 : i32
        %cond3A_206 = arith.cmpi ne, %convert_element_type3A_204, %cond3A_205 : i32
        scf.if %cond3A_206 {
          %sub3A_213 = arith.constant 5 : i32
          %sub3A_214 = arith.subi %sub3A_197, %sub3A_213 : i32
          %dma_wait3A_215 = arith.constant 0 : i32
          %dma_wait3A_216 = tpu.memref_slice %arg8[%sub3A_214, %dma_wait3A_215] : memref<80x128xi32, #tpu.memory_space<vmem>> -> memref<1x128xi32, #tpu.memory_space<vmem>>
          %dma_wait3A_217 = tpu.memref_squeeze %dma_wait3A_216 : memref<1x128xi32, #tpu.memory_space<vmem>> -> memref<128xi32, #tpu.memory_space<vmem>>
          %dma_wait3A_218 = arith.constant 0 : i32
          %dma_wait3A_219 = arith.constant 0 : i32
          %dma_wait3A_220 = tpu.memref_slice %arg14[%dma_wait3A_218, %dma_wait3A_219] : memref<10240x64xf32, #tpu.memory_space<vmem_shared>> -> memref<10240x64xf32, #tpu.memory_space<vmem_shared>>
          tpu.wait_indirect_dma semaphore(%arg23 : memref<!tpu.dma_semaphore, #tpu.memory_space<semaphore_mem>>) src(%arg12 : memref<128x64xf32, #tpu.memory_space<vmem>>) dst(%dma_wait3A_220 : memref<10240x64xf32, #tpu.memory_space<vmem_shared>>)
        } else {
        }
        %dma_start3A_207 = arith.constant 0 : i32
        %dma_start3A_208 = tpu.memref_slice %arg7[%sub3A_197, %dma_start3A_207] : memref<80x128xi32, #tpu.memory_space<vmem>> -> memref<1x128xi32, #tpu.memory_space<vmem>>
        %dma_start3A_209 = tpu.memref_squeeze %dma_start3A_208 : memref<1x128xi32, #tpu.memory_space<vmem>> -> memref<128xi32, #tpu.memory_space<vmem>>
        %dma_start3A_210 = arith.constant 0 : i32
        %dma_start3A_211 = arith.constant 0 : i32
        %dma_start3A_212 = tpu.memref_slice %arg2[%dma_start3A_210, %dma_start3A_211] : memref<10000x64xf32, #tpu.memory_space<hbm>> -> memref<10000x64xf32, #tpu.memory_space<hbm>>
        tpu.enqueue_indirect_dma source(%dma_start3A_212 : memref<10000x64xf32, #tpu.memory_space<hbm>>) target(%arg12 : memref<128x64xf32, #tpu.memory_space<vmem>>) offsets(%dma_start3A_209 : memref<128xi32, #tpu.memory_space<vmem>>) semaphore(%arg18 : memref<!tpu.dma_semaphore, #tpu.memory_space<semaphore_mem>>)
      } else {
      }
    }
    %scan3A_36 = arith.constant 16 : i32
    %dma_wait3A = arith.constant 75 : i32
    %dma_wait3A_37 = arith.constant 0 : i32
    %dma_wait3A_38 = tpu.memref_slice %arg8[%dma_wait3A, %dma_wait3A_37] : memref<80x128xi32, #tpu.memory_space<vmem>> -> memref<1x128xi32, #tpu.memory_space<vmem>>
    %dma_wait3A_39 = tpu.memref_squeeze %dma_wait3A_38 : memref<1x128xi32, #tpu.memory_space<vmem>> -> memref<128xi32, #tpu.memory_space<vmem>>
    %dma_wait3A_40 = arith.constant 0 : i32
    %dma_wait3A_41 = arith.constant 0 : i32
    %dma_wait3A_42 = tpu.memref_slice %arg14[%dma_wait3A_40, %dma_wait3A_41] : memref<10240x64xf32, #tpu.memory_space<vmem_shared>> -> memref<10240x64xf32, #tpu.memory_space<vmem_shared>>
    tpu.wait_indirect_dma semaphore(%arg20 : memref<!tpu.dma_semaphore, #tpu.memory_space<semaphore_mem>>) src(%arg9 : memref<128x64xf32, #tpu.memory_space<vmem>>) dst(%dma_wait3A_42 : memref<10240x64xf32, #tpu.memory_space<vmem_shared>>)
    %dma_wait3A_43 = arith.constant 76 : i32
    %dma_wait3A_44 = arith.constant 0 : i32
    %dma_wait3A_45 = tpu.memref_slice %arg8[%dma_wait3A_43, %dma_wait3A_44] : memref<80x128xi32, #tpu.memory_space<vmem>> -> memref<1x128xi32, #tpu.memory_space<vmem>>
    %dma_wait3A_46 = tpu.memref_squeeze %dma_wait3A_45 : memref<1x128xi32, #tpu.memory_space<vmem>> -> memref<128xi32, #tpu.memory_space<vmem>>
    %dma_wait3A_47 = arith.constant 0 : i32
    %dma_wait3A_48 = arith.constant 0 : i32
    %dma_wait3A_49 = tpu.memref_slice %arg14[%dma_wait3A_47, %dma_wait3A_48] : memref<10240x64xf32, #tpu.memory_space<vmem_shared>> -> memref<10240x64xf32, #tpu.memory_space<vmem_shared>>
    tpu.wait_indirect_dma semaphore(%arg21 : memref<!tpu.dma_semaphore, #tpu.memory_space<semaphore_mem>>) src(%arg10 : memref<128x64xf32, #tpu.memory_space<vmem>>) dst(%dma_wait3A_49 : memref<10240x64xf32, #tpu.memory_space<vmem_shared>>)
    %dma_wait3A_50 = arith.constant 77 : i32
    %dma_wait3A_51 = arith.constant 0 : i32
    %dma_wait3A_52 = tpu.memref_slice %arg8[%dma_wait3A_50, %dma_wait3A_51] : memref<80x128xi32, #tpu.memory_space<vmem>> -> memref<1x128xi32, #tpu.memory_space<vmem>>
    %dma_wait3A_53 = tpu.memref_squeeze %dma_wait3A_52 : memref<1x128xi32, #tpu.memory_space<vmem>> -> memref<128xi32, #tpu.memory_space<vmem>>
    %dma_wait3A_54 = arith.constant 0 : i32
    %dma_wait3A_55 = arith.constant 0 : i32
    %dma_wait3A_56 = tpu.memref_slice %arg14[%dma_wait3A_54, %dma_wait3A_55] : memref<10240x64xf32, #tpu.memory_space<vmem_shared>> -> memref<10240x64xf32, #tpu.memory_space<vmem_shared>>
    tpu.wait_indirect_dma semaphore(%arg22 : memref<!tpu.dma_semaphore, #tpu.memory_space<semaphore_mem>>) src(%arg11 : memref<128x64xf32, #tpu.memory_space<vmem>>) dst(%dma_wait3A_56 : memref<10240x64xf32, #tpu.memory_space<vmem_shared>>)
    %dma_wait3A_57 = arith.constant 78 : i32
    %dma_wait3A_58 = arith.constant 0 : i32
    %dma_wait3A_59 = tpu.memref_slice %arg8[%dma_wait3A_57, %dma_wait3A_58] : memref<80x128xi32, #tpu.memory_space<vmem>> -> memref<1x128xi32, #tpu.memory_space<vmem>>
    %dma_wait3A_60 = tpu.memref_squeeze %dma_wait3A_59 : memref<1x128xi32, #tpu.memory_space<vmem>> -> memref<128xi32, #tpu.memory_space<vmem>>
    %dma_wait3A_61 = arith.constant 0 : i32
    %dma_wait3A_62 = arith.constant 0 : i32
    %dma_wait3A_63 = tpu.memref_slice %arg14[%dma_wait3A_61, %dma_wait3A_62] : memref<10240x64xf32, #tpu.memory_space<vmem_shared>> -> memref<10240x64xf32, #tpu.memory_space<vmem_shared>>
    tpu.wait_indirect_dma semaphore(%arg23 : memref<!tpu.dma_semaphore, #tpu.memory_space<semaphore_mem>>) src(%arg12 : memref<128x64xf32, #tpu.memory_space<vmem>>) dst(%dma_wait3A_63 : memref<10240x64xf32, #tpu.memory_space<vmem_shared>>)
    %dma_wait3A_64 = arith.constant 79 : i32
    %dma_wait3A_65 = arith.constant 0 : i32
    %dma_wait3A_66 = tpu.memref_slice %arg8[%dma_wait3A_64, %dma_wait3A_65] : memref<80x128xi32, #tpu.memory_space<vmem>> -> memref<1x128xi32, #tpu.memory_space<vmem>>
    %dma_wait3A_67 = tpu.memref_squeeze %dma_wait3A_66 : memref<1x128xi32, #tpu.memory_space<vmem>> -> memref<128xi32, #tpu.memory_space<vmem>>
    %dma_wait3A_68 = arith.constant 0 : i32
    %dma_wait3A_69 = arith.constant 0 : i32
    %dma_wait3A_70 = tpu.memref_slice %arg14[%dma_wait3A_68, %dma_wait3A_69] : memref<10240x64xf32, #tpu.memory_space<vmem_shared>> -> memref<10240x64xf32, #tpu.memory_space<vmem_shared>>
    tpu.wait_indirect_dma semaphore(%arg24 : memref<!tpu.dma_semaphore, #tpu.memory_space<semaphore_mem>>) src(%arg13 : memref<128x64xf32, #tpu.memory_space<vmem>>) dst(%dma_wait3A_70 : memref<10240x64xf32, #tpu.memory_space<vmem_shared>>)
    %barrier3A_71 = arith.constant 0 : index
    tpu.barrier barrier_id(%barrier3A_71)
    %scan3A_72 = arith.constant 0 : i32
    %scan3A_73 = arith.constant 5 : i32
    %scan3A_74 = arith.addi %scan3A_72, %scan3A_73 : i32
    %scan3A_75 = arith.constant 1 : i32
    scf.for %scan3A_77 = %scan3A_72 to %scan3A_74 step %scan3A_75  : i32 {
      %mul3A_78 = arith.constant 1 : i32
      %mul3A_79 = arith.muli %scan3A_77, %mul3A_78 : i32
      %add3A_80 = arith.constant 0 : i32
      %add3A_81 = arith.addi %add3A_80, %mul3A_79 : i32
      %mul3A_82 = arith.constant 640 : i32
      %mul3A_83 = arith.muli %arg1, %mul3A_82 : i32
      %mul3A_84 = arith.constant 128 : i32
      %mul3A_85 = arith.muli %add3A_81, %mul3A_84 : i32
      %add3A_86 = arith.addi %mul3A_83, %mul3A_85 : i32
      "tpu.region"() ({
        %run_scoped3A = tpu.sem_alloc : memref<!tpu.dma_semaphore, #tpu.memory_space<semaphore_mem>>
        %dma_start3A_87 = arith.constant 0 : i32
        %dma_start3A_88 = tpu.memref_slice %arg14[%add3A_86, %dma_start3A_87] : memref<10240x64xf32, #tpu.memory_space<vmem_shared>> -> memref<128x64xf32, #tpu.memory_space<vmem_shared>>
        %dma_start3A_89 = arith.constant 0 : i32
        %dma_start3A_90 = tpu.memref_slice %arg14[%add3A_86, %dma_start3A_89] : memref<10240x64xf32, #tpu.memory_space<vmem_shared>> -> memref<128x64xf32, #tpu.memory_space<vmem_shared>>
        tpu.enqueue_dma source(%dma_start3A_90 : memref<128x64xf32, #tpu.memory_space<vmem_shared>>) target(%arg9 : memref<128x64xf32, #tpu.memory_space<vmem>>) target_semaphore(%run_scoped3A : memref<!tpu.dma_semaphore, #tpu.memory_space<semaphore_mem>>)
        %dma_wait3A_91 = arith.constant 0 : i32
        %dma_wait3A_92 = tpu.memref_slice %arg14[%add3A_86, %dma_wait3A_91] : memref<10240x64xf32, #tpu.memory_space<vmem_shared>> -> memref<128x64xf32, #tpu.memory_space<vmem_shared>>
        %dma_wait3A_93 = arith.constant 0 : i32
        %dma_wait3A_94 = tpu.memref_slice %arg14[%add3A_86, %dma_wait3A_93] : memref<10240x64xf32, #tpu.memory_space<vmem_shared>> -> memref<128x64xf32, #tpu.memory_space<vmem_shared>>
        tpu.wait_dma2 semaphore(%run_scoped3A : memref<!tpu.dma_semaphore, #tpu.memory_space<semaphore_mem>>) src(%dma_wait3A_94 : memref<128x64xf32, #tpu.memory_space<vmem_shared>>) dst(%arg9 : memref<128x64xf32, #tpu.memory_space<vmem>>)
        tpu.yield
      }) : () -> ()
      "tpu.region"() ({
        %run_scoped3A = tpu.sem_alloc : memref<!tpu.dma_semaphore, #tpu.memory_space<semaphore_mem>>
        %dma_start3A_87 = arith.constant 0 : i32
        %dma_start3A_88 = tpu.memref_slice %arg6[%arg0, %add3A_86, %dma_start3A_87] : memref<2x10240x64xf32, #tpu.memory_space<hbm>> -> memref<1x128x64xf32, #tpu.memory_space<hbm>>
        %dma_start3A_89 = tpu.memref_squeeze %dma_start3A_88 : memref<1x128x64xf32, #tpu.memory_space<hbm>> -> memref<128x64xf32, #tpu.memory_space<hbm>>
        %dma_start3A_90 = arith.constant 0 : i32
        %dma_start3A_91 = tpu.memref_slice %arg6[%arg0, %add3A_86, %dma_start3A_90] : memref<2x10240x64xf32, #tpu.memory_space<hbm>> -> memref<1x128x64xf32, #tpu.memory_space<hbm>>
        %dma_start3A_92 = tpu.memref_squeeze %dma_start3A_91 : memref<1x128x64xf32, #tpu.memory_space<hbm>> -> memref<128x64xf32, #tpu.memory_space<hbm>>
        tpu.enqueue_dma source(%arg9 : memref<128x64xf32, #tpu.memory_space<vmem>>) target(%dma_start3A_92 : memref<128x64xf32, #tpu.memory_space<hbm>>) target_semaphore(%run_scoped3A : memref<!tpu.dma_semaphore, #tpu.memory_space<semaphore_mem>>)
        %dma_wait3A_93 = arith.constant 0 : i32
        %dma_wait3A_94 = tpu.memref_slice %arg6[%arg0, %add3A_86, %dma_wait3A_93] : memref<2x10240x64xf32, #tpu.memory_space<hbm>> -> memref<1x128x64xf32, #tpu.memory_space<hbm>>
        %dma_wait3A_95 = tpu.memref_squeeze %dma_wait3A_94 : memref<1x128x64xf32, #tpu.memory_space<hbm>> -> memref<128x64xf32, #tpu.memory_space<hbm>>
        %dma_wait3A_96 = arith.constant 0 : i32
        %dma_wait3A_97 = tpu.memref_slice %arg6[%arg0, %add3A_86, %dma_wait3A_96] : memref<2x10240x64xf32, #tpu.memory_space<hbm>> -> memref<1x128x64xf32, #tpu.memory_space<hbm>>
        %dma_wait3A_98 = tpu.memref_squeeze %dma_wait3A_97 : memref<1x128x64xf32, #tpu.memory_space<hbm>> -> memref<128x64xf32, #tpu.memory_space<hbm>>
        tpu.wait_dma2 semaphore(%run_scoped3A : memref<!tpu.dma_semaphore, #tpu.memory_space<semaphore_mem>>) src(%arg9 : memref<128x64xf32, #tpu.memory_space<vmem>>) dst(%dma_wait3A_98 : memref<128x64xf32, #tpu.memory_space<hbm>>)
        tpu.yield
      }) : () -> ()
    }
    %scan3A_76 = arith.constant 5 : i32
    return
  }
}

module attributes {stable_mosaic.version = 14 : i64} {
  func.func @_tc1_body(%arg0: memref<10000x128xf32, #tpu.memory_space<vmem>>, %arg1: memref<128x80xf32, #tpu.memory_space<vmem>>, %arg2: memref<10000x80xf32, #tpu.memory_space<vmem>>) attributes {dimension_semantics = [], scalar_prefetch = 0 : i64, scratch_operands = 0 : i64, tpu.core_type = #tpu.core_type<tc>} {
    %get3A = arith.constant 0 : index
    %get3A_0 = arith.constant 0 : index
    %get3A_1 = vector.load %arg0[%get3A, %get3A_0] : memref<10000x128xf32, #tpu.memory_space<vmem>>, vector<10000x128xf32>
    %get3A_2 = arith.constant 0 : index
    %get3A_3 = arith.constant 0 : index
    %get3A_4 = vector.load %arg1[%get3A_2, %get3A_3] : memref<128x80xf32, #tpu.memory_space<vmem>>, vector<128x80xf32>
    %dot_general3A = arith.constant dense<0.000000e+00> : vector<10000x80xf32>
    %dot_general3A_5 = tpu.matmul %get3A_1, %get3A_4, %dot_general3A {dimension_numbers = #tpu.dot_dimension_numbers<[1], [0], [0], [1], [0, 0, 1, 1], [], []>, transpose_lhs_hint = false} : vector<10000x128xf32>, vector<128x80xf32>, vector<10000x80xf32> -> vector<10000x80xf32>
    %iota3A = tpu.iota {dimensions = array<i32: 1>} : vector<10000x80xi32>
    %eq3A = arith.constant 64 : i32
    %eq3A_6 = vector.broadcast %eq3A : i32 to vector<10000x80xi32>
    %eq3A_7 = arith.cmpi eq, %iota3A, %eq3A_6 : vector<10000x80xi32>
    %convert_element_type3A = arith.extui %eq3A_7 : vector<10000x80xi1> to vector<10000x80xi32>
    %convert_element_type3A_8 = arith.sitofp %convert_element_type3A : vector<10000x80xi32> to vector<10000x80xf32>
    %add3A = arith.addf %dot_general3A_5, %convert_element_type3A_8 : vector<10000x80xf32>
    %swap3A = arith.constant 0 : index
    %swap3A_9 = arith.constant 0 : index
    %swap3A_10 = vector.load %arg2[%swap3A, %swap3A_9] : memref<10000x80xf32, #tpu.memory_space<vmem>>, vector<10000x80xf32>
    tpu.vector_store %arg2[%swap3A, %swap3A_9], %add3A {strides = array<i32>} : memref<10000x80xf32, #tpu.memory_space<vmem>>, vector<10000x80xf32>,
    return
  }
}

module attributes {stable_mosaic.version = 14 : i64} {
  func.func @_tc2_body(%arg0: memref<2x10240x80xf32, #tpu.memory_space<vmem>>, %arg1: memref<10000x128xf32, #tpu.memory_space<vmem>>, %arg2: memref<128x64xf32, #tpu.memory_space<vmem>>, %arg3: memref<1x64xf32, #tpu.memory_space<vmem>>, %arg4: memref<64x64xf32, #tpu.memory_space<vmem>>, %arg5: memref<10000x64xf32, #tpu.memory_space<vmem>>, %arg6: memref<10000x64xf32, #tpu.memory_space<vmem>>, %arg7: memref<10000x1xf32, #tpu.memory_space<vmem>>) attributes {dimension_semantics = [], scalar_prefetch = 0 : i64, scratch_operands = 0 : i64, tpu.core_type = #tpu.core_type<tc>} {
    %get3A = arith.constant 0 : index
    %get3A_0 = arith.constant 0 : index
    %get3A_1 = arith.constant 0 : index
    %get3A_2 = vector.load %arg0[%get3A, %get3A_0, %get3A_1] : memref<2x10240x80xf32, #tpu.memory_space<vmem>>, vector<1x10000x80xf32>
    %get3A_3 = vector.shape_cast %get3A_2 : vector<1x10000x80xf32> to vector<10000x80xf32>
    %get3A_4 = arith.constant 1 : index
    %get3A_5 = arith.constant 0 : index
    %get3A_6 = arith.constant 0 : index
    %get3A_7 = vector.load %arg0[%get3A_4, %get3A_5, %get3A_6] : memref<2x10240x80xf32, #tpu.memory_space<vmem>>, vector<1x10000x80xf32>
    %get3A_8 = vector.shape_cast %get3A_7 : vector<1x10000x80xf32> to vector<10000x80xf32>
    %add3A = arith.addf %get3A_3, %get3A_8 : vector<10000x80xf32>
    %slice3A = vector.extract_strided_slice %add3A {offsets = [0, 64], sizes = [10000, 1], strides = [1, 1]} : vector<10000x80xf32> to vector<10000x1xf32>
    %max3A = arith.constant 1.000000e+00 : f32
    %max3A_9 = vector.broadcast %max3A : f32 to vector<10000x1xf32>
    %max3A_10 = arith.maximumf %slice3A, %max3A_9 : vector<10000x1xf32>
    %div3A = arith.constant 1.000000e+00 : f32
    %div3A_11 = vector.broadcast %div3A : f32 to vector<10000x1xf32>
    %div3A_12 = arith.divf %div3A_11, %max3A_10 : vector<10000x1xf32>
    %slice3A_13 = vector.extract_strided_slice %add3A {offsets = [0, 0], sizes = [10000, 64], strides = [1, 1]} : vector<10000x80xf32> to vector<10000x64xf32>
    %mul3A = vector.broadcast %div3A_12 : vector<10000x1xf32> to vector<10000x64xf32>
    %mul3A_14 = arith.mulf %slice3A_13, %mul3A : vector<10000x64xf32>
    %get3A_15 = arith.constant 0 : index
    %get3A_16 = arith.constant 0 : index
    %get3A_17 = vector.load %arg1[%get3A_15, %get3A_16] : memref<10000x128xf32, #tpu.memory_space<vmem>>, vector<10000x128xf32>
    %get3A_18 = arith.constant 0 : index
    %get3A_19 = arith.constant 0 : index
    %get3A_20 = vector.load %arg2[%get3A_18, %get3A_19] : memref<128x64xf32, #tpu.memory_space<vmem>>, vector<128x64xf32>
    %dot_general3A = arith.constant dense<0.000000e+00> : vector<10000x64xf32>
    %dot_general3A_21 = tpu.matmul %get3A_17, %get3A_20, %dot_general3A {dimension_numbers = #tpu.dot_dimension_numbers<[1], [0], [0], [1], [0, 0, 1, 1], [], []>, transpose_lhs_hint = false} : vector<10000x128xf32>, vector<128x64xf32>, vector<10000x64xf32> -> vector<10000x64xf32>
    %get3A_22 = arith.constant 0 : index
    %get3A_23 = arith.constant 0 : index
    %get3A_24 = vector.load %arg3[%get3A_22, %get3A_23] : memref<1x64xf32, #tpu.memory_space<vmem>>, vector<1x64xf32>
    %add3A_25 = vector.broadcast %get3A_24 : vector<1x64xf32> to vector<10000x64xf32>
    %add3A_26 = arith.addf %mul3A_14, %add3A_25 : vector<10000x64xf32>
    %add3A_27 = arith.addf %add3A_26, %dot_general3A_21 : vector<10000x64xf32>
    %gt3A = arith.constant 0.000000e+00 : f32
    %gt3A_28 = vector.broadcast %gt3A : f32 to vector<10000x64xf32>
    %gt3A_29 = arith.cmpf ogt, %add3A_27, %gt3A_28 : vector<10000x64xf32>
    %min3A = arith.constant 0.000000e+00 : f32
    %min3A_30 = vector.broadcast %min3A : f32 to vector<10000x64xf32>
    %min3A_31 = arith.minimumf %add3A_27, %min3A_30 : vector<10000x64xf32>
    %exp3A = math.exp %min3A_31 : vector<10000x64xf32>
    %sub3A = arith.constant 1.000000e+00 : f32
    %sub3A_32 = vector.broadcast %sub3A : f32 to vector<10000x64xf32>
    %sub3A_33 = arith.subf %exp3A, %sub3A_32 : vector<10000x64xf32>
    %select_n3A = arith.select %gt3A_29, %add3A_27, %sub3A_33 : vector<10000x64xi1>, vector<10000x64xf32>
    %swap3A = arith.constant 0 : index
    %swap3A_34 = arith.constant 0 : index
    %swap3A_35 = vector.load %arg6[%swap3A, %swap3A_34] : memref<10000x64xf32, #tpu.memory_space<vmem>>, vector<10000x64xf32>
    tpu.vector_store %arg6[%swap3A, %swap3A_34], %select_n3A {strides = array<i32>} : memref<10000x64xf32, #tpu.memory_space<vmem>>, vector<10000x64xf32>,
    %get3A_36 = arith.constant 0 : index
    %get3A_37 = arith.constant 0 : index
    %get3A_38 = vector.load %arg4[%get3A_36, %get3A_37] : memref<64x64xf32, #tpu.memory_space<vmem>>, vector<64x64xf32>
    %dot_general3A_39 = arith.constant dense<0.000000e+00> : vector<10000x64xf32>
    %dot_general3A_40 = tpu.matmul %select_n3A, %get3A_38, %dot_general3A_39 {dimension_numbers = #tpu.dot_dimension_numbers<[1], [0], [0], [1], [0, 0, 1, 1], [], []>, transpose_lhs_hint = false} : vector<10000x64xf32>, vector<64x64xf32>, vector<10000x64xf32> -> vector<10000x64xf32>
    %swap3A_41 = arith.constant 0 : index
    %swap3A_42 = arith.constant 0 : index
    %swap3A_43 = vector.load %arg5[%swap3A_41, %swap3A_42] : memref<10000x64xf32, #tpu.memory_space<vmem>>, vector<10000x64xf32>
    tpu.vector_store %arg5[%swap3A_41, %swap3A_42], %dot_general3A_40 {strides = array<i32>} : memref<10000x64xf32, #tpu.memory_space<vmem>>, vector<10000x64xf32>,
    %swap3A_44 = arith.constant 0 : index
    %swap3A_45 = arith.constant 0 : index
    %swap3A_46 = vector.load %arg7[%swap3A_44, %swap3A_45] : memref<10000x1xf32, #tpu.memory_space<vmem>>, vector<10000x1xf32>
    tpu.vector_store %arg7[%swap3A_44, %swap3A_45], %div3A_12 {strides = array<i32>} : memref<10000x1xf32, #tpu.memory_space<vmem>>, vector<10000x1xf32>,
    return
  }
}

module attributes {stable_mosaic.version = 14 : i64} {
  func.func @_tc3_body(%arg0: memref<2x10240x64xf32, #tpu.memory_space<vmem>>, %arg1: memref<10000x64xf32, #tpu.memory_space<vmem>>, %arg2: memref<64x64xf32, #tpu.memory_space<vmem>>, %arg3: memref<1x64xf32, #tpu.memory_space<vmem>>, %arg4: memref<64x64xf32, #tpu.memory_space<vmem>>, %arg5: memref<10000x1xf32, #tpu.memory_space<vmem>>, %arg6: memref<10000x64xf32, #tpu.memory_space<vmem>>, %arg7: memref<10000x64xf32, #tpu.memory_space<vmem>>) attributes {dimension_semantics = [], scalar_prefetch = 0 : i64, scratch_operands = 0 : i64, tpu.core_type = #tpu.core_type<tc>} {
    %get3A = arith.constant 0 : index
    %get3A_0 = arith.constant 0 : index
    %get3A_1 = arith.constant 0 : index
    %get3A_2 = vector.load %arg0[%get3A, %get3A_0, %get3A_1] : memref<2x10240x64xf32, #tpu.memory_space<vmem>>, vector<1x10000x64xf32>
    %get3A_3 = vector.shape_cast %get3A_2 : vector<1x10000x64xf32> to vector<10000x64xf32>
    %get3A_4 = arith.constant 1 : index
    %get3A_5 = arith.constant 0 : index
    %get3A_6 = arith.constant 0 : index
    %get3A_7 = vector.load %arg0[%get3A_4, %get3A_5, %get3A_6] : memref<2x10240x64xf32, #tpu.memory_space<vmem>>, vector<1x10000x64xf32>
    %get3A_8 = vector.shape_cast %get3A_7 : vector<1x10000x64xf32> to vector<10000x64xf32>
    %add3A = arith.addf %get3A_3, %get3A_8 : vector<10000x64xf32>
    %get3A_9 = arith.constant 0 : index
    %get3A_10 = arith.constant 0 : index
    %get3A_11 = vector.load %arg5[%get3A_9, %get3A_10] : memref<10000x1xf32, #tpu.memory_space<vmem>>, vector<10000x1xf32>
    %mul3A = vector.broadcast %get3A_11 : vector<10000x1xf32> to vector<10000x64xf32>
    %mul3A_12 = arith.mulf %add3A, %mul3A : vector<10000x64xf32>
    %get3A_13 = arith.constant 0 : index
    %get3A_14 = arith.constant 0 : index
    %get3A_15 = vector.load %arg1[%get3A_13, %get3A_14] : memref<10000x64xf32, #tpu.memory_space<vmem>>, vector<10000x64xf32>
    %get3A_16 = arith.constant 0 : index
    %get3A_17 = arith.constant 0 : index
    %get3A_18 = vector.load %arg2[%get3A_16, %get3A_17] : memref<64x64xf32, #tpu.memory_space<vmem>>, vector<64x64xf32>
    %dot_general3A = arith.constant dense<0.000000e+00> : vector<10000x64xf32>
    %dot_general3A_19 = tpu.matmul %get3A_15, %get3A_18, %dot_general3A {dimension_numbers = #tpu.dot_dimension_numbers<[1], [0], [0], [1], [0, 0, 1, 1], [], []>, transpose_lhs_hint = false} : vector<10000x64xf32>, vector<64x64xf32>, vector<10000x64xf32> -> vector<10000x64xf32>
    %get3A_20 = arith.constant 0 : index
    %get3A_21 = arith.constant 0 : index
    %get3A_22 = vector.load %arg3[%get3A_20, %get3A_21] : memref<1x64xf32, #tpu.memory_space<vmem>>, vector<1x64xf32>
    %add3A_23 = vector.broadcast %get3A_22 : vector<1x64xf32> to vector<10000x64xf32>
    %add3A_24 = arith.addf %mul3A_12, %add3A_23 : vector<10000x64xf32>
    %add3A_25 = arith.addf %add3A_24, %dot_general3A_19 : vector<10000x64xf32>
    %gt3A = arith.constant 0.000000e+00 : f32
    %gt3A_26 = vector.broadcast %gt3A : f32 to vector<10000x64xf32>
    %gt3A_27 = arith.cmpf ogt, %add3A_25, %gt3A_26 : vector<10000x64xf32>
    %min3A = arith.constant 0.000000e+00 : f32
    %min3A_28 = vector.broadcast %min3A : f32 to vector<10000x64xf32>
    %min3A_29 = arith.minimumf %add3A_25, %min3A_28 : vector<10000x64xf32>
    %exp3A = math.exp %min3A_29 : vector<10000x64xf32>
    %sub3A = arith.constant 1.000000e+00 : f32
    %sub3A_30 = vector.broadcast %sub3A : f32 to vector<10000x64xf32>
    %sub3A_31 = arith.subf %exp3A, %sub3A_30 : vector<10000x64xf32>
    %select_n3A = arith.select %gt3A_27, %add3A_25, %sub3A_31 : vector<10000x64xi1>, vector<10000x64xf32>
    %swap3A = arith.constant 0 : index
    %swap3A_32 = arith.constant 0 : index
    %swap3A_33 = vector.load %arg7[%swap3A, %swap3A_32] : memref<10000x64xf32, #tpu.memory_space<vmem>>, vector<10000x64xf32>
    tpu.vector_store %arg7[%swap3A, %swap3A_32], %select_n3A {strides = array<i32>} : memref<10000x64xf32, #tpu.memory_space<vmem>>, vector<10000x64xf32>,
    %get3A_34 = arith.constant 0 : index
    %get3A_35 = arith.constant 0 : index
    %get3A_36 = vector.load %arg4[%get3A_34, %get3A_35] : memref<64x64xf32, #tpu.memory_space<vmem>>, vector<64x64xf32>
    %dot_general3A_37 = arith.constant dense<0.000000e+00> : vector<10000x64xf32>
    %dot_general3A_38 = tpu.matmul %select_n3A, %get3A_36, %dot_general3A_37 {dimension_numbers = #tpu.dot_dimension_numbers<[1], [0], [0], [1], [0, 0, 1, 1], [], []>, transpose_lhs_hint = false} : vector<10000x64xf32>, vector<64x64xf32>, vector<10000x64xf32> -> vector<10000x64xf32>
    %swap3A_39 = arith.constant 0 : index
    %swap3A_40 = arith.constant 0 : index
    %swap3A_41 = vector.load %arg6[%swap3A_39, %swap3A_40] : memref<10000x64xf32, #tpu.memory_space<vmem>>, vector<10000x64xf32>
    tpu.vector_store %arg6[%swap3A_39, %swap3A_40], %dot_general3A_38 {strides = array<i32>} : memref<10000x64xf32, #tpu.memory_space<vmem>>, vector<10000x64xf32>,
    return
  }
}

module attributes {stable_mosaic.version = 14 : i64} {
  func.func @_tc4_body(%arg0: memref<2x10240x64xf32, #tpu.memory_space<vmem>>, %arg1: memref<10000x64xf32, #tpu.memory_space<vmem>>, %arg2: memref<64x64xf32, #tpu.memory_space<vmem>>, %arg3: memref<1x64xf32, #tpu.memory_space<vmem>>, %arg4: memref<10000x1xf32, #tpu.memory_space<vmem>>, %arg5: memref<64x64xf32, #tpu.memory_space<vmem>>, %arg6: memref<1x64xf32, #tpu.memory_space<vmem>>, %arg7: memref<64x64xf32, #tpu.memory_space<vmem>>, %arg8: memref<1x64xf32, #tpu.memory_space<vmem>>, %arg9: memref<64x128xf32, #tpu.memory_space<vmem>>, %arg10: memref<1x128xf32, #tpu.memory_space<vmem>>, %arg11: memref<10000x128xf32, #tpu.memory_space<vmem>>) attributes {dimension_semantics = [], scalar_prefetch = 0 : i64, scratch_operands = 0 : i64, tpu.core_type = #tpu.core_type<tc>} {
    %get3A = arith.constant 0 : index
    %get3A_0 = arith.constant 0 : index
    %get3A_1 = arith.constant 0 : index
    %get3A_2 = vector.load %arg0[%get3A, %get3A_0, %get3A_1] : memref<2x10240x64xf32, #tpu.memory_space<vmem>>, vector<1x10000x64xf32>
    %get3A_3 = vector.shape_cast %get3A_2 : vector<1x10000x64xf32> to vector<10000x64xf32>
    %get3A_4 = arith.constant 1 : index
    %get3A_5 = arith.constant 0 : index
    %get3A_6 = arith.constant 0 : index
    %get3A_7 = vector.load %arg0[%get3A_4, %get3A_5, %get3A_6] : memref<2x10240x64xf32, #tpu.memory_space<vmem>>, vector<1x10000x64xf32>
    %get3A_8 = vector.shape_cast %get3A_7 : vector<1x10000x64xf32> to vector<10000x64xf32>
    %add3A = arith.addf %get3A_3, %get3A_8 : vector<10000x64xf32>
    %get3A_9 = arith.constant 0 : index
    %get3A_10 = arith.constant 0 : index
    %get3A_11 = vector.load %arg4[%get3A_9, %get3A_10] : memref<10000x1xf32, #tpu.memory_space<vmem>>, vector<10000x1xf32>
    %mul3A = vector.broadcast %get3A_11 : vector<10000x1xf32> to vector<10000x64xf32>
    %mul3A_12 = arith.mulf %add3A, %mul3A : vector<10000x64xf32>
    %get3A_13 = arith.constant 0 : index
    %get3A_14 = arith.constant 0 : index
    %get3A_15 = vector.load %arg1[%get3A_13, %get3A_14] : memref<10000x64xf32, #tpu.memory_space<vmem>>, vector<10000x64xf32>
    %get3A_16 = arith.constant 0 : index
    %get3A_17 = arith.constant 0 : index
    %get3A_18 = vector.load %arg2[%get3A_16, %get3A_17] : memref<64x64xf32, #tpu.memory_space<vmem>>, vector<64x64xf32>
    %dot_general3A = arith.constant dense<0.000000e+00> : vector<10000x64xf32>
    %dot_general3A_19 = tpu.matmul %get3A_15, %get3A_18, %dot_general3A {dimension_numbers = #tpu.dot_dimension_numbers<[1], [0], [0], [1], [0, 0, 1, 1], [], []>, transpose_lhs_hint = false} : vector<10000x64xf32>, vector<64x64xf32>, vector<10000x64xf32> -> vector<10000x64xf32>
    %get3A_20 = arith.constant 0 : index
    %get3A_21 = arith.constant 0 : index
    %get3A_22 = vector.load %arg3[%get3A_20, %get3A_21] : memref<1x64xf32, #tpu.memory_space<vmem>>, vector<1x64xf32>
    %add3A_23 = vector.broadcast %get3A_22 : vector<1x64xf32> to vector<10000x64xf32>
    %add3A_24 = arith.addf %mul3A_12, %add3A_23 : vector<10000x64xf32>
    %add3A_25 = arith.addf %add3A_24, %dot_general3A_19 : vector<10000x64xf32>
    %gt3A = arith.constant 0.000000e+00 : f32
    %gt3A_26 = vector.broadcast %gt3A : f32 to vector<10000x64xf32>
    %gt3A_27 = arith.cmpf ogt, %add3A_25, %gt3A_26 : vector<10000x64xf32>
    %min3A = arith.constant 0.000000e+00 : f32
    %min3A_28 = vector.broadcast %min3A : f32 to vector<10000x64xf32>
    %min3A_29 = arith.minimumf %add3A_25, %min3A_28 : vector<10000x64xf32>
    %exp3A = math.exp %min3A_29 : vector<10000x64xf32>
    %sub3A = arith.constant 1.000000e+00 : f32
    %sub3A_30 = vector.broadcast %sub3A : f32 to vector<10000x64xf32>
    %sub3A_31 = arith.subf %exp3A, %sub3A_30 : vector<10000x64xf32>
    %select_n3A = arith.select %gt3A_27, %add3A_25, %sub3A_31 : vector<10000x64xi1>, vector<10000x64xf32>
    %get3A_32 = arith.constant 0 : index
    %get3A_33 = arith.constant 0 : index
    %get3A_34 = vector.load %arg5[%get3A_32, %get3A_33] : memref<64x64xf32, #tpu.memory_space<vmem>>, vector<64x64xf32>
    %dot_general3A_35 = arith.constant dense<0.000000e+00> : vector<10000x64xf32>
    %dot_general3A_36 = tpu.matmul %select_n3A, %get3A_34, %dot_general3A_35 {dimension_numbers = #tpu.dot_dimension_numbers<[1], [0], [0], [1], [0, 0, 1, 1], [], []>, transpose_lhs_hint = false} : vector<10000x64xf32>, vector<64x64xf32>, vector<10000x64xf32> -> vector<10000x64xf32>
    %get3A_37 = arith.constant 0 : index
    %get3A_38 = arith.constant 0 : index
    %get3A_39 = vector.load %arg6[%get3A_37, %get3A_38] : memref<1x64xf32, #tpu.memory_space<vmem>>, vector<1x64xf32>
    %add3A_40 = vector.broadcast %get3A_39 : vector<1x64xf32> to vector<10000x64xf32>
    %add3A_41 = arith.addf %dot_general3A_36, %add3A_40 : vector<10000x64xf32>
    %gt3A_42 = arith.constant 0.000000e+00 : f32
    %gt3A_43 = vector.broadcast %gt3A_42 : f32 to vector<10000x64xf32>
    %gt3A_44 = arith.cmpf ogt, %add3A_41, %gt3A_43 : vector<10000x64xf32>
    %min3A_45 = arith.constant 0.000000e+00 : f32
    %min3A_46 = vector.broadcast %min3A_45 : f32 to vector<10000x64xf32>
    %min3A_47 = arith.minimumf %add3A_41, %min3A_46 : vector<10000x64xf32>
    %exp3A_48 = math.exp %min3A_47 : vector<10000x64xf32>
    %sub3A_49 = arith.constant 1.000000e+00 : f32
    %sub3A_50 = vector.broadcast %sub3A_49 : f32 to vector<10000x64xf32>
    %sub3A_51 = arith.subf %exp3A_48, %sub3A_50 : vector<10000x64xf32>
    %select_n3A_52 = arith.select %gt3A_44, %add3A_41, %sub3A_51 : vector<10000x64xi1>, vector<10000x64xf32>
    %get3A_53 = arith.constant 0 : index
    %get3A_54 = arith.constant 0 : index
    %get3A_55 = vector.load %arg7[%get3A_53, %get3A_54] : memref<64x64xf32, #tpu.memory_space<vmem>>, vector<64x64xf32>
    %dot_general3A_56 = arith.constant dense<0.000000e+00> : vector<10000x64xf32>
    %dot_general3A_57 = tpu.matmul %select_n3A_52, %get3A_55, %dot_general3A_56 {dimension_numbers = #tpu.dot_dimension_numbers<[1], [0], [0], [1], [0, 0, 1, 1], [], []>, transpose_lhs_hint = false} : vector<10000x64xf32>, vector<64x64xf32>, vector<10000x64xf32> -> vector<10000x64xf32>
    %get3A_58 = arith.constant 0 : index
    %get3A_59 = arith.constant 0 : index
    %get3A_60 = vector.load %arg8[%get3A_58, %get3A_59] : memref<1x64xf32, #tpu.memory_space<vmem>>, vector<1x64xf32>
    %add3A_61 = vector.broadcast %get3A_60 : vector<1x64xf32> to vector<10000x64xf32>
    %add3A_62 = arith.addf %dot_general3A_57, %add3A_61 : vector<10000x64xf32>
    %gt3A_63 = arith.constant 0.000000e+00 : f32
    %gt3A_64 = vector.broadcast %gt3A_63 : f32 to vector<10000x64xf32>
    %gt3A_65 = arith.cmpf ogt, %add3A_62, %gt3A_64 : vector<10000x64xf32>
    %min3A_66 = arith.constant 0.000000e+00 : f32
    %min3A_67 = vector.broadcast %min3A_66 : f32 to vector<10000x64xf32>
    %min3A_68 = arith.minimumf %add3A_62, %min3A_67 : vector<10000x64xf32>
    %exp3A_69 = math.exp %min3A_68 : vector<10000x64xf32>
    %sub3A_70 = arith.constant 1.000000e+00 : f32
    %sub3A_71 = vector.broadcast %sub3A_70 : f32 to vector<10000x64xf32>
    %sub3A_72 = arith.subf %exp3A_69, %sub3A_71 : vector<10000x64xf32>
    %select_n3A_73 = arith.select %gt3A_65, %add3A_62, %sub3A_72 : vector<10000x64xi1>, vector<10000x64xf32>
    %get3A_74 = arith.constant 0 : index
    %get3A_75 = arith.constant 0 : index
    %get3A_76 = vector.load %arg9[%get3A_74, %get3A_75] : memref<64x128xf32, #tpu.memory_space<vmem>>, vector<64x128xf32>
    %dot_general3A_77 = arith.constant dense<0.000000e+00> : vector<10000x128xf32>
    %dot_general3A_78 = tpu.matmul %select_n3A_73, %get3A_76, %dot_general3A_77 {dimension_numbers = #tpu.dot_dimension_numbers<[1], [0], [0], [1], [0, 0, 1, 1], [], []>, transpose_lhs_hint = false} : vector<10000x64xf32>, vector<64x128xf32>, vector<10000x128xf32> -> vector<10000x128xf32>
    %get3A_79 = arith.constant 0 : index
    %get3A_80 = arith.constant 0 : index
    %get3A_81 = vector.load %arg10[%get3A_79, %get3A_80] : memref<1x128xf32, #tpu.memory_space<vmem>>, vector<1x128xf32>
    %add3A_82 = vector.broadcast %get3A_81 : vector<1x128xf32> to vector<10000x128xf32>
    %add3A_83 = arith.addf %dot_general3A_78, %add3A_82 : vector<10000x128xf32>
    %swap3A = arith.constant 0 : index
    %swap3A_84 = arith.constant 0 : index
    %swap3A_85 = vector.load %arg11[%swap3A, %swap3A_84] : memref<10000x128xf32, #tpu.memory_space<vmem>>, vector<10000x128xf32>
    tpu.vector_store %arg11[%swap3A, %swap3A_84], %add3A_83 {strides = array<i32>} : memref<10000x128xf32, #tpu.memory_space<vmem>>, vector<10000x128xf32>,
    return
  }
}

</mosaic_0001>

<sc_bundles>
// kernel: kernel.12.cloned.1.call-start
scs
__scs_entry_jumppad:
0x0: {  	(pc) =	sbr.rel $0x88, $3  }
0x1: {  	(tag) =	ssettag $0x0;
	lr =	simm.s32 $0x1  }
0x2: {  	[smem:$0x3F90] =	sst lr;
	_ =	strace $0xD0000000  }
0x3: {  	_ = 	snop  }
0x4: {  	_ = 	snop  }
0x5: {  	_ = 	snop  }
0x6: {  	_ = 	snop  }
0x7: {  	_ = 	snop  }
__scs_overlays_trampoline_lowered:
0x8: {  	[smem:$0x3F9F] =	sst s0  }
0x9: {  	[smem:$0x3FA0] =	sst s1  }
0xa: {  	[smem:$0x3FA1] =	sst s2  }
0xb: {  	[smem:$0x3FA2] =	sst s3  }
0xc: {  	[smem:$0x3FA3] =	sst s4  }
0xd: {  	[smem:$0x3FA4] =	sst s5  }
0xe: {  	[smem:$0x3FA5] =	sst s6  }
0xf: {  	[smem:$0x3FA6] =	sst s7  }
0x10: {  	[smem:$0x3FA7] =	sst s8  }
0x11: {  	[smem:$0x3FA8] =	sst s9;
	s0 =	simm.s32 @!p0 $0x0  }
0x12: {  	s1 =	sld [smem:$0x3F8E];
	s0 =	simm.s32 @p0 $0x1  }
0x13: {  	[smem:$0x3FA9] =	sst s0;
	s0 =	simm.s32 @!p1 $0x0  }
0x14: {  	s2 =	sld [smem:$0x3F8D];
	s0 =	simm.s32 @p1 $0x1  }
0x15: {  	[smem:$0x3FAA] =	sst s0;
	s0 =	simm.s32 @!p2 $0x0  }
0x16: {  	s3 =	sld [smem:$0x3FDB];
	s0 =	simm.s32 @p2 $0x1  }
0x17: {  	s4 =	simm.s32 $0x1BF5;
	[smem:$0x3FAC] =	sst s0  }
0x18: {  	s0 =	sld [smem:$0x3F8F];
	_ =	swait.ge [sflag:s4], $0x0  }
0x19: {  	s7 =	sld [smem:$0x3F90]  }
0x1a: {  	s8 =	sadd.s32 $0xFFFFE003, lr  }
0x1b: {  	s9 =	sadd.s32 $0xFFFFFEF7, lr;
	s5 =	simm.s32 $0xFFFFFFFF;
	p2 =	slt.u32 s8, $0xFFFFF086  }
0x1c: {  	p1 =	slt.u32 s9, $0xF7A;
	s5 =	simm.s32 @!p2 $0x0  }
0x1d: {  	s5 =	simm.s32 @p1 $0x1;
	p0 =	seq.s32 s7, s2  }
0x1e: {  	s7 =	smul.u32 @!p0 $0xF7A, s2;
	p2 =	seq.s32 @!p0 s5, $0x0  }
0x1f: {  	s9 =	smul.u32 $0xF7A, s1;
	s8 =	simm.s32 @!p0 $0x1BF5;
	p2 =	por !p2, p0  }
0x20: {  	[sflag:s8] =	ssyncset.s32 @!p0 $0xFFFFF086;
	s6 =	sadd.s32 @!p0 s3, s7;
	s7 =	simm.s32 @!p0 $0x108  }
0x21: {  	s3 =	sadd.s32 s3, s9;
	s6 =	sadd.s32 @!p0 $0x88, s6;
	s7 =	simm.s32 @p2 $0x1082  }
0x22: {  	[simem:s7], [sflag:s8] =	dma.local @!p0 [hbm:s6], $0xF7A  }
0x23: {  	s9 =	sor.u32 $0xD0000000, s2;
	s6 =	simm.s32 $0x108;
	_ =	swait.ge @!p0 [sflag:s8], $0x0  }
0x24: {  	s3 =	sadd.s32 $0x88, s3;
	s6 =	simm.s32 @!p1 $0x1082;
	[sflag:s4] =	ssyncset.s32 $0xFFFFF086  }
0x25: {  	[simem:s6], [sflag:s4] =	dma.local [hbm:s3], $0xF7A  }
0x26: {  	[smem:$0x3F90] =	sst s1;
	(tag) =	ssettag s2;
	_ =	strace s9  }
0x27: {  	s1 =	sld [smem:$0x3FA0]  }
0x28: {  	s2 =	sld [smem:$0x3FA1]  }
0x29: {  	s4 =	sld [smem:$0x3FA3]  }
0x2a: {  	p0 =	seq.s32 s5, $0x0;
	s5 =	sld [smem:$0x3FA4]  }
0x2b: {  	s6 =	sld [smem:$0x3FA5]  }
0x2c: {  	s7 =	sld [smem:$0x3FA6]  }
0x2d: {  	s3 =	simm.s32 $0x108;
	s8 =	sld [smem:$0x3FA7]  }
0x2e: {  	s3 =	simm.s32 @!p0 $0x1082;
	s9 =	sld [smem:$0x3FA8]  }
0x2f: {  	lr =	sadd.s32 s0, s3;
	s0 =	sld [smem:$0x3F9F]  }
0x30: {  	s3 =	sld [smem:$0x3FA2]  }
0x31: {  	[smem:$0x3FAB] =	sst s10  }
0x32: {  	s10 =	sld [smem:$0x3FA9];
	_ =	sdelay $0x3  }
0x33: {  	p0 =	seq.s32 s10, $0x1;
	s10 =	sld [smem:$0x3FAB];
	_ =	sdelay $0x3  }
0x34: {  	[smem:$0x3FAB] =	sst s10  }
0x35: {  	s10 =	sld [smem:$0x3FAA];
	_ =	sdelay $0x3  }
0x36: {  	p1 =	seq.s32 s10, $0x1;
	s10 =	sld [smem:$0x3FAB];
	_ =	sdelay $0x3  }
0x37: {  	[smem:$0x3FAB] =	sst s10  }
0x38: {  	s10 =	sld [smem:$0x3FAC]  }
0x39: {  	_ = 	snop;
	(pc) =	sbr.ind lr, $3  }
0x3a: {  	_ = 	snop  }
0x3b: {  	_ = 	snop  }
0x3c: {  	p2 =	seq.s32 s10, $0x1;
	s10 =	sld [smem:$0x3FAB]  }
0x3d: {  	_ =	shalt  }
0x3e: {  	_ =	shalt  }
0x3f: {  	_ =	shalt  }
0x40: {  	_ =	shalt  }
0x41: {  	_ =	shalt  }
0x42: {  	_ =	shalt  }
0x43: {  	_ =	shalt  }
0x44: {  	_ =	shalt  }
0x45: {  	_ =	shalt  }
0x46: {  	_ =	shalt  }
0x47: {  	_ =	shalt  }
0x48: {  	_ =	shalt  }
0x49: {  	_ =	shalt  }
0x4a: {  	_ =	shalt  }
0x4b: {  	_ =	shalt  }
0x4c: {  	_ =	shalt  }
0x4d: {  	_ =	shalt  }
0x4e: {  	_ =	shalt  }
0x4f: {  	_ =	shalt  }
0x50: {  	_ =	shalt  }
0x51: {  	_ =	shalt  }
0x52: {  	_ =	shalt  }
0x53: {  	_ =	shalt  }
0x54: {  	_ =	shalt  }
0x55: {  	_ =	shalt  }
0x56: {  	_ =	shalt  }
0x57: {  	_ =	shalt  }
0x58: {  	_ =	shalt  }
0x59: {  	_ =	shalt  }
0x5a: {  	_ =	shalt  }
0x5b: {  	_ =	shalt  }
0x5c: {  	_ =	shalt  }
0x5d: {  	_ =	shalt  }
0x5e: {  	_ =	shalt  }
0x5f: {  	_ =	shalt  }
0x60: {  	_ =	shalt  }
0x61: {  	_ =	shalt  }
0x62: {  	_ =	shalt  }
0x63: {  	_ =	shalt  }
0x64: {  	_ =	shalt  }
0x65: {  	_ =	shalt  }
0x66: {  	_ =	shalt  }
0x67: {  	_ =	shalt  }
0x68: {  	_ =	shalt  }
0x69: {  	_ =	shalt  }
0x6a: {  	_ =	shalt  }
0x6b: {  	_ =	shalt  }
0x6c: {  	_ =	shalt  }
0x6d: {  	_ =	shalt  }
0x6e: {  	_ =	shalt  }
0x6f: {  	_ =	shalt  }
0x70: {  	_ =	shalt  }
0x71: {  	_ =	shalt  }
0x72: {  	_ =	shalt  }
0x73: {  	_ =	shalt  }
0x74: {  	_ =	shalt  }
0x75: {  	_ =	shalt  }
0x76: {  	_ =	shalt  }
0x77: {  	_ =	shalt  }
0x78: {  	_ =	shalt  }
0x79: {  	_ =	shalt  }
0x7a: {  	_ =	shalt  }
0x7b: {  	_ =	shalt  }
0x7c: {  	_ =	shalt  }
0x7d: {  	_ =	shalt  }
0x7e: {  	_ =	shalt  }
0x7f: {  	_ =	shalt  }
0x80: {  	_ =	shalt  }
0x81: {  	_ =	shalt  }
0x82: {  	_ =	shalt  }
0x83: {  	_ =	shalt  }
0x84: {  	_ =	shalt  }
0x85: {  	_ =	shalt  }
0x86: {  	_ =	shalt  }
0x87: {  	_ =	shalt  }
.Lfunc_end0:
.L_simem_size_0:
called_computation.1_lowered:
.L_overlay_start_0:
0x88: {  	s2 =	sld [smem:$0x3FD9]  }
0x89: {  	s3 =	sld [smem:$0x3FFE];
	_ =	sdelay $0x1  }
0x8a: {  	s1 =	srdreg.scid  }
0x8b: {  	s0 =	sand.u32 $0x1, s1  }
0x8c: {  	s17 =	sshll.u32 s0, $0xA;
	s2 =	sadd.s32 s3, s2  }
0x8d: {  	s2 =	sadd.s32 s2, s17  }
0x8e: {  	[smem:$0x3FB7] =	sst s2  }
0x8f: {  	_ = 	snop  }
0x90: {  	s2 =	sld [smem:$0x3FD0];
	(tm) =	ssettm $0x1  }
0x91: {  	s18 =	sld [smem:$0x3FFB];
	_ =	sdelay $0x3  }
0x92: {  	_ =	strace s18  }
0x93: {  	s3 =	sld [smem:$0x3FFC];
	_ =	sdelay $0x3  }
0x94: {  	_ =	strace s3  }
0x95: {  	s3 =	sld [smem:$0x3FFD];
	_ =	sdelay $0x3  }
0x96: {  	_ =	strace s3  }
0x97: {  	_ =	strace $0x8FFFFFFF  }
0x98: {  	s19 =	sld [smem:$0x3FDB];
	_ =	sdelay $0x1  }
0x99: {  	s4 =	simm.s32 $_scs_section_size  }
0x9a: {  	s5 =	simm.s32 $_size__tile_overlayer_lowered;
	s6 =	simm.s32 $_tile_overlayer_lowered  }
0x9b: {  	s22 =	simm.s32 $0x1BFF;
	s21 =	sshll.u32 s6, $0x1;
	s3 =	sadd.s32 s4, s19  }
0x9c: {  	s7 =	simm.s32 $0x0;
	s20 =	sshll.u32 s5, $0x1;
	s5 =	sadd.s32 s21, s3  }
0x9d: {  	[timem:s7], [sflag:s22] =	dma.local [hbm:s5], s20  }
0x9e: {  	_ =	swait.ge [sflag:s22], s20  }
0x9f: {  	s4 =	ssub.s32 $0x0, s20;
	[sflag:s22] =	ssyncset.done $0x0  }
0xa0: {  	[sflag:s22] =	ssyncadd.s32 s4;
	_ =	sdelay $0x1  }
0xa1: {  	s23 =	simm.s32 $0x1B8B  }
0xa2: {  	_ =	swait.ge [sflag:s23], $0x1  }
0xa3: {  	[sflag:s23] =	ssyncset.done $0x0  }
0xa4: {  	s25 =	simm.s32 $0x1B8E;
	s24 =	sld [smem:$0x3FFE];
	[sflag:s23] =	ssyncadd.s32 $0xFFFFFFFF  }
0xa5: {  	s26 =	simm.s32 $execute0_lowered;
	[smem:$0x3FD2] =	sst s25  }
0xa6: {  	s5 =	sshll.u32 s26, $0x1;
	_ =	strace $0x80000049;
	[dreg:$0x1] =	wrdreg $0xFFFFFFFF  }
0xa7: {  	s28 =	simm.s32 $_size_execute0_lowered;
	s3 =	sadd.s32 s3, s5;
	[dreg:$0x0] =	wrdreg $0x0  }
0xa8: {  	s5 =	sshll.u32 s28, $0x1;
	[dreg:$0x2] =	wrdreg s3  }
0xa9: {  	[dreg:$0x3] =	wrdreg s5  }
0xaa: {  	[dreg:$0x4] =	wrdreg $0xC0  }
0xab: {  	_ =	task [dreg:s7], $0x5FFFF  }
0xac: {  	[dreg:$0x1] =	wrdreg $0xFFFFFFFF  }
0xad: {  	[dreg:$0x0] =	wrdreg $0x60  }
0xae: {  	[dreg:$0x2] =	wrdreg s2  }
0xaf: {  	[dreg:$0x3] =	wrdreg s24  }
0xb0: {  	[dreg:$0x4] =	wrdreg $0xF0000  }
0xb1: {  	[dreg:$0x5] =	wrdreg $0x9  }
0xb2: {  	_ =	task.clear_ibuf [dreg:s7], $0x6FFFF;
	_ =	strace $0x90000049  }
0xb3: {  	s29 =	simm.s32 $0x9;
	_ =	strace $0x8000004B  }
0xb4: {  	_ =	swait.ge [sflag:s29], $0x1  }
0xb5: {  	[sflag:s29] =	ssyncadd.s32 $0xFFFFFFFF  }
0xb6: {  	_ =	strace $0x9000004B  }
0xb7: {  	_ =	sfence  }
0xb8: {  	s30 =	sld [smem:$0x0];
	_ =	sdelay $0x2  }
0xb9: {  	s31 =	sshll.u32 s1, $0xD;
	s1 =	sshrl.u32 s1, $0x2  }
0xba: {  	s3 =	sand.u32 $0x4000, s31;
	s1 =	sadd.s32 s1, s30  }
0xbb: {  	s0 =	sor.u32 s3, s0;
	s1 =	sshll.u32 s1, $0x11  }
0xbc: {  	s0 =	sor.u32 s1, s0  }
0xbd: {  	s0 =	sadd.s32 $0x8F2B, s0  }
0xbe: {  	[sflag:s0] =	ssyncadd.remote.s32 $0x1  }
0xbf: {  	_ =	sfence.sel $0xFFFF  }
0xc0: {  	[dreg:$0x0] =	wrdreg $0xFFFFFFFF;
	(pc) =	sbr.abs _section_cstart, $3  }
0xc1: {  	[dreg:$0x1] =	wrdreg $0xFFFFFFFF  }
0xc2: {  	_ =	task.clear_ibuf [dreg:s7], $0x2FFFF;
	_ =	strace $0x9FFFFFFF  }
0xc3: {  	(tm) =	ssettm $0x7FFFFFFF  }
tec
execute0_lowered:
.L_overlay_start_1:
0x0: {  	(tag) =	ssettag $0x1  }
0x1: {  	s1 =	rddreg [dreg:$0x0]  }
0x2: {  	s0 =	rddreg [dreg:$0x1];
	s2 =	srdreg.scid  }
0x3: {  	s9 =	stileid.u32;
	s3 =	rddreg [dreg:$0x2];
	s4 =	simm.s32 $0x0  }
0x4: {  	s28 =	simm.s32 $0x80;
	s29 =	simm.s32 $0x7000;
	s31 =	simm.s32 $0x9000  }
0x5: {  	s30 =	simm.s32 $0x1;
	s2 =	sand.u32 $0x1, s2;
	s5 =	sshll.u32 s9, $0x1  }
0x6: {  	[smem:$0x7FF] =	sst s4;
	s7 =	smul.u32 $0x28000, s9;
	s8 =	sadd.s32 $0x17E00, s0  }
0x7: {  	s11 =	smul.u32 $0xA000, s9;
	s9 =	simm.s32 $0x7;
	s5 =	sor.u32 s2, s5  }
0x8: {  	_ =	strace $0x8000004A;
	s6 =	ssub.s32 $0x2, s2;
	s2 =	smul.u32 $0xA0000, s2  }
0x9: {  	[dreg:$0x4] =	wrdreg s8;
	s5 =	smul.u32 $0x500, s5;
	s26 =	sshrl.u32 s6, $0x1  }
0xa: {  	s10 =	sshrl.u32 s7, $0x2;
	s13 =	sadd.s32 s11, s3;
	s19 =	sadd.s32 $0x2000, s11  }
0xb: {  	s22 =	sadd.s32 $0x4000, s11;
	s25 =	sadd.s32 $0x6000, s11;
	s7 =	sadd.s32 $0x8000, s11  }
0xc: {  	s8 =	ssub.s32 s6, s26;
	s6 =	sadd.s32 s10, s3;
	[dreg:$0x7] =	wrdreg s13  }
0xd: {  	s17 =	sadd.s32 s2, s11;
	s21 =	sadd.s32 s2, s19;
	s23 =	sadd.s32 s22, s3  }
0xe: {  	s24 =	sadd.s32 s2, s22;
	s26 =	sadd.s32 s2, s25;
	s2 =	sadd.s32 s2, s7  }
0xf: {  	s22 =	sadd.s32 s7, s3;
	s7 =	simm.s32 $0x6;
	s10 =	simm.s32 $0x4  }
0x10: {  	s11 =	simm.s32 $0x8;
	s14 =	smax.u32 s8, $0x1;
	[dreg:$0x10] =	wrdreg s23  }
0x11: {  	s13 =	simm.s32 $0x9;
	s15 =	sadd.s32 $0x2000, s6;
	[dreg:$0x8] =	wrdreg s14  }
0x12: {  	s5 =	sadd.s32 s5, s0;
	s16 =	sadd.s32 $0x4000, s6;
	[dreg:$0x9] =	wrdreg s15  }
0x13: {  	s0 =	sadd.s32 $0x18200, s0;
	s18 =	sadd.s32 $0x6000, s6;
	[dreg:$0xa] =	wrdreg s16  }
0x14: {  	s20 =	sadd.s32 $0x8000, s6;
	s8 =	sadd.s32 s19, s3;
	[dreg:$0xb] =	wrdreg s18  }
0x15: {  	s2 =	sshrl.u32 s2, $0x3;
	s12 =	sadd.s32 $0xDE00, s5;
	[dreg:$0xc] =	wrdreg s20  }
0x16: {  	s5 =	sadd.s32 $0x3E00, s5;
	[dreg:$0xe] =	wrdreg s8;
	s8 =	sadd.s32 s25, s3  }
0x17: {  	s23 =	sadd.s32 s0, s2;
	[dreg:$0x6] =	wrdreg s5;
	s5 =	sshrl.u32 s17, $0x3  }
0x18: {  	s25 =	simm.s32 $0xB;
	s2 =	simm.s32 $0xD000;
	s5 =	sadd.s32 s0, s5  }
0x19: {  	s14 =	simm.s32 $0xA;
	[dreg:$0xd] =	wrdreg s5;
	s5 =	sshrl.u32 s21, $0x3  }
0x1a: {  	s15 =	simm.s32 $0x0;
	[dreg:$0x5] =	wrdreg s12;
	s5 =	sadd.s32 s0, s5  }
.Ltmp0:
0x1b: {  	[dreg:$0xf] =	wrdreg s5;
	s5 =	sshrl.u32 s24, $0x3;
	(pc) =	sbr.rel .LBB2_1-.Ltmp0, $4  }
0x1c: {  	[dreg:$0x12] =	wrdreg s8;
	s8 =	simm.s32 $0x3;
	s5 =	sadd.s32 s0, s5  }
0x1d: {  	s12 =	simm.s32 $0x5;
	[dreg:$0x11] =	wrdreg s5;
	s5 =	sshrl.u32 s26, $0x3  }
0x1e: {  	s24 =	simm.s32 $0x5000;
	s26 =	simm.s32 $0x2800;
	s5 =	sadd.s32 s0, s5  }
0x1f: {  	s0 =	simm.s32 $0xB000;
	[dreg:$0x13] =	wrdreg s5;
	s5 =	simm.s32 $0x2  }
.LBB2_4:
0x20: {  	_ =	swait.ge [sflag:s12], $0x2000  }
0x21: {  	[sflag:s12] =	ssyncset.done $0x0  }
0x22: {  	[sflag:s12] =	ssyncadd.s32 $0xFFFFE000  }
0x23: {  	[spmem:s3] =	stream.indirect.scatter.add.f32 [tilespmem:s2], [sflag:$0xA], $0x40, s18, s28, $0xb8;
	[tilespmem:$0x19000] =	vst v63  }
0x24: {  	_ =	swait.ge [sflag:s7], $0x2000  }
0x25: {  	[sflag:s7] =	ssyncset.done $0x0  }
0x26: {  	[sflag:s7] =	ssyncadd.s32 $0xFFFFE000  }
0x27: {  	_ =	swait.ge [sflag:s9], $0x2000  }
0x28: {  	[sflag:s9] =	ssyncset.done $0x0  }
0x29: {  	[sflag:s9] =	ssyncadd.s32 $0xFFFFE000  }
0x2a: {  	_ =	swait.ge [sflag:s11], $0x2000  }
0x2b: {  	[sflag:s11] =	ssyncset.done $0x0  }
0x2c: {  	[sflag:s11] =	ssyncadd.s32 $0xFFFFE000  }
0x2d: {  	_ =	swait.ge [sflag:s13], $0x2000  }
0x2e: {  	[sflag:s13] =	ssyncset.done $0x0  }
0x2f: {  	[sflag:s13] =	ssyncadd.s32 $0xFFFFE000  }
0x30: {  	_ =	swait.ge [sflag:s14], $0x2000  }
0x31: {  	[sflag:s14] =	ssyncset.done $0x0  }
0x32: {  	[sflag:s14] =	ssyncadd.s32 $0xFFFFE000  }
0x33: {  	[bflag:$0x0] =	sbarrier.arrive $0xFFFF  }
0x34: {  	s16 =	rddreg [dreg:$0x7]  }
0x35: {  	[tilespmem:s24], [sflag:$0xB] =	stream.linear.gather [spmem:s16], $0x2000, $0x38;
	[tilespmem:$0x19000] =	vst v63  }
0x36: {  	_ =	swait.ge [sflag:s25], $0x2000  }
0x37: {  	[sflag:s25] =	ssyncset.done $0x0  }
0x38: {  	s19 =	rddreg [dreg:$0xd];
	[sflag:s25] =	ssyncadd.s32 $0xFFFFE000  }
0x39: {  	[hbm4b:s19+s4] =	stream.linear.scatter [tilespmem:s24], [sflag:$0xB], $0x2000, $0x38;
	[tilespmem:$0x19000] =	vst v63  }
0x3a: {  	_ =	swait.ge [sflag:s25], $0x2000  }
0x3b: {  	[sflag:s25] =	ssyncset.done $0x0  }
0x3c: {  	s20 =	rddreg [dreg:$0xe];
	[sflag:s25] =	ssyncadd.s32 $0xFFFFE000  }
0x3d: {  	[tilespmem:s24], [sflag:$0xB] =	stream.linear.gather [spmem:s20], $0x2000, $0x38;
	[tilespmem:$0x19000] =	vst v63  }
0x3e: {  	_ =	swait.ge [sflag:s25], $0x2000  }
0x3f: {  	[sflag:s25] =	ssyncset.done $0x0  }
0x40: {  	s21 =	rddreg [dreg:$0xf];
	[sflag:s25] =	ssyncadd.s32 $0xFFFFE000  }
0x41: {  	[hbm4b:s21+s4] =	stream.linear.scatter [tilespmem:s24], [sflag:$0xB], $0x2000, $0x38;
	[tilespmem:$0x19000] =	vst v63  }
0x42: {  	_ =	swait.ge [sflag:s25], $0x2000  }
0x43: {  	[sflag:s25] =	ssyncset.done $0x0  }
0x44: {  	s17 =	rddreg [dreg:$0x10];
	[sflag:s25] =	ssyncadd.s32 $0xFFFFE000  }
0x45: {  	[tilespmem:s24], [sflag:$0xB] =	stream.linear.gather [spmem:s17], $0x2000, $0x38;
	[tilespmem:$0x19000] =	vst v63  }
0x46: {  	_ =	swait.ge [sflag:s25], $0x2000  }
0x47: {  	[sflag:s25] =	ssyncset.done $0x0  }
0x48: {  	s18 =	rddreg [dreg:$0x11];
	[sflag:s25] =	ssyncadd.s32 $0xFFFFE000  }
0x49: {  	[hbm4b:s18+s4] =	stream.linear.scatter [tilespmem:s24], [sflag:$0xB], $0x2000, $0x38;
	[tilespmem:$0x19000] =	vst v63  }
0x4a: {  	_ =	swait.ge [sflag:s25], $0x2000  }
0x4b: {  	[sflag:s25] =	ssyncset.done $0x0  }
0x4c: {  	s19 =	rddreg [dreg:$0x12];
	[sflag:s25] =	ssyncadd.s32 $0xFFFFE000  }
0x4d: {  	[tilespmem:s24], [sflag:$0xB] =	stream.linear.gather [spmem:s19], $0x2000, $0x38;
	[tilespmem:$0x19000] =	vst v63  }
0x4e: {  	_ =	swait.ge [sflag:s25], $0x2000  }
0x4f: {  	[sflag:s25] =	ssyncset.done $0x0  }
0x50: {  	s20 =	rddreg [dreg:$0x13];
	[sflag:s25] =	ssyncadd.s32 $0xFFFFE000  }
0x51: {  	[hbm4b:s20+s4] =	stream.linear.scatter [tilespmem:s24], [sflag:$0xB], $0x2000, $0x38;
	[tilespmem:$0x19000] =	vst v63  }
0x52: {  	_ =	swait.ge [sflag:s25], $0x2000  }
0x53: {  	[sflag:s25] =	ssyncset.done $0x0  }
0x54: {  	[sflag:s25] =	ssyncadd.s32 $0xFFFFE000  }
0x55: {  	[tilespmem:s24], [sflag:$0xB] =	stream.linear.gather [spmem:s22], $0x2000, $0x38;
	[tilespmem:$0x19000] =	vst v63  }
0x56: {  	_ =	swait.ge [sflag:s25], $0x2000  }
0x57: {  	[sflag:s25] =	ssyncset.done $0x0  }
0x58: {  	[sflag:s25] =	ssyncadd.s32 $0xFFFFE000  }
0x59: {  	[hbm4b:s23+s4] =	stream.linear.scatter [tilespmem:s24], [sflag:$0xB], $0x2000, $0x38;
	[tilespmem:$0x19000] =	vst v63  }
0x5a: {  	_ =	swait.ge [sflag:s25], $0x2000  }
0x5b: {  	s15 =	sadd.s32 $0x1, s15;
	s21 =	rddreg [dreg:$0x8]  }
0x5c: {  	p0 =	sne.s32 s15, s21  }
.Ltmp1:
0x5d: {  	_ = 	snop;
	(pc) =	sbr.rel @!p0 .LBB2_5-.Ltmp1, $3  }
0x5e: {  	_ =	sdelay $0x1  }
0x5f: {  	[sflag:s25] =	ssyncset.done $0x0  }
0x60: {  	[sflag:s25] =	ssyncadd.s32 $0xFFFFE000  }
.LBB2_1:
0x61: {  	s16 =	rddreg [dreg:$0x4]  }
0x62: {  	[tilespmem:s24], [sflag:$0xB] =	stream.linear.gather [hbm4b:s16+s4], $0x2000, $0x38;
	[tilespmem:$0x19000] =	vst v63  }
0x63: {  	_ =	swait.ge [sflag:s25], $0x2000  }
0x64: {  	[sflag:s25] =	ssyncset.done $0x0  }
0x65: {  	[sflag:s25] =	ssyncadd.s32 $0xFFFFE000  }
0x66: {  	[spmem:s6] =	stream.linear.scatter [tilespmem:s24], [sflag:$0xB], $0x2000, $0x38;
	[tilespmem:$0x19000] =	vst v63  }
0x67: {  	_ =	swait.ge [sflag:s25], $0x2000  }
0x68: {  	[sflag:s25] =	ssyncset.done $0x0  }
0x69: {  	s20 =	rddreg [dreg:$0x9];
	[sflag:s25] =	ssyncadd.s32 $0xFFFFE000  }
0x6a: {  	[spmem:s20] =	stream.linear.scatter [tilespmem:s24], [sflag:$0xB], $0x2000, $0x38;
	[tilespmem:$0x19000] =	vst v63  }
0x6b: {  	_ =	swait.ge [sflag:s25], $0x2000  }
0x6c: {  	[sflag:s25] =	ssyncset.done $0x0  }
0x6d: {  	s21 =	rddreg [dreg:$0xa];
	[sflag:s25] =	ssyncadd.s32 $0xFFFFE000  }
0x6e: {  	[spmem:s21] =	stream.linear.scatter [tilespmem:s24], [sflag:$0xB], $0x2000, $0x38;
	[tilespmem:$0x19000] =	vst v63  }
0x6f: {  	_ =	swait.ge [sflag:s25], $0x2000  }
0x70: {  	[sflag:s25] =	ssyncset.done $0x0  }
0x71: {  	s17 =	rddreg [dreg:$0xb];
	[sflag:s25] =	ssyncadd.s32 $0xFFFFE000  }
0x72: {  	[spmem:s17] =	stream.linear.scatter [tilespmem:s24], [sflag:$0xB], $0x2000, $0x38;
	[tilespmem:$0x19000] =	vst v63  }
0x73: {  	_ =	swait.ge [sflag:s25], $0x2000  }
0x74: {  	[sflag:s25] =	ssyncset.done $0x0  }
0x75: {  	s18 =	rddreg [dreg:$0xc];
	[sflag:s25] =	ssyncadd.s32 $0xFFFFE000  }
0x76: {  	[spmem:s18] =	stream.linear.scatter [tilespmem:s24], [sflag:$0xB], $0x2000, $0x38;
	[tilespmem:$0x19000] =	vst v63  }
0x77: {  	_ =	swait.ge [sflag:s25], $0x2000  }
0x78: {  	[sflag:s25] =	ssyncset.done $0x0  }
0x79: {  	s19 =	rddreg [dreg:$0x5];
	[sflag:s25] =	ssyncadd.s32 $0xFFFFE000  }
0x7a: {  	[tilespmem:s4], [sflag:$0xB] =	stream.linear.gather [hbm4b:s19+s4], $0x2800, $0x38;
	[tilespmem:$0x19000] =	vst v63  }
0x7b: {  	_ =	swait.ge [sflag:s25], $0x2800  }
0x7c: {  	[sflag:s25] =	ssyncset.done $0x0  }
0x7d: {  	s20 =	rddreg [dreg:$0x6];
	[sflag:s25] =	ssyncadd.s32 $0xFFFFD800  }
0x7e: {  	[tilespmem:s26], [sflag:$0xB] =	stream.linear.gather [hbm4b:s20+s4], $0x2800, $0x38;
	[tilespmem:$0x19000] =	vst v63  }
0x7f: {  	_ =	swait.ge [sflag:s25], $0x2800  }
0x80: {  	[sflag:s25] =	ssyncset.done $0x0  }
0x81: {  	[sflag:s25] =	ssyncadd.s32 $0xFFFFD800  }
0x82: {  	[bflag:$0x0] =	sbarrier.arrive $0xFFFF  }
0x83: {  	[tilespmem:s24], [sflag:$0x1] =	stream.indirect.gather [hbm4b:s1+s28], $0x40, s4, s28, $0xb8;
	[tilespmem:$0x19000] =	vst v63  }
0x84: {  	_ = 	snop  }
0x85: {  	[tilespmem:s29], [sflag:$0x2] =	stream.indirect.gather [hbm4b:s1+s28], $0x40, s28, s28, $0xb8;
	[tilespmem:$0x19000] =	vst v63  }
0x86: {  	s21 =	simm.s32 $0x100  }
0x87: {  	[tilespmem:s31], [sflag:$0x3] =	stream.indirect.gather [hbm4b:s1+s28], $0x40, s21, s28, $0xb8;
	[tilespmem:$0x19000] =	vst v63  }
0x88: {  	s17 =	simm.s32 $0x180  }
0x89: {  	[tilespmem:s0], [sflag:$0x4] =	stream.indirect.gather [hbm4b:s1+s28], $0x40, s17, s28, $0xb8;
	[tilespmem:$0x19000] =	vst v63  }
0x8a: {  	_ =	swait.ge [sflag:s30], $0x2000  }
0x8b: {  	[sflag:s30] =	ssyncset.done $0x0  }
0x8c: {  	[sflag:s30] =	ssyncadd.s32 $0xFFFFE000  }
0x8d: {  	[spmem:s3] =	stream.indirect.scatter.add.f32 [tilespmem:s24], [sflag:$0x6], $0x40, s26, s28, $0xb8;
	[tilespmem:$0x19000] =	vst v63  }
0x8e: {  	s18 =	simm.s32 $0x200  }
0x8f: {  	[tilespmem:s2], [sflag:$0x5] =	stream.indirect.gather [hbm4b:s1+s28], $0x40, s18, s28, $0xb8;
	[tilespmem:$0x19000] =	vst v63  }
0x90: {  	_ =	swait.ge [sflag:s5], $0x2000  }
0x91: {  	[sflag:s5] =	ssyncset.done $0x0  }
0x92: {  	s19 =	simm.s32 $0x2880;
	[sflag:s5] =	ssyncadd.s32 $0xFFFFE000  }
0x93: {  	[spmem:s3] =	stream.indirect.scatter.add.f32 [tilespmem:s29], [sflag:$0x7], $0x40, s19, s28, $0xb8;
	[tilespmem:$0x19000] =	vst v63  }
0x94: {  	_ =	swait.ge [sflag:s7], $0x2000  }
0x95: {  	[sflag:s7] =	ssyncset.done $0x0  }
0x96: {  	s20 =	simm.s32 $0x280;
	[sflag:s7] =	ssyncadd.s32 $0xFFFFE000  }
0x97: {  	[tilespmem:s24], [sflag:$0x1] =	stream.indirect.gather [hbm4b:s1+s28], $0x40, s20, s28, $0xb8;
	[tilespmem:$0x19000] =	vst v63  }
0x98: {  	_ =	swait.ge [sflag:s8], $0x2000  }
0x99: {  	[sflag:s8] =	ssyncset.done $0x0  }
0x9a: {  	s21 =	simm.s32 $0x2900;
	[sflag:s8] =	ssyncadd.s32 $0xFFFFE000  }
0x9b: {  	[spmem:s3] =	stream.indirect.scatter.add.f32 [tilespmem:s31], [sflag:$0x8], $0x40, s21, s28, $0xb8;
	[tilespmem:$0x19000] =	vst v63  }
0x9c: {  	_ =	swait.ge [sflag:s9], $0x2000  }
0x9d: {  	[sflag:s9] =	ssyncset.done $0x0  }
0x9e: {  	s17 =	simm.s32 $0x300;
	[sflag:s9] =	ssyncadd.s32 $0xFFFFE000  }
0x9f: {  	[tilespmem:s29], [sflag:$0x2] =	stream.indirect.gather [hbm4b:s1+s28], $0x40, s17, s28, $0xb8;
	[tilespmem:$0x19000] =	vst v63  }
0xa0: {  	_ =	swait.ge [sflag:s10], $0x2000  }
0xa1: {  	[sflag:s10] =	ssyncset.done $0x0  }
0xa2: {  	s18 =	simm.s32 $0x2980;
	[sflag:s10] =	ssyncadd.s32 $0xFFFFE000  }
0xa3: {  	[spmem:s3] =	stream.indirect.scatter.add.f32 [tilespmem:s0], [sflag:$0x9], $0x40, s18, s28, $0xb8;
	[tilespmem:$0x19000] =	vst v63  }
0xa4: {  	_ =	swait.ge [sflag:s11], $0x2000  }
0xa5: {  	[sflag:s11] =	ssyncset.done $0x0  }
0xa6: {  	s19 =	simm.s32 $0x380;
	[sflag:s11] =	ssyncadd.s32 $0xFFFFE000  }
0xa7: {  	[tilespmem:s31], [sflag:$0x3] =	stream.indirect.gather [hbm4b:s1+s28], $0x40, s19, s28, $0xb8;
	[tilespmem:$0x19000] =	vst v63  }
0xa8: {  	_ =	swait.ge [sflag:s12], $0x2000  }
0xa9: {  	[sflag:s12] =	ssyncset.done $0x0  }
0xaa: {  	s20 =	simm.s32 $0x2A00;
	[sflag:s12] =	ssyncadd.s32 $0xFFFFE000  }
0xab: {  	[spmem:s3] =	stream.indirect.scatter.add.f32 [tilespmem:s2], [sflag:$0xA], $0x40, s20, s28, $0xb8;
	[tilespmem:$0x19000] =	vst v63  }
0xac: {  	_ =	swait.ge [sflag:s13], $0x2000  }
0xad: {  	[sflag:s13] =	ssyncset.done $0x0  }
0xae: {  	s16 =	simm.s32 $0x0;
	s21 =	simm.s32 $0x400;
	[sflag:s13] =	ssyncadd.s32 $0xFFFFE000  }
0xaf: {  	[tilespmem:s0], [sflag:$0x4] =	stream.indirect.gather [hbm4b:s1+s28], $0x40, s21, s28, $0xb8;
	[tilespmem:$0x19000] =	vst v63  }
.LBB2_2:
0xb0: {  	_ =	swait.ge [sflag:s30], $0x2000  }
0xb1: {  	s17 =	sshra.s32 s16, $0x2;
	[sflag:s30] =	ssyncset.done $0x0  }
0xb2: {  	s18 =	sadd.s32 $0x2A80, s17;
	[sflag:s30] =	ssyncadd.s32 $0xFFFFE000  }
0xb3: {  	[spmem:s3] =	stream.indirect.scatter.add.f32 [tilespmem:s24], [sflag:$0x6], $0x40, s18, s28, $0xb8;
	[tilespmem:$0x19000] =	vst v63  }
0xb4: {  	_ =	swait.ge [sflag:s14], $0x2000  }
0xb5: {  	[sflag:s14] =	ssyncset.done $0x0  }
0xb6: {  	s19 =	sadd.s32 $0x480, s17;
	[sflag:s14] =	ssyncadd.s32 $0xFFFFE000  }
0xb7: {  	[tilespmem:s2], [sflag:$0x5] =	stream.indirect.gather [hbm4b:s1+s28], $0x40, s19, s28, $0xb8;
	[tilespmem:$0x19000] =	vst v63  }
0xb8: {  	_ =	swait.ge [sflag:s5], $0x2000  }
0xb9: {  	p0 =	seq.s32 s16, $0x8C00;
	[sflag:s5] =	ssyncset.done $0x0  }
0xba: {  	s20 =	sadd.s32 $0x2B00, s17;
	s18 =	simm.s32 @p0 $0x3;
	[sflag:s5] =	ssyncadd.s32 $0xFFFFE000  }
0xbb: {  	[spmem:s3] =	stream.indirect.scatter.add.f32 [tilespmem:s29], [sflag:$0x7], $0x40, s20, s28, $0xb8;
	[tilespmem:$0x19000] =	vst v63  }
0xbc: {  	_ =	swait.ge @p0 [sflag:s18], $0x2000  }
0xbd: {  	[sflag:s18] =	ssyncset.done @p0 $0x0  }
0xbe: {  	[sflag:s18] =	ssyncadd.s32 @p0 $0xFFFFE000;
	s18 =	sshra.s32 @p0 s16, $0x2  }
0xbf: {  	s19 =	simm.s32 @p0 $0x80;
	s20 =	simm.s32 @p0 $0x9000;
	s18 =	sadd.s32 @p0 $0x2B80, s18  }
0xc0: {  	[spmem:s3] =	stream.indirect.scatter.add.f32 @p0 [tilespmem:s20], [sflag:$0x8], $0x40, s18, s19, $0xb8;
	[tilespmem:$0x19000] =	vst v63  }
0xc1: {  	s18 =	simm.s32 @!p0 $0x6  }
0xc2: {  	_ =	swait.ge @!p0 [sflag:s18], $0x2000  }
0xc3: {  	[sflag:s18] =	ssyncset.done @!p0 $0x0  }
0xc4: {  	[sflag:s18] =	ssyncadd.s32 @!p0 $0xFFFFE000;
	s18 =	sshra.s32 @!p0 s16, $0x2  }
0xc5: {  	s21 =	simm.s32 @!p0 $0x5000;
	s20 =	simm.s32 @!p0 $0x80;
	s19 =	sadd.s32 @!p0 $0x500, s18  }
0xc6: {  	[tilespmem:s21], [sflag:$0x1] =	stream.indirect.gather @!p0 [hbm4b:s1+s20], $0x40, s19, s20, $0xb8;
	[tilespmem:$0x19000] =	vst v63  }
0xc7: {  	s19 =	simm.s32 @!p0 $0x3  }
0xc8: {  	_ =	swait.ge @!p0 [sflag:s19], $0x2000  }
0xc9: {  	[sflag:s19] =	ssyncset.done @!p0 $0x0  }
0xca: {  	s21 =	simm.s32 @!p0 $0x9000;
	[sflag:s19] =	ssyncadd.s32 @!p0 $0xFFFFE000;
	s19 =	sadd.s32 @!p0 $0x2B80, s18  }
0xcb: {  	[spmem:s3] =	stream.indirect.scatter.add.f32 @!p0 [tilespmem:s21], [sflag:$0x8], $0x40, s19, s20, $0xb8;
	[tilespmem:$0x19000] =	vst v63  }
0xcc: {  	s19 =	simm.s32 @!p0 $0x7  }
0xcd: {  	_ =	swait.ge @!p0 [sflag:s19], $0x2000  }
0xce: {  	[sflag:s19] =	ssyncset.done @!p0 $0x0  }
0xcf: {  	s18 =	sadd.s32 @!p0 $0x580, s18;
	[sflag:s19] =	ssyncadd.s32 @!p0 $0xFFFFE000;
	s19 =	simm.s32 @!p0 $0x7000  }
0xd0: {  	[tilespmem:s19], [sflag:$0x2] =	stream.indirect.gather @!p0 [hbm4b:s1+s20], $0x40, s18, s20, $0xb8;
	[tilespmem:$0x19000] =	vst v63  }
.Ltmp2:
0xd1: {  	_ = 	snop;
	(pc) =	sbr.rel @p0 .LBB2_4-.Ltmp2, $4  }
0xd2: {  	_ =	swait.ge [sflag:s10], $0x2000  }
0xd3: {  	[sflag:s10] =	ssyncset.done $0x0  }
0xd4: {  	s21 =	sadd.s32 $0x2C00, s17;
	s18 =	sadd.s32 $0x2C80, s17;
	[sflag:s10] =	ssyncadd.s32 $0xFFFFE000  }
0xd5: {  	[spmem:s3] =	stream.indirect.scatter.add.f32 [tilespmem:s0], [sflag:$0x9], $0x40, s21, s28, $0xb8;
	[tilespmem:$0x19000] =	vst v63  }
0xd6: {  	_ =	swait.ge [sflag:s11], $0x2000  }
0xd7: {  	[sflag:s11] =	ssyncset.done $0x0  }
0xd8: {  	s19 =	sadd.s32 $0x600, s17;
	[sflag:s11] =	ssyncadd.s32 $0xFFFFE000  }
0xd9: {  	[tilespmem:s31], [sflag:$0x3] =	stream.indirect.gather [hbm4b:s1+s28], $0x40, s19, s28, $0xb8;
	[tilespmem:$0x19000] =	vst v63  }
0xda: {  	_ =	swait.ge [sflag:s12], $0x2000  }
0xdb: {  	[sflag:s12] =	ssyncset.done $0x0  }
0xdc: {  	[sflag:s12] =	ssyncadd.s32 $0xFFFFE000  }
0xdd: {  	[spmem:s3] =	stream.indirect.scatter.add.f32 [tilespmem:s2], [sflag:$0xA], $0x40, s18, s28, $0xb8;
	[tilespmem:$0x19000] =	vst v63  }
.Ltmp3:
0xde: {  	_ = 	snop;
	(pc) =	sbr.rel .LBB2_2-.Ltmp3, $4  }
0xdf: {  	_ =	swait.ge [sflag:s13], $0x2000  }
0xe0: {  	[sflag:s13] =	ssyncset.done $0x0  }
0xe1: {  	s21 =	sadd.s32 $0x680, s17;
	s16 =	sadd.s32 $0xA00, s16;
	[sflag:s13] =	ssyncadd.s32 $0xFFFFE000  }
0xe2: {  	[tilespmem:s0], [sflag:$0x4] =	stream.indirect.gather [hbm4b:s1+s28], $0x40, s21, s28, $0xb8;
	[tilespmem:$0x19000] =	vst v63  }
.LBB2_5:
0xe3: {  	_ =	sfence.sel $0x180000  }
0xe4: {  	[bflag:$0x0] =	sbarrier.arrive $0xFFFF  }
0xe5: {  	_ =	strace $0x9000004A  }
0xe6: {  	s0 =	stileid.u32;
	[bflag:$0x2] =	sbarrier.arrive $0xFFFF  }
0xe7: {  	p0 =	sne.s32 s0, $0x0;
	s0 =	rddreg [dreg:$0x3]  }
0xe8: {  	s0 =	sadd.s32 @!p0 $0x100000, s0  }
0xe9: {  	[sflag:s0] =	ssyncadd.tile.s32 @!p0 $0x1;
	_ =	shalt  }
.Lfunc_end2:
_tile_overlayer_lowered:
.L_overlay_start_2:
0xea: {  	(tag) =	ssettag $0x2  }
0xeb: {  	s0 =	rddreg [dreg:$0x0];
	s2 =	stileid.u32  }
0xec: {  	s1 =	rddreg [dreg:$0x1];
	p0 =	sne.s32 s2, $0x0  }
0xed: {  	s3 =	rddreg [dreg:$0x2];
	[bflag:$0x3] =	sbarrier.arrive $0xFFFF;
	s2 =	simm.s32 @!p0 $0x1C0B  }
0xee: {  	[timem:s3], [sflag:s2] =	dma.local @!p0 [hbm:s0], s1  }
0xef: {  	s0 =	simm.s32 @!p0 $0xB  }
0xf0: {  	_ =	swait.ge @!p0 [sflag:s0], s1  }
0xf1: {  	s1 =	ssub.s32 @!p0 $0x0, s1;
	[sflag:s0] =	ssyncset.done @!p0 $0x0  }
0xf2: {  	[sflag:s0] =	ssyncadd.s32 @!p0 s1  }
0xf3: {  	[bflag:$0x3] =	sbarrier.arrive $0xFFFF  }
0xf4: {  	_ =	shalt  }

// kernel: kernel.15.cloned.1.call-start
scs
__scs_entry_jumppad:
0x0: {  	(pc) =	sbr.rel $0x88, $3  }
0x1: {  	(tag) =	ssettag $0x0;
	lr =	simm.s32 $0x1  }
0x2: {  	[smem:$0x3F90] =	sst lr;
	_ =	strace $0xD0000000  }
0x3: {  	_ = 	snop  }
0x4: {  	_ = 	snop  }
0x5: {  	_ = 	snop  }
0x6: {  	_ = 	snop  }
0x7: {  	_ = 	snop  }
__scs_overlays_trampoline_lowered:
0x8: {  	[smem:$0x3F9F] =	sst s0  }
0x9: {  	[smem:$0x3FA0] =	sst s1  }
0xa: {  	[smem:$0x3FA1] =	sst s2  }
0xb: {  	[smem:$0x3FA2] =	sst s3  }
0xc: {  	[smem:$0x3FA3] =	sst s4  }
0xd: {  	[smem:$0x3FA4] =	sst s5  }
0xe: {  	[smem:$0x3FA5] =	sst s6  }
0xf: {  	[smem:$0x3FA6] =	sst s7  }
0x10: {  	[smem:$0x3FA7] =	sst s8  }
0x11: {  	[smem:$0x3FA8] =	sst s9;
	s0 =	simm.s32 @!p0 $0x0  }
0x12: {  	s1 =	sld [smem:$0x3F8E];
	s0 =	simm.s32 @p0 $0x1  }
0x13: {  	[smem:$0x3FA9] =	sst s0;
	s0 =	simm.s32 @!p1 $0x0  }
0x14: {  	s2 =	sld [smem:$0x3F8D];
	s0 =	simm.s32 @p1 $0x1  }
0x15: {  	[smem:$0x3FAA] =	sst s0;
	s0 =	simm.s32 @!p2 $0x0  }
0x16: {  	s3 =	sld [smem:$0x3FDB];
	s0 =	simm.s32 @p2 $0x1  }
0x17: {  	s4 =	simm.s32 $0x1BF5;
	[smem:$0x3FAC] =	sst s0  }
0x18: {  	s0 =	sld [smem:$0x3F8F];
	_ =	swait.ge [sflag:s4], $0x0  }
0x19: {  	s7 =	sld [smem:$0x3F90]  }
0x1a: {  	s8 =	sadd.s32 $0xFFFFE003, lr  }
0x1b: {  	s9 =	sadd.s32 $0xFFFFFEF7, lr;
	s5 =	simm.s32 $0xFFFFFFFF;
	p2 =	slt.u32 s8, $0xFFFFF086  }
0x1c: {  	p1 =	slt.u32 s9, $0xF7A;
	s5 =	simm.s32 @!p2 $0x0  }
0x1d: {  	s5 =	simm.s32 @p1 $0x1;
	p0 =	seq.s32 s7, s2  }
0x1e: {  	s7 =	smul.u32 @!p0 $0xF7A, s2;
	p2 =	seq.s32 @!p0 s5, $0x0  }
0x1f: {  	s9 =	smul.u32 $0xF7A, s1;
	s8 =	simm.s32 @!p0 $0x1BF5;
	p2 =	por !p2, p0  }
0x20: {  	[sflag:s8] =	ssyncset.s32 @!p0 $0xFFFFF086;
	s6 =	sadd.s32 @!p0 s3, s7;
	s7 =	simm.s32 @!p0 $0x108  }
0x21: {  	s3 =	sadd.s32 s3, s9;
	s6 =	sadd.s32 @!p0 $0x88, s6;
	s7 =	simm.s32 @p2 $0x1082  }
0x22: {  	[simem:s7], [sflag:s8] =	dma.local @!p0 [hbm:s6], $0xF7A  }
0x23: {  	s9 =	sor.u32 $0xD0000000, s2;
	s6 =	simm.s32 $0x108;
	_ =	swait.ge @!p0 [sflag:s8], $0x0  }
0x24: {  	s3 =	sadd.s32 $0x88, s3;
	s6 =	simm.s32 @!p1 $0x1082;
	[sflag:s4] =	ssyncset.s32 $0xFFFFF086  }
0x25: {  	[simem:s6], [sflag:s4] =	dma.local [hbm:s3], $0xF7A  }
0x26: {  	[smem:$0x3F90] =	sst s1;
	(tag) =	ssettag s2;
	_ =	strace s9  }
0x27: {  	s1 =	sld [smem:$0x3FA0]  }
0x28: {  	s2 =	sld [smem:$0x3FA1]  }
0x29: {  	s4 =	sld [smem:$0x3FA3]  }
0x2a: {  	p0 =	seq.s32 s5, $0x0;
	s5 =	sld [smem:$0x3FA4]  }
0x2b: {  	s6 =	sld [smem:$0x3FA5]  }
0x2c: {  	s7 =	sld [smem:$0x3FA6]  }
0x2d: {  	s3 =	simm.s32 $0x108;
	s8 =	sld [smem:$0x3FA7]  }
0x2e: {  	s3 =	simm.s32 @!p0 $0x1082;
	s9 =	sld [smem:$0x3FA8]  }
0x2f: {  	lr =	sadd.s32 s0, s3;
	s0 =	sld [smem:$0x3F9F]  }
0x30: {  	s3 =	sld [smem:$0x3FA2]  }
0x31: {  	[smem:$0x3FAB] =	sst s10  }
0x32: {  	s10 =	sld [smem:$0x3FA9];
	_ =	sdelay $0x3  }
0x33: {  	p0 =	seq.s32 s10, $0x1;
	s10 =	sld [smem:$0x3FAB];
	_ =	sdelay $0x3  }
0x34: {  	[smem:$0x3FAB] =	sst s10  }
0x35: {  	s10 =	sld [smem:$0x3FAA];
	_ =	sdelay $0x3  }
0x36: {  	p1 =	seq.s32 s10, $0x1;
	s10 =	sld [smem:$0x3FAB];
	_ =	sdelay $0x3  }
0x37: {  	[smem:$0x3FAB] =	sst s10  }
0x38: {  	s10 =	sld [smem:$0x3FAC]  }
0x39: {  	_ = 	snop;
	(pc) =	sbr.ind lr, $3  }
0x3a: {  	_ = 	snop  }
0x3b: {  	_ = 	snop  }
0x3c: {  	p2 =	seq.s32 s10, $0x1;
	s10 =	sld [smem:$0x3FAB]  }
0x3d: {  	_ =	shalt  }
0x3e: {  	_ =	shalt  }
0x3f: {  	_ =	shalt  }
0x40: {  	_ =	shalt  }
0x41: {  	_ =	shalt  }
0x42: {  	_ =	shalt  }
0x43: {  	_ =	shalt  }
0x44: {  	_ =	shalt  }
0x45: {  	_ =	shalt  }
0x46: {  	_ =	shalt  }
0x47: {  	_ =	shalt  }
0x48: {  	_ =	shalt  }
0x49: {  	_ =	shalt  }
0x4a: {  	_ =	shalt  }
0x4b: {  	_ =	shalt  }
0x4c: {  	_ =	shalt  }
0x4d: {  	_ =	shalt  }
0x4e: {  	_ =	shalt  }
0x4f: {  	_ =	shalt  }
0x50: {  	_ =	shalt  }
0x51: {  	_ =	shalt  }
0x52: {  	_ =	shalt  }
0x53: {  	_ =	shalt  }
0x54: {  	_ =	shalt  }
0x55: {  	_ =	shalt  }
0x56: {  	_ =	shalt  }
0x57: {  	_ =	shalt  }
0x58: {  	_ =	shalt  }
0x59: {  	_ =	shalt  }
0x5a: {  	_ =	shalt  }
0x5b: {  	_ =	shalt  }
0x5c: {  	_ =	shalt  }
0x5d: {  	_ =	shalt  }
0x5e: {  	_ =	shalt  }
0x5f: {  	_ =	shalt  }
0x60: {  	_ =	shalt  }
0x61: {  	_ =	shalt  }
0x62: {  	_ =	shalt  }
0x63: {  	_ =	shalt  }
0x64: {  	_ =	shalt  }
0x65: {  	_ =	shalt  }
0x66: {  	_ =	shalt  }
0x67: {  	_ =	shalt  }
0x68: {  	_ =	shalt  }
0x69: {  	_ =	shalt  }
0x6a: {  	_ =	shalt  }
0x6b: {  	_ =	shalt  }
0x6c: {  	_ =	shalt  }
0x6d: {  	_ =	shalt  }
0x6e: {  	_ =	shalt  }
0x6f: {  	_ =	shalt  }
0x70: {  	_ =	shalt  }
0x71: {  	_ =	shalt  }
0x72: {  	_ =	shalt  }
0x73: {  	_ =	shalt  }
0x74: {  	_ =	shalt  }
0x75: {  	_ =	shalt  }
0x76: {  	_ =	shalt  }
0x77: {  	_ =	shalt  }
0x78: {  	_ =	shalt  }
0x79: {  	_ =	shalt  }
0x7a: {  	_ =	shalt  }
0x7b: {  	_ =	shalt  }
0x7c: {  	_ =	shalt  }
0x7d: {  	_ =	shalt  }
0x7e: {  	_ =	shalt  }
0x7f: {  	_ =	shalt  }
0x80: {  	_ =	shalt  }
0x81: {  	_ =	shalt  }
0x82: {  	_ =	shalt  }
0x83: {  	_ =	shalt  }
0x84: {  	_ =	shalt  }
0x85: {  	_ =	shalt  }
0x86: {  	_ =	shalt  }
0x87: {  	_ =	shalt  }
.Lfunc_end0:
.L_simem_size_0:
called_computation.2_lowered:
.L_overlay_start_0:
0x88: {  	s2 =	sld [smem:$0x3FD9]  }
0x89: {  	s3 =	sld [smem:$0x3FFE];
	_ =	sdelay $0x1  }
0x8a: {  	s1 =	srdreg.scid  }
0x8b: {  	s0 =	sand.u32 $0x1, s1  }
0x8c: {  	s16 =	sshll.u32 s0, $0xA;
	s2 =	sadd.s32 s3, s2  }
0x8d: {  	s2 =	sadd.s32 s2, s16  }
0x8e: {  	[smem:$0x3FB7] =	sst s2  }
0x8f: {  	_ = 	snop  }
0x90: {  	(tm) =	ssettm $0x1  }
0x91: {  	s17 =	sld [smem:$0x3FFB];
	_ =	sdelay $0x3  }
0x92: {  	_ =	strace s17  }
0x93: {  	s2 =	sld [smem:$0x3FFC];
	_ =	sdelay $0x3  }
0x94: {  	_ =	strace s2  }
0x95: {  	s2 =	sld [smem:$0x3FFD];
	_ =	sdelay $0x3  }
0x96: {  	_ =	strace s2  }
0x97: {  	_ =	strace $0x8FFFFFFF  }
0x98: {  	s18 =	sld [smem:$0x3FDB];
	_ =	sdelay $0x1  }
0x99: {  	s19 =	simm.s32 $_scs_section_size  }
0x9a: {  	s4 =	simm.s32 $_size__tile_overlayer_lowered;
	s5 =	simm.s32 $_tile_overlayer_lowered  }
0x9b: {  	s22 =	simm.s32 $0x1BFF;
	s21 =	sshll.u32 s5, $0x1;
	s2 =	sadd.s32 s19, s18  }
0x9c: {  	s6 =	simm.s32 $0x0;
	s20 =	sshll.u32 s4, $0x1;
	s4 =	sadd.s32 s21, s2  }
0x9d: {  	[timem:s6], [sflag:s22] =	dma.local [hbm:s4], s20  }
0x9e: {  	_ =	swait.ge [sflag:s22], s20  }
0x9f: {  	s3 =	ssub.s32 $0x0, s20;
	[sflag:s22] =	ssyncset.done $0x0  }
0xa0: {  	[sflag:s22] =	ssyncadd.s32 s3;
	_ =	sdelay $0x1  }
0xa1: {  	s23 =	simm.s32 $0x1B8B  }
0xa2: {  	_ =	swait.ge [sflag:s23], $0x1  }
0xa3: {  	[sflag:s23] =	ssyncset.done $0x0  }
0xa4: {  	s25 =	simm.s32 $0x1B8E;
	s24 =	sld [smem:$0x3FFE];
	[sflag:s23] =	ssyncadd.s32 $0xFFFFFFFF  }
0xa5: {  	s26 =	simm.s32 $execute0_lowered;
	[smem:$0x3FD2] =	sst s25  }
0xa6: {  	s4 =	sshll.u32 s26, $0x1;
	_ =	strace $0x8000004C;
	[dreg:$0x1] =	wrdreg $0xFFFFFFFF  }
0xa7: {  	s28 =	simm.s32 $_size_execute0_lowered;
	s2 =	sadd.s32 s2, s4;
	[dreg:$0x0] =	wrdreg $0x0  }
0xa8: {  	s4 =	sshll.u32 s28, $0x1;
	[dreg:$0x2] =	wrdreg s2  }
0xa9: {  	[dreg:$0x3] =	wrdreg s4  }
0xaa: {  	[dreg:$0x4] =	wrdreg $0xC0  }
0xab: {  	_ =	task [dreg:s6], $0x5FFFF  }
0xac: {  	[dreg:$0x1] =	wrdreg $0xFFFFFFFF  }
0xad: {  	[dreg:$0x0] =	wrdreg $0x60  }
0xae: {  	[dreg:$0x2] =	wrdreg s24  }
0xaf: {  	[dreg:$0x3] =	wrdreg $0xF0000  }
0xb0: {  	[dreg:$0x4] =	wrdreg $0x9  }
0xb1: {  	_ =	task.clear_ibuf [dreg:s6], $0x5FFFF;
	_ =	strace $0x9000004C  }
0xb2: {  	s29 =	simm.s32 $0x9;
	_ =	strace $0x8000004E  }
0xb3: {  	_ =	swait.ge [sflag:s29], $0x1  }
0xb4: {  	[sflag:s29] =	ssyncadd.s32 $0xFFFFFFFF  }
0xb5: {  	_ =	strace $0x9000004E  }
0xb6: {  	_ =	sfence  }
0xb7: {  	s30 =	sld [smem:$0x0];
	_ =	sdelay $0x2  }
0xb8: {  	s31 =	sshll.u32 s1, $0xD;
	s1 =	sshrl.u32 s1, $0x2  }
0xb9: {  	s3 =	sand.u32 $0x4000, s31;
	s1 =	sadd.s32 s1, s30  }
0xba: {  	s0 =	sor.u32 s3, s0;
	s1 =	sshll.u32 s1, $0x11  }
0xbb: {  	s0 =	sor.u32 s1, s0  }
0xbc: {  	s0 =	sadd.s32 $0x8F2B, s0  }
0xbd: {  	[sflag:s0] =	ssyncadd.remote.s32 $0x1  }
0xbe: {  	_ =	sfence.sel $0xFFFF  }
0xbf: {  	[dreg:$0x0] =	wrdreg $0xFFFFFFFF;
	(pc) =	sbr.abs _section_cstart, $3  }
0xc0: {  	[dreg:$0x1] =	wrdreg $0xFFFFFFFF  }
0xc1: {  	_ =	task.clear_ibuf [dreg:s6], $0x2FFFF;
	_ =	strace $0x9FFFFFFF  }
0xc2: {  	(tm) =	ssettm $0x7FFFFFFF  }
0xc3: {  	_ =	shalt  }
tec
execute0_lowered:
.L_overlay_start_1:
0x0: {  	(tag) =	ssettag $0x1  }
0x1: {  	s0 =	rddreg [dreg:$0x0]  }
0x2: {  	s1 =	srdreg.scid;
	s9 =	stileid.u32  }
0x3: {  	s2 =	rddreg [dreg:$0x1];
	s3 =	simm.s32 $0x0;
	s28 =	simm.s32 $0x80  }
0x4: {  	s29 =	simm.s32 $0x7000;
	s31 =	simm.s32 $0x9000;
	s30 =	simm.s32 $0x1  }
0x5: {  	s1 =	sand.u32 $0x1, s1;
	s4 =	sshll.u32 s9, $0x1;
	s7 =	smul.u32 $0x28000, s9  }
0x6: {  	[smem:$0x7FF] =	sst s3;
	s8 =	sadd.s32 $0x17E00, s0;
	s11 =	smul.u32 $0xA000, s9  }
0x7: {  	s9 =	simm.s32 $0x7;
	s4 =	sor.u32 s1, s4;
	_ =	strace $0x8000004D  }
0x8: {  	s6 =	ssub.s32 $0x2, s1;
	[dreg:$0x3] =	wrdreg s8;
	s1 =	smul.u32 $0xA0000, s1  }
0x9: {  	s5 =	smul.u32 $0x500, s4;
	s4 =	sadd.s32 $0x18200, s0;
	s26 =	sshrl.u32 s6, $0x1  }
0xa: {  	s10 =	sshrl.u32 s7, $0x2;
	s13 =	sadd.s32 s11, s2;
	s19 =	sadd.s32 $0x2000, s11  }
0xb: {  	s22 =	sadd.s32 $0x4000, s11;
	s25 =	sadd.s32 $0x6000, s11;
	s7 =	sadd.s32 $0x8000, s11  }
0xc: {  	s8 =	ssub.s32 s6, s26;
	s6 =	sadd.s32 s10, s2;
	[dreg:$0x6] =	wrdreg s13  }
0xd: {  	s17 =	sadd.s32 s1, s11;
	s21 =	sadd.s32 s1, s19;
	s23 =	sadd.s32 s22, s2  }
0xe: {  	s24 =	sadd.s32 s1, s22;
	s26 =	sadd.s32 s1, s25;
	s1 =	sadd.s32 s1, s7  }
0xf: {  	s22 =	sadd.s32 s7, s2;
	s7 =	simm.s32 $0x6;
	s10 =	simm.s32 $0x4  }
0x10: {  	s11 =	simm.s32 $0x8;
	s14 =	smax.u32 s8, $0x1;
	[dreg:$0xf] =	wrdreg s23  }
0x11: {  	s13 =	simm.s32 $0x9;
	s15 =	sadd.s32 $0x2000, s6;
	[dreg:$0x7] =	wrdreg s14  }
0x12: {  	s5 =	sadd.s32 s5, s0;
	s16 =	sadd.s32 $0x4000, s6;
	[dreg:$0x8] =	wrdreg s15  }
0x13: {  	s0 =	sadd.s32 $0x2BC00, s0;
	s18 =	sadd.s32 $0x6000, s6;
	[dreg:$0x9] =	wrdreg s16  }
0x14: {  	s20 =	sadd.s32 $0x8000, s6;
	s8 =	sadd.s32 s19, s2;
	[dreg:$0xa] =	wrdreg s18  }
0x15: {  	s1 =	sshrl.u32 s1, $0x3;
	s12 =	sadd.s32 $0xDE00, s5;
	[dreg:$0xb] =	wrdreg s20  }
0x16: {  	s5 =	sadd.s32 $0x3E00, s5;
	[dreg:$0xd] =	wrdreg s8;
	s8 =	sadd.s32 s25, s2  }
0x17: {  	s23 =	sadd.s32 s0, s1;
	[dreg:$0x5] =	wrdreg s5;
	s5 =	sshrl.u32 s17, $0x3  }
0x18: {  	s25 =	simm.s32 $0xB;
	s1 =	simm.s32 $0xD000;
	s5 =	sadd.s32 s0, s5  }
0x19: {  	s14 =	simm.s32 $0xA;
	[dreg:$0xc] =	wrdreg s5;
	s5 =	sshrl.u32 s21, $0x3  }
0x1a: {  	s15 =	simm.s32 $0x0;
	[dreg:$0x4] =	wrdreg s12;
	s5 =	sadd.s32 s0, s5  }
.Ltmp0:
0x1b: {  	[dreg:$0xe] =	wrdreg s5;
	s5 =	sshrl.u32 s24, $0x3;
	(pc) =	sbr.rel .LBB2_1-.Ltmp0, $4  }
0x1c: {  	[dreg:$0x11] =	wrdreg s8;
	s8 =	simm.s32 $0x3;
	s5 =	sadd.s32 s0, s5  }
0x1d: {  	s12 =	simm.s32 $0x5;
	[dreg:$0x10] =	wrdreg s5;
	s5 =	sshrl.u32 s26, $0x3  }
0x1e: {  	s24 =	simm.s32 $0x5000;
	s26 =	simm.s32 $0x2800;
	s5 =	sadd.s32 s0, s5  }
0x1f: {  	s0 =	simm.s32 $0xB000;
	[dreg:$0x12] =	wrdreg s5;
	s5 =	simm.s32 $0x2  }
.LBB2_4:
0x20: {  	_ =	swait.ge [sflag:s12], $0x2000  }
0x21: {  	[sflag:s12] =	ssyncset.done $0x0  }
0x22: {  	[sflag:s12] =	ssyncadd.s32 $0xFFFFE000  }
0x23: {  	[spmem:s2] =	stream.indirect.scatter.add.f32 [tilespmem:s1], [sflag:$0xA], $0x40, s18, s28, $0xb8;
	[tilespmem:$0x19000] =	vst v63  }
0x24: {  	_ =	swait.ge [sflag:s7], $0x2000  }
0x25: {  	[sflag:s7] =	ssyncset.done $0x0  }
0x26: {  	[sflag:s7] =	ssyncadd.s32 $0xFFFFE000  }
0x27: {  	_ =	swait.ge [sflag:s9], $0x2000  }
0x28: {  	[sflag:s9] =	ssyncset.done $0x0  }
0x29: {  	[sflag:s9] =	ssyncadd.s32 $0xFFFFE000  }
0x2a: {  	_ =	swait.ge [sflag:s11], $0x2000  }
0x2b: {  	[sflag:s11] =	ssyncset.done $0x0  }
0x2c: {  	[sflag:s11] =	ssyncadd.s32 $0xFFFFE000  }
0x2d: {  	_ =	swait.ge [sflag:s13], $0x2000  }
0x2e: {  	[sflag:s13] =	ssyncset.done $0x0  }
0x2f: {  	[sflag:s13] =	ssyncadd.s32 $0xFFFFE000  }
0x30: {  	_ =	swait.ge [sflag:s14], $0x2000  }
0x31: {  	[sflag:s14] =	ssyncset.done $0x0  }
0x32: {  	[sflag:s14] =	ssyncadd.s32 $0xFFFFE000  }
0x33: {  	[bflag:$0x0] =	sbarrier.arrive $0xFFFF  }
0x34: {  	s16 =	rddreg [dreg:$0x6]  }
0x35: {  	[tilespmem:s24], [sflag:$0xB] =	stream.linear.gather [spmem:s16], $0x2000, $0x38;
	[tilespmem:$0x19000] =	vst v63  }
0x36: {  	_ =	swait.ge [sflag:s25], $0x2000  }
0x37: {  	[sflag:s25] =	ssyncset.done $0x0  }
0x38: {  	s19 =	rddreg [dreg:$0xc];
	[sflag:s25] =	ssyncadd.s32 $0xFFFFE000  }
0x39: {  	[hbm4b:s19+s3] =	stream.linear.scatter [tilespmem:s24], [sflag:$0xB], $0x2000, $0x38;
	[tilespmem:$0x19000] =	vst v63  }
0x3a: {  	_ =	swait.ge [sflag:s25], $0x2000  }
0x3b: {  	[sflag:s25] =	ssyncset.done $0x0  }
0x3c: {  	s20 =	rddreg [dreg:$0xd];
	[sflag:s25] =	ssyncadd.s32 $0xFFFFE000  }
0x3d: {  	[tilespmem:s24], [sflag:$0xB] =	stream.linear.gather [spmem:s20], $0x2000, $0x38;
	[tilespmem:$0x19000] =	vst v63  }
0x3e: {  	_ =	swait.ge [sflag:s25], $0x2000  }
0x3f: {  	[sflag:s25] =	ssyncset.done $0x0  }
0x40: {  	s21 =	rddreg [dreg:$0xe];
	[sflag:s25] =	ssyncadd.s32 $0xFFFFE000  }
0x41: {  	[hbm4b:s21+s3] =	stream.linear.scatter [tilespmem:s24], [sflag:$0xB], $0x2000, $0x38;
	[tilespmem:$0x19000] =	vst v63  }
0x42: {  	_ =	swait.ge [sflag:s25], $0x2000  }
0x43: {  	[sflag:s25] =	ssyncset.done $0x0  }
0x44: {  	s17 =	rddreg [dreg:$0xf];
	[sflag:s25] =	ssyncadd.s32 $0xFFFFE000  }
0x45: {  	[tilespmem:s24], [sflag:$0xB] =	stream.linear.gather [spmem:s17], $0x2000, $0x38;
	[tilespmem:$0x19000] =	vst v63  }
0x46: {  	_ =	swait.ge [sflag:s25], $0x2000  }
0x47: {  	[sflag:s25] =	ssyncset.done $0x0  }
0x48: {  	s18 =	rddreg [dreg:$0x10];
	[sflag:s25] =	ssyncadd.s32 $0xFFFFE000  }
0x49: {  	[hbm4b:s18+s3] =	stream.linear.scatter [tilespmem:s24], [sflag:$0xB], $0x2000, $0x38;
	[tilespmem:$0x19000] =	vst v63  }
0x4a: {  	_ =	swait.ge [sflag:s25], $0x2000  }
0x4b: {  	[sflag:s25] =	ssyncset.done $0x0  }
0x4c: {  	s19 =	rddreg [dreg:$0x11];
	[sflag:s25] =	ssyncadd.s32 $0xFFFFE000  }
0x4d: {  	[tilespmem:s24], [sflag:$0xB] =	stream.linear.gather [spmem:s19], $0x2000, $0x38;
	[tilespmem:$0x19000] =	vst v63  }
0x4e: {  	_ =	swait.ge [sflag:s25], $0x2000  }
0x4f: {  	[sflag:s25] =	ssyncset.done $0x0  }
0x50: {  	s20 =	rddreg [dreg:$0x12];
	[sflag:s25] =	ssyncadd.s32 $0xFFFFE000  }
0x51: {  	[hbm4b:s20+s3] =	stream.linear.scatter [tilespmem:s24], [sflag:$0xB], $0x2000, $0x38;
	[tilespmem:$0x19000] =	vst v63  }
0x52: {  	_ =	swait.ge [sflag:s25], $0x2000  }
0x53: {  	[sflag:s25] =	ssyncset.done $0x0  }
0x54: {  	[sflag:s25] =	ssyncadd.s32 $0xFFFFE000  }
0x55: {  	[tilespmem:s24], [sflag:$0xB] =	stream.linear.gather [spmem:s22], $0x2000, $0x38;
	[tilespmem:$0x19000] =	vst v63  }
0x56: {  	_ =	swait.ge [sflag:s25], $0x2000  }
0x57: {  	[sflag:s25] =	ssyncset.done $0x0  }
0x58: {  	[sflag:s25] =	ssyncadd.s32 $0xFFFFE000  }
0x59: {  	[hbm4b:s23+s3] =	stream.linear.scatter [tilespmem:s24], [sflag:$0xB], $0x2000, $0x38;
	[tilespmem:$0x19000] =	vst v63  }
0x5a: {  	_ =	swait.ge [sflag:s25], $0x2000  }
0x5b: {  	s15 =	sadd.s32 $0x1, s15;
	s21 =	rddreg [dreg:$0x7]  }
0x5c: {  	p0 =	sne.s32 s15, s21  }
.Ltmp1:
0x5d: {  	_ = 	snop;
	(pc) =	sbr.rel @!p0 .LBB2_5-.Ltmp1, $3  }
0x5e: {  	_ =	sdelay $0x1  }
0x5f: {  	[sflag:s25] =	ssyncset.done $0x0  }
0x60: {  	[sflag:s25] =	ssyncadd.s32 $0xFFFFE000  }
.LBB2_1:
0x61: {  	s16 =	rddreg [dreg:$0x3]  }
0x62: {  	[tilespmem:s24], [sflag:$0xB] =	stream.linear.gather [hbm4b:s16+s3], $0x2000, $0x38;
	[tilespmem:$0x19000] =	vst v63  }
0x63: {  	_ =	swait.ge [sflag:s25], $0x2000  }
0x64: {  	[sflag:s25] =	ssyncset.done $0x0  }
0x65: {  	[sflag:s25] =	ssyncadd.s32 $0xFFFFE000  }
0x66: {  	[spmem:s6] =	stream.linear.scatter [tilespmem:s24], [sflag:$0xB], $0x2000, $0x38;
	[tilespmem:$0x19000] =	vst v63  }
0x67: {  	_ =	swait.ge [sflag:s25], $0x2000  }
0x68: {  	[sflag:s25] =	ssyncset.done $0x0  }
0x69: {  	s20 =	rddreg [dreg:$0x8];
	[sflag:s25] =	ssyncadd.s32 $0xFFFFE000  }
0x6a: {  	[spmem:s20] =	stream.linear.scatter [tilespmem:s24], [sflag:$0xB], $0x2000, $0x38;
	[tilespmem:$0x19000] =	vst v63  }
0x6b: {  	_ =	swait.ge [sflag:s25], $0x2000  }
0x6c: {  	[sflag:s25] =	ssyncset.done $0x0  }
0x6d: {  	s21 =	rddreg [dreg:$0x9];
	[sflag:s25] =	ssyncadd.s32 $0xFFFFE000  }
0x6e: {  	[spmem:s21] =	stream.linear.scatter [tilespmem:s24], [sflag:$0xB], $0x2000, $0x38;
	[tilespmem:$0x19000] =	vst v63  }
0x6f: {  	_ =	swait.ge [sflag:s25], $0x2000  }
0x70: {  	[sflag:s25] =	ssyncset.done $0x0  }
0x71: {  	s17 =	rddreg [dreg:$0xa];
	[sflag:s25] =	ssyncadd.s32 $0xFFFFE000  }
0x72: {  	[spmem:s17] =	stream.linear.scatter [tilespmem:s24], [sflag:$0xB], $0x2000, $0x38;
	[tilespmem:$0x19000] =	vst v63  }
0x73: {  	_ =	swait.ge [sflag:s25], $0x2000  }
0x74: {  	[sflag:s25] =	ssyncset.done $0x0  }
0x75: {  	s18 =	rddreg [dreg:$0xb];
	[sflag:s25] =	ssyncadd.s32 $0xFFFFE000  }
0x76: {  	[spmem:s18] =	stream.linear.scatter [tilespmem:s24], [sflag:$0xB], $0x2000, $0x38;
	[tilespmem:$0x19000] =	vst v63  }
0x77: {  	_ =	swait.ge [sflag:s25], $0x2000  }
0x78: {  	[sflag:s25] =	ssyncset.done $0x0  }
0x79: {  	s19 =	rddreg [dreg:$0x4];
	[sflag:s25] =	ssyncadd.s32 $0xFFFFE000  }
0x7a: {  	[tilespmem:s3], [sflag:$0xB] =	stream.linear.gather [hbm4b:s19+s3], $0x2800, $0x38;
	[tilespmem:$0x19000] =	vst v63  }
0x7b: {  	_ =	swait.ge [sflag:s25], $0x2800  }
0x7c: {  	[sflag:s25] =	ssyncset.done $0x0  }
0x7d: {  	s20 =	rddreg [dreg:$0x5];
	[sflag:s25] =	ssyncadd.s32 $0xFFFFD800  }
0x7e: {  	[tilespmem:s26], [sflag:$0xB] =	stream.linear.gather [hbm4b:s20+s3], $0x2800, $0x38;
	[tilespmem:$0x19000] =	vst v63  }
0x7f: {  	_ =	swait.ge [sflag:s25], $0x2800  }
0x80: {  	[sflag:s25] =	ssyncset.done $0x0  }
0x81: {  	[sflag:s25] =	ssyncadd.s32 $0xFFFFD800  }
0x82: {  	[bflag:$0x0] =	sbarrier.arrive $0xFFFF  }
0x83: {  	[tilespmem:s24], [sflag:$0x1] =	stream.indirect.gather [hbm4b:s4+s28], $0x40, s3, s28, $0xb8;
	[tilespmem:$0x19000] =	vst v63  }
0x84: {  	_ = 	snop  }
0x85: {  	[tilespmem:s29], [sflag:$0x2] =	stream.indirect.gather [hbm4b:s4+s28], $0x40, s28, s28, $0xb8;
	[tilespmem:$0x19000] =	vst v63  }
0x86: {  	s21 =	simm.s32 $0x100  }
0x87: {  	[tilespmem:s31], [sflag:$0x3] =	stream.indirect.gather [hbm4b:s4+s28], $0x40, s21, s28, $0xb8;
	[tilespmem:$0x19000] =	vst v63  }
0x88: {  	s17 =	simm.s32 $0x180  }
0x89: {  	[tilespmem:s0], [sflag:$0x4] =	stream.indirect.gather [hbm4b:s4+s28], $0x40, s17, s28, $0xb8;
	[tilespmem:$0x19000] =	vst v63  }
0x8a: {  	_ =	swait.ge [sflag:s30], $0x2000  }
0x8b: {  	[sflag:s30] =	ssyncset.done $0x0  }
0x8c: {  	[sflag:s30] =	ssyncadd.s32 $0xFFFFE000  }
0x8d: {  	[spmem:s2] =	stream.indirect.scatter.add.f32 [tilespmem:s24], [sflag:$0x6], $0x40, s26, s28, $0xb8;
	[tilespmem:$0x19000] =	vst v63  }
0x8e: {  	s18 =	simm.s32 $0x200  }
0x8f: {  	[tilespmem:s1], [sflag:$0x5] =	stream.indirect.gather [hbm4b:s4+s28], $0x40, s18, s28, $0xb8;
	[tilespmem:$0x19000] =	vst v63  }
0x90: {  	_ =	swait.ge [sflag:s5], $0x2000  }
0x91: {  	[sflag:s5] =	ssyncset.done $0x0  }
0x92: {  	s19 =	simm.s32 $0x2880;
	[sflag:s5] =	ssyncadd.s32 $0xFFFFE000  }
0x93: {  	[spmem:s2] =	stream.indirect.scatter.add.f32 [tilespmem:s29], [sflag:$0x7], $0x40, s19, s28, $0xb8;
	[tilespmem:$0x19000] =	vst v63  }
0x94: {  	_ =	swait.ge [sflag:s7], $0x2000  }
0x95: {  	[sflag:s7] =	ssyncset.done $0x0  }
0x96: {  	s20 =	simm.s32 $0x280;
	[sflag:s7] =	ssyncadd.s32 $0xFFFFE000  }
0x97: {  	[tilespmem:s24], [sflag:$0x1] =	stream.indirect.gather [hbm4b:s4+s28], $0x40, s20, s28, $0xb8;
	[tilespmem:$0x19000] =	vst v63  }
0x98: {  	_ =	swait.ge [sflag:s8], $0x2000  }
0x99: {  	[sflag:s8] =	ssyncset.done $0x0  }
0x9a: {  	s21 =	simm.s32 $0x2900;
	[sflag:s8] =	ssyncadd.s32 $0xFFFFE000  }
0x9b: {  	[spmem:s2] =	stream.indirect.scatter.add.f32 [tilespmem:s31], [sflag:$0x8], $0x40, s21, s28, $0xb8;
	[tilespmem:$0x19000] =	vst v63  }
0x9c: {  	_ =	swait.ge [sflag:s9], $0x2000  }
0x9d: {  	[sflag:s9] =	ssyncset.done $0x0  }
0x9e: {  	s17 =	simm.s32 $0x300;
	[sflag:s9] =	ssyncadd.s32 $0xFFFFE000  }
0x9f: {  	[tilespmem:s29], [sflag:$0x2] =	stream.indirect.gather [hbm4b:s4+s28], $0x40, s17, s28, $0xb8;
	[tilespmem:$0x19000] =	vst v63  }
0xa0: {  	_ =	swait.ge [sflag:s10], $0x2000  }
0xa1: {  	[sflag:s10] =	ssyncset.done $0x0  }
0xa2: {  	s18 =	simm.s32 $0x2980;
	[sflag:s10] =	ssyncadd.s32 $0xFFFFE000  }
0xa3: {  	[spmem:s2] =	stream.indirect.scatter.add.f32 [tilespmem:s0], [sflag:$0x9], $0x40, s18, s28, $0xb8;
	[tilespmem:$0x19000] =	vst v63  }
0xa4: {  	_ =	swait.ge [sflag:s11], $0x2000  }
0xa5: {  	[sflag:s11] =	ssyncset.done $0x0  }
0xa6: {  	s19 =	simm.s32 $0x380;
	[sflag:s11] =	ssyncadd.s32 $0xFFFFE000  }
0xa7: {  	[tilespmem:s31], [sflag:$0x3] =	stream.indirect.gather [hbm4b:s4+s28], $0x40, s19, s28, $0xb8;
	[tilespmem:$0x19000] =	vst v63  }
0xa8: {  	_ =	swait.ge [sflag:s12], $0x2000  }
0xa9: {  	[sflag:s12] =	ssyncset.done $0x0  }
0xaa: {  	s20 =	simm.s32 $0x2A00;
	[sflag:s12] =	ssyncadd.s32 $0xFFFFE000  }
0xab: {  	[spmem:s2] =	stream.indirect.scatter.add.f32 [tilespmem:s1], [sflag:$0xA], $0x40, s20, s28, $0xb8;
	[tilespmem:$0x19000] =	vst v63  }
0xac: {  	_ =	swait.ge [sflag:s13], $0x2000  }
0xad: {  	[sflag:s13] =	ssyncset.done $0x0  }
0xae: {  	s16 =	simm.s32 $0x0;
	s21 =	simm.s32 $0x400;
	[sflag:s13] =	ssyncadd.s32 $0xFFFFE000  }
0xaf: {  	[tilespmem:s0], [sflag:$0x4] =	stream.indirect.gather [hbm4b:s4+s28], $0x40, s21, s28, $0xb8;
	[tilespmem:$0x19000] =	vst v63  }
.LBB2_2:
0xb0: {  	_ =	swait.ge [sflag:s30], $0x2000  }
0xb1: {  	s17 =	sshra.s32 s16, $0x2;
	[sflag:s30] =	ssyncset.done $0x0  }
0xb2: {  	s18 =	sadd.s32 $0x2A80, s17;
	[sflag:s30] =	ssyncadd.s32 $0xFFFFE000  }
0xb3: {  	[spmem:s2] =	stream.indirect.scatter.add.f32 [tilespmem:s24], [sflag:$0x6], $0x40, s18, s28, $0xb8;
	[tilespmem:$0x19000] =	vst v63  }
0xb4: {  	_ =	swait.ge [sflag:s14], $0x2000  }
0xb5: {  	[sflag:s14] =	ssyncset.done $0x0  }
0xb6: {  	s19 =	sadd.s32 $0x480, s17;
	[sflag:s14] =	ssyncadd.s32 $0xFFFFE000  }
0xb7: {  	[tilespmem:s1], [sflag:$0x5] =	stream.indirect.gather [hbm4b:s4+s28], $0x40, s19, s28, $0xb8;
	[tilespmem:$0x19000] =	vst v63  }
0xb8: {  	_ =	swait.ge [sflag:s5], $0x2000  }
0xb9: {  	p0 =	seq.s32 s16, $0x8C00;
	[sflag:s5] =	ssyncset.done $0x0  }
0xba: {  	s20 =	sadd.s32 $0x2B00, s17;
	s18 =	simm.s32 @p0 $0x3;
	[sflag:s5] =	ssyncadd.s32 $0xFFFFE000  }
0xbb: {  	[spmem:s2] =	stream.indirect.scatter.add.f32 [tilespmem:s29], [sflag:$0x7], $0x40, s20, s28, $0xb8;
	[tilespmem:$0x19000] =	vst v63  }
0xbc: {  	_ =	swait.ge @p0 [sflag:s18], $0x2000  }
0xbd: {  	[sflag:s18] =	ssyncset.done @p0 $0x0  }
0xbe: {  	[sflag:s18] =	ssyncadd.s32 @p0 $0xFFFFE000;
	s18 =	sshra.s32 @p0 s16, $0x2  }
0xbf: {  	s19 =	simm.s32 @p0 $0x80;
	s20 =	simm.s32 @p0 $0x9000;
	s18 =	sadd.s32 @p0 $0x2B80, s18  }
0xc0: {  	[spmem:s2] =	stream.indirect.scatter.add.f32 @p0 [tilespmem:s20], [sflag:$0x8], $0x40, s18, s19, $0xb8;
	[tilespmem:$0x19000] =	vst v63  }
0xc1: {  	s18 =	simm.s32 @!p0 $0x6  }
0xc2: {  	_ =	swait.ge @!p0 [sflag:s18], $0x2000  }
0xc3: {  	[sflag:s18] =	ssyncset.done @!p0 $0x0  }
0xc4: {  	[sflag:s18] =	ssyncadd.s32 @!p0 $0xFFFFE000;
	s18 =	sshra.s32 @!p0 s16, $0x2  }
0xc5: {  	s21 =	simm.s32 @!p0 $0x5000;
	s20 =	simm.s32 @!p0 $0x80;
	s19 =	sadd.s32 @!p0 $0x500, s18  }
0xc6: {  	[tilespmem:s21], [sflag:$0x1] =	stream.indirect.gather @!p0 [hbm4b:s4+s20], $0x40, s19, s20, $0xb8;
	[tilespmem:$0x19000] =	vst v63  }
0xc7: {  	s19 =	simm.s32 @!p0 $0x3  }
0xc8: {  	_ =	swait.ge @!p0 [sflag:s19], $0x2000  }
0xc9: {  	[sflag:s19] =	ssyncset.done @!p0 $0x0  }
0xca: {  	s21 =	simm.s32 @!p0 $0x9000;
	[sflag:s19] =	ssyncadd.s32 @!p0 $0xFFFFE000;
	s19 =	sadd.s32 @!p0 $0x2B80, s18  }
0xcb: {  	[spmem:s2] =	stream.indirect.scatter.add.f32 @!p0 [tilespmem:s21], [sflag:$0x8], $0x40, s19, s20, $0xb8;
	[tilespmem:$0x19000] =	vst v63  }
0xcc: {  	s19 =	simm.s32 @!p0 $0x7  }
0xcd: {  	_ =	swait.ge @!p0 [sflag:s19], $0x2000  }
0xce: {  	[sflag:s19] =	ssyncset.done @!p0 $0x0  }
0xcf: {  	s18 =	sadd.s32 @!p0 $0x580, s18;
	[sflag:s19] =	ssyncadd.s32 @!p0 $0xFFFFE000;
	s19 =	simm.s32 @!p0 $0x7000  }
0xd0: {  	[tilespmem:s19], [sflag:$0x2] =	stream.indirect.gather @!p0 [hbm4b:s4+s20], $0x40, s18, s20, $0xb8;
	[tilespmem:$0x19000] =	vst v63  }
.Ltmp2:
0xd1: {  	_ = 	snop;
	(pc) =	sbr.rel @p0 .LBB2_4-.Ltmp2, $4  }
0xd2: {  	_ =	swait.ge [sflag:s10], $0x2000  }
0xd3: {  	[sflag:s10] =	ssyncset.done $0x0  }
0xd4: {  	s21 =	sadd.s32 $0x2C00, s17;
	s18 =	sadd.s32 $0x2C80, s17;
	[sflag:s10] =	ssyncadd.s32 $0xFFFFE000  }
0xd5: {  	[spmem:s2] =	stream.indirect.scatter.add.f32 [tilespmem:s0], [sflag:$0x9], $0x40, s21, s28, $0xb8;
	[tilespmem:$0x19000] =	vst v63  }
0xd6: {  	_ =	swait.ge [sflag:s11], $0x2000  }
0xd7: {  	[sflag:s11] =	ssyncset.done $0x0  }
0xd8: {  	s19 =	sadd.s32 $0x600, s17;
	[sflag:s11] =	ssyncadd.s32 $0xFFFFE000  }
0xd9: {  	[tilespmem:s31], [sflag:$0x3] =	stream.indirect.gather [hbm4b:s4+s28], $0x40, s19, s28, $0xb8;
	[tilespmem:$0x19000] =	vst v63  }
0xda: {  	_ =	swait.ge [sflag:s12], $0x2000  }
0xdb: {  	[sflag:s12] =	ssyncset.done $0x0  }
0xdc: {  	[sflag:s12] =	ssyncadd.s32 $0xFFFFE000  }
0xdd: {  	[spmem:s2] =	stream.indirect.scatter.add.f32 [tilespmem:s1], [sflag:$0xA], $0x40, s18, s28, $0xb8;
	[tilespmem:$0x19000] =	vst v63  }
.Ltmp3:
0xde: {  	_ = 	snop;
	(pc) =	sbr.rel .LBB2_2-.Ltmp3, $4  }
0xdf: {  	_ =	swait.ge [sflag:s13], $0x2000  }
0xe0: {  	[sflag:s13] =	ssyncset.done $0x0  }
0xe1: {  	s21 =	sadd.s32 $0x680, s17;
	s16 =	sadd.s32 $0xA00, s16;
	[sflag:s13] =	ssyncadd.s32 $0xFFFFE000  }
0xe2: {  	[tilespmem:s0], [sflag:$0x4] =	stream.indirect.gather [hbm4b:s4+s28], $0x40, s21, s28, $0xb8;
	[tilespmem:$0x19000] =	vst v63  }
.LBB2_5:
0xe3: {  	_ =	sfence.sel $0x180000  }
0xe4: {  	[bflag:$0x0] =	sbarrier.arrive $0xFFFF  }
0xe5: {  	_ =	strace $0x9000004D  }
0xe6: {  	s0 =	stileid.u32;
	[bflag:$0x2] =	sbarrier.arrive $0xFFFF  }
0xe7: {  	p0 =	sne.s32 s0, $0x0;
	s0 =	rddreg [dreg:$0x2]  }
0xe8: {  	s0 =	sadd.s32 @!p0 $0x100000, s0  }
0xe9: {  	[sflag:s0] =	ssyncadd.tile.s32 @!p0 $0x1;
	_ =	shalt  }
.Lfunc_end2:
_tile_overlayer_lowered:
.L_overlay_start_2:
0xea: {  	(tag) =	ssettag $0x2  }
0xeb: {  	s0 =	rddreg [dreg:$0x0];
	s2 =	stileid.u32  }
0xec: {  	s1 =	rddreg [dreg:$0x1];
	p0 =	sne.s32 s2, $0x0  }
0xed: {  	s3 =	rddreg [dreg:$0x2];
	[bflag:$0x3] =	sbarrier.arrive $0xFFFF;
	s2 =	simm.s32 @!p0 $0x1C0B  }
0xee: {  	[timem:s3], [sflag:s2] =	dma.local @!p0 [hbm:s0], s1  }
0xef: {  	s0 =	simm.s32 @!p0 $0xB  }
0xf0: {  	_ =	swait.ge @!p0 [sflag:s0], s1  }
0xf1: {  	s1 =	ssub.s32 @!p0 $0x0, s1;
	[sflag:s0] =	ssyncset.done @!p0 $0x0  }
0xf2: {  	[sflag:s0] =	ssyncadd.s32 @!p0 s1  }
0xf3: {  	[bflag:$0x3] =	sbarrier.arrive $0xFFFF  }
0xf4: {  	_ =	shalt  }

// kernel: kernel.9.cloned.1.call-start
scs
__scs_entry_jumppad:
0x0: {  	(pc) =	sbr.rel $0x88, $3  }
0x1: {  	(tag) =	ssettag $0x0;
	lr =	simm.s32 $0x1  }
0x2: {  	[smem:$0x3F90] =	sst lr;
	_ =	strace $0xD0000000  }
0x3: {  	_ = 	snop  }
0x4: {  	_ = 	snop  }
0x5: {  	_ = 	snop  }
0x6: {  	_ = 	snop  }
0x7: {  	_ = 	snop  }
__scs_overlays_trampoline_lowered:
0x8: {  	[smem:$0x3F9F] =	sst s0  }
0x9: {  	[smem:$0x3FA0] =	sst s1  }
0xa: {  	[smem:$0x3FA1] =	sst s2  }
0xb: {  	[smem:$0x3FA2] =	sst s3  }
0xc: {  	[smem:$0x3FA3] =	sst s4  }
0xd: {  	[smem:$0x3FA4] =	sst s5  }
0xe: {  	[smem:$0x3FA5] =	sst s6  }
0xf: {  	[smem:$0x3FA6] =	sst s7  }
0x10: {  	[smem:$0x3FA7] =	sst s8  }
0x11: {  	[smem:$0x3FA8] =	sst s9;
	s0 =	simm.s32 @!p0 $0x0  }
0x12: {  	s1 =	sld [smem:$0x3F8E];
	s0 =	simm.s32 @p0 $0x1  }
0x13: {  	[smem:$0x3FA9] =	sst s0;
	s0 =	simm.s32 @!p1 $0x0  }
0x14: {  	s2 =	sld [smem:$0x3F8D];
	s0 =	simm.s32 @p1 $0x1  }
0x15: {  	[smem:$0x3FAA] =	sst s0;
	s0 =	simm.s32 @!p2 $0x0  }
0x16: {  	s3 =	sld [smem:$0x3FDB];
	s0 =	simm.s32 @p2 $0x1  }
0x17: {  	s4 =	simm.s32 $0x1BF5;
	[smem:$0x3FAC] =	sst s0  }
0x18: {  	s0 =	sld [smem:$0x3F8F];
	_ =	swait.ge [sflag:s4], $0x0  }
0x19: {  	s7 =	sld [smem:$0x3F90]  }
0x1a: {  	s8 =	sadd.s32 $0xFFFFE003, lr  }
0x1b: {  	s9 =	sadd.s32 $0xFFFFFEF7, lr;
	s5 =	simm.s32 $0xFFFFFFFF;
	p2 =	slt.u32 s8, $0xFFFFF086  }
0x1c: {  	p1 =	slt.u32 s9, $0xF7A;
	s5 =	simm.s32 @!p2 $0x0  }
0x1d: {  	s5 =	simm.s32 @p1 $0x1;
	p0 =	seq.s32 s7, s2  }
0x1e: {  	s7 =	smul.u32 @!p0 $0xF7A, s2;
	p2 =	seq.s32 @!p0 s5, $0x0  }
0x1f: {  	s9 =	smul.u32 $0xF7A, s1;
	s8 =	simm.s32 @!p0 $0x1BF5;
	p2 =	por !p2, p0  }
0x20: {  	[sflag:s8] =	ssyncset.s32 @!p0 $0xFFFFF086;
	s6 =	sadd.s32 @!p0 s3, s7;
	s7 =	simm.s32 @!p0 $0x108  }
0x21: {  	s3 =	sadd.s32 s3, s9;
	s6 =	sadd.s32 @!p0 $0x88, s6;
	s7 =	simm.s32 @p2 $0x1082  }
0x22: {  	[simem:s7], [sflag:s8] =	dma.local @!p0 [hbm:s6], $0xF7A  }
0x23: {  	s9 =	sor.u32 $0xD0000000, s2;
	s6 =	simm.s32 $0x108;
	_ =	swait.ge @!p0 [sflag:s8], $0x0  }
0x24: {  	s3 =	sadd.s32 $0x88, s3;
	s6 =	simm.s32 @!p1 $0x1082;
	[sflag:s4] =	ssyncset.s32 $0xFFFFF086  }
0x25: {  	[simem:s6], [sflag:s4] =	dma.local [hbm:s3], $0xF7A  }
0x26: {  	[smem:$0x3F90] =	sst s1;
	(tag) =	ssettag s2;
	_ =	strace s9  }
0x27: {  	s1 =	sld [smem:$0x3FA0]  }
0x28: {  	s2 =	sld [smem:$0x3FA1]  }
0x29: {  	s4 =	sld [smem:$0x3FA3]  }
0x2a: {  	p0 =	seq.s32 s5, $0x0;
	s5 =	sld [smem:$0x3FA4]  }
0x2b: {  	s6 =	sld [smem:$0x3FA5]  }
0x2c: {  	s7 =	sld [smem:$0x3FA6]  }
0x2d: {  	s3 =	simm.s32 $0x108;
	s8 =	sld [smem:$0x3FA7]  }
0x2e: {  	s3 =	simm.s32 @!p0 $0x1082;
	s9 =	sld [smem:$0x3FA8]  }
0x2f: {  	lr =	sadd.s32 s0, s3;
	s0 =	sld [smem:$0x3F9F]  }
0x30: {  	s3 =	sld [smem:$0x3FA2]  }
0x31: {  	[smem:$0x3FAB] =	sst s10  }
0x32: {  	s10 =	sld [smem:$0x3FA9];
	_ =	sdelay $0x3  }
0x33: {  	p0 =	seq.s32 s10, $0x1;
	s10 =	sld [smem:$0x3FAB];
	_ =	sdelay $0x3  }
0x34: {  	[smem:$0x3FAB] =	sst s10  }
0x35: {  	s10 =	sld [smem:$0x3FAA];
	_ =	sdelay $0x3  }
0x36: {  	p1 =	seq.s32 s10, $0x1;
	s10 =	sld [smem:$0x3FAB];
	_ =	sdelay $0x3  }
0x37: {  	[smem:$0x3FAB] =	sst s10  }
0x38: {  	s10 =	sld [smem:$0x3FAC]  }
0x39: {  	_ = 	snop;
	(pc) =	sbr.ind lr, $3  }
0x3a: {  	_ = 	snop  }
0x3b: {  	_ = 	snop  }
0x3c: {  	p2 =	seq.s32 s10, $0x1;
	s10 =	sld [smem:$0x3FAB]  }
0x3d: {  	_ =	shalt  }
0x3e: {  	_ =	shalt  }
0x3f: {  	_ =	shalt  }
0x40: {  	_ =	shalt  }
0x41: {  	_ =	shalt  }
0x42: {  	_ =	shalt  }
0x43: {  	_ =	shalt  }
0x44: {  	_ =	shalt  }
0x45: {  	_ =	shalt  }
0x46: {  	_ =	shalt  }
0x47: {  	_ =	shalt  }
0x48: {  	_ =	shalt  }
0x49: {  	_ =	shalt  }
0x4a: {  	_ =	shalt  }
0x4b: {  	_ =	shalt  }
0x4c: {  	_ =	shalt  }
0x4d: {  	_ =	shalt  }
0x4e: {  	_ =	shalt  }
0x4f: {  	_ =	shalt  }
0x50: {  	_ =	shalt  }
0x51: {  	_ =	shalt  }
0x52: {  	_ =	shalt  }
0x53: {  	_ =	shalt  }
0x54: {  	_ =	shalt  }
0x55: {  	_ =	shalt  }
0x56: {  	_ =	shalt  }
0x57: {  	_ =	shalt  }
0x58: {  	_ =	shalt  }
0x59: {  	_ =	shalt  }
0x5a: {  	_ =	shalt  }
0x5b: {  	_ =	shalt  }
0x5c: {  	_ =	shalt  }
0x5d: {  	_ =	shalt  }
0x5e: {  	_ =	shalt  }
0x5f: {  	_ =	shalt  }
0x60: {  	_ =	shalt  }
0x61: {  	_ =	shalt  }
0x62: {  	_ =	shalt  }
0x63: {  	_ =	shalt  }
0x64: {  	_ =	shalt  }
0x65: {  	_ =	shalt  }
0x66: {  	_ =	shalt  }
0x67: {  	_ =	shalt  }
0x68: {  	_ =	shalt  }
0x69: {  	_ =	shalt  }
0x6a: {  	_ =	shalt  }
0x6b: {  	_ =	shalt  }
0x6c: {  	_ =	shalt  }
0x6d: {  	_ =	shalt  }
0x6e: {  	_ =	shalt  }
0x6f: {  	_ =	shalt  }
0x70: {  	_ =	shalt  }
0x71: {  	_ =	shalt  }
0x72: {  	_ =	shalt  }
0x73: {  	_ =	shalt  }
0x74: {  	_ =	shalt  }
0x75: {  	_ =	shalt  }
0x76: {  	_ =	shalt  }
0x77: {  	_ =	shalt  }
0x78: {  	_ =	shalt  }
0x79: {  	_ =	shalt  }
0x7a: {  	_ =	shalt  }
0x7b: {  	_ =	shalt  }
0x7c: {  	_ =	shalt  }
0x7d: {  	_ =	shalt  }
0x7e: {  	_ =	shalt  }
0x7f: {  	_ =	shalt  }
0x80: {  	_ =	shalt  }
0x81: {  	_ =	shalt  }
0x82: {  	_ =	shalt  }
0x83: {  	_ =	shalt  }
0x84: {  	_ =	shalt  }
0x85: {  	_ =	shalt  }
0x86: {  	_ =	shalt  }
0x87: {  	_ =	shalt  }
.Lfunc_end0:
.L_simem_size_0:
called_computation_lowered:
.L_overlay_start_0:
0x88: {  	s2 =	sld [smem:$0x3FD9]  }
0x89: {  	s3 =	sld [smem:$0x3FFE];
	_ =	sdelay $0x1  }
0x8a: {  	s1 =	srdreg.scid  }
0x8b: {  	s0 =	sand.u32 $0x1, s1  }
0x8c: {  	s17 =	sshll.u32 s0, $0xA;
	s2 =	sadd.s32 s3, s2  }
0x8d: {  	s2 =	sadd.s32 s2, s17  }
0x8e: {  	[smem:$0x3FB7] =	sst s2  }
0x8f: {  	_ = 	snop  }
0x90: {  	s2 =	sld [smem:$0x3FD0];
	(tm) =	ssettm $0x1  }
0x91: {  	s18 =	sld [smem:$0x3FFB];
	_ =	sdelay $0x3  }
0x92: {  	_ =	strace s18  }
0x93: {  	s3 =	sld [smem:$0x3FFC];
	_ =	sdelay $0x3  }
0x94: {  	_ =	strace s3  }
0x95: {  	s3 =	sld [smem:$0x3FFD];
	_ =	sdelay $0x3  }
0x96: {  	_ =	strace s3  }
0x97: {  	_ =	strace $0x8FFFFFFF  }
0x98: {  	s19 =	sld [smem:$0x3FDB];
	_ =	sdelay $0x1  }
0x99: {  	s4 =	simm.s32 $_scs_section_size  }
0x9a: {  	s5 =	simm.s32 $_size__tile_overlayer_lowered;
	s6 =	simm.s32 $_tile_overlayer_lowered  }
0x9b: {  	s22 =	simm.s32 $0x1BFF;
	s21 =	sshll.u32 s6, $0x1;
	s3 =	sadd.s32 s4, s19  }
0x9c: {  	s7 =	simm.s32 $0x0;
	s20 =	sshll.u32 s5, $0x1;
	s5 =	sadd.s32 s21, s3  }
0x9d: {  	[timem:s7], [sflag:s22] =	dma.local [hbm:s5], s20  }
0x9e: {  	_ =	swait.ge [sflag:s22], s20  }
0x9f: {  	s4 =	ssub.s32 $0x0, s20;
	[sflag:s22] =	ssyncset.done $0x0  }
0xa0: {  	[sflag:s22] =	ssyncadd.s32 s4;
	_ =	sdelay $0x1  }
0xa1: {  	s23 =	simm.s32 $0x1B8B  }
0xa2: {  	_ =	swait.ge [sflag:s23], $0x1  }
0xa3: {  	[sflag:s23] =	ssyncset.done $0x0  }
0xa4: {  	s25 =	simm.s32 $0x1B8E;
	s24 =	sld [smem:$0x3FFE];
	[sflag:s23] =	ssyncadd.s32 $0xFFFFFFFF  }
0xa5: {  	s26 =	simm.s32 $execute0_lowered;
	[smem:$0x3FD2] =	sst s25  }
0xa6: {  	s5 =	sshll.u32 s26, $0x1;
	_ =	strace $0x80000046;
	[dreg:$0x1] =	wrdreg $0xFFFFFFFF  }
0xa7: {  	s28 =	simm.s32 $_size_execute0_lowered;
	s3 =	sadd.s32 s3, s5;
	[dreg:$0x0] =	wrdreg $0x0  }
0xa8: {  	s5 =	sshll.u32 s28, $0x1;
	[dreg:$0x2] =	wrdreg s3  }
0xa9: {  	[dreg:$0x3] =	wrdreg s5  }
0xaa: {  	[dreg:$0x4] =	wrdreg $0xC0  }
0xab: {  	_ =	task [dreg:s7], $0x5FFFF  }
0xac: {  	[dreg:$0x1] =	wrdreg $0xFFFFFFFF  }
0xad: {  	[dreg:$0x0] =	wrdreg $0x60  }
0xae: {  	[dreg:$0x2] =	wrdreg s2  }
0xaf: {  	[dreg:$0x3] =	wrdreg s24  }
0xb0: {  	[dreg:$0x4] =	wrdreg $0x118000  }
0xb1: {  	[dreg:$0x5] =	wrdreg $0x9  }
0xb2: {  	_ =	task.clear_ibuf [dreg:s7], $0x6FFFF;
	_ =	strace $0x90000046  }
0xb3: {  	s29 =	simm.s32 $0x9;
	_ =	strace $0x80000048  }
0xb4: {  	_ =	swait.ge [sflag:s29], $0x1  }
0xb5: {  	[sflag:s29] =	ssyncadd.s32 $0xFFFFFFFF  }
0xb6: {  	_ =	strace $0x90000048  }
0xb7: {  	_ =	sfence  }
0xb8: {  	s30 =	sld [smem:$0x0];
	_ =	sdelay $0x2  }
0xb9: {  	s31 =	sshll.u32 s1, $0xD;
	s1 =	sshrl.u32 s1, $0x2  }
0xba: {  	s3 =	sand.u32 $0x4000, s31;
	s1 =	sadd.s32 s1, s30  }
0xbb: {  	s0 =	sor.u32 s3, s0;
	s1 =	sshll.u32 s1, $0x11  }
0xbc: {  	s0 =	sor.u32 s1, s0  }
0xbd: {  	s0 =	sadd.s32 $0x8F2B, s0  }
0xbe: {  	[sflag:s0] =	ssyncadd.remote.s32 $0x1  }
0xbf: {  	_ =	sfence.sel $0xFFFF  }
0xc0: {  	[dreg:$0x0] =	wrdreg $0xFFFFFFFF;
	(pc) =	sbr.abs _section_cstart, $3  }
0xc1: {  	[dreg:$0x1] =	wrdreg $0xFFFFFFFF  }
0xc2: {  	_ =	task.clear_ibuf [dreg:s7], $0x2FFFF;
	_ =	strace $0x9FFFFFFF  }
0xc3: {  	(tm) =	ssettm $0x7FFFFFFF  }
tec
execute0_lowered:
.L_overlay_start_1:
0x0: {  	(tag) =	ssettag $0x1  }
0x1: {  	s1 =	rddreg [dreg:$0x0];
	s0 =	srdreg.scid  }
0x2: {  	s10 =	stileid.u32;
	s2 =	rddreg [dreg:$0x1]  }
0x3: {  	s3 =	rddreg [dreg:$0x2];
	s28 =	simm.s32 $0x80;
	s29 =	simm.s32 $0x7800  }
0x4: {  	s31 =	simm.s32 $0xA000;
	s30 =	simm.s32 $0x1;
	s7 =	smul.u32 $0x280, s10  }
0x5: {  	s0 =	sand.u32 $0x1, s0;
	s4 =	sshll.u32 s10, $0x1;
	s9 =	smul.u32 $0xC800, s10  }
0x6: {  	s6 =	sadd.s32 $0x17E00, s2;
	s21 =	smul.u32 $0x32000, s10;
	s5 =	sor.u32 s0, s4  }
0x7: {  	s4 =	simm.s32 $0x0;
	s19 =	ssub.s32 $0x2, s0;
	s0 =	smul.u32 $0xC8000, s0  }
0x8: {  	s10 =	simm.s32 $0x8;
	s5 =	smul.u32 $0x500, s5;
	[smem:$0x7FF] =	sst s4  }
0x9: {  	s8 =	sshrl.u32 s19, $0x1;
	s22 =	sadd.s32 $0x80, s7;
	s23 =	sadd.s32 s9, s3  }
0xa: {  	s24 =	sshrl.u32 s21, $0x2;
	s7 =	sadd.s32 $0x14000, s21;
	s12 =	sadd.s32 $0x1E000, s21  }
0xb: {  	s14 =	sadd.s32 $0x28000, s21;
	_ =	strace $0x80000047;
	[dreg:$0x4] =	wrdreg s6  }
0xc: {  	s21 =	sadd.s32 $0x5000, s9;
	s6 =	ssub.s32 s19, s8;
	[dreg:$0x7] =	wrdreg s23  }
0xd: {  	s25 =	smul.u32 $0x140, s22;
	s26 =	sadd.s32 s24, s3;
	s13 =	sshrl.u32 s12, $0x2  }
0xe: {  	s15 =	sadd.s32 s0, s9;
	s16 =	sshrl.u32 s14, $0x2;
	s23 =	sadd.s32 s0, s21  }
0xf: {  	s24 =	sadd.s32 $0x7800, s9;
	s8 =	simm.s32 $0x7;
	s12 =	simm.s32 $0x9  }
0x10: {  	s14 =	simm.s32 $0x0;
	s5 =	sadd.s32 s5, s2;
	s2 =	sadd.s32 $0x18400, s2  }
0x11: {  	s6 =	smax.u32 s6, $0x1;
	[dreg:$0x9] =	wrdreg s26;
	s17 =	sshrl.u32 s15, $0x3  }
0x12: {  	s26 =	sadd.s32 s0, s24;
	s20 =	sadd.s32 $0xDE00, s5;
	[dreg:$0x8] =	wrdreg s6  }
0x13: {  	s5 =	sadd.s32 $0x3E00, s5;
	s11 =	sshrl.u32 s25, $0x2;
	[dreg:$0x5] =	wrdreg s20  }
0x14: {  	s6 =	sshrl.u32 s7, $0x2;
	s18 =	sadd.s32 s2, s17;
	[dreg:$0x6] =	wrdreg s5  }
0x15: {  	s25 =	sadd.s32 $0xA000, s9;
	s7 =	sadd.s32 s11, s3;
	[dreg:$0xe] =	wrdreg s18  }
0x16: {  	s9 =	simm.s32 $0x4;
	s6 =	sadd.s32 s6, s3;
	[dreg:$0xa] =	wrdreg s7  }
0x17: {  	s5 =	smul.u32 $0x50, s22;
	s22 =	sadd.s32 s21, s3;
	[dreg:$0xb] =	wrdreg s6  }
0x18: {  	s11 =	simm.s32 $0x5;
	s6 =	sadd.s32 s13, s3;
	[dreg:$0x11] =	wrdreg s22  }
0x19: {  	s22 =	sadd.s32 s25, s3;
	s7 =	simm.s32 $0x3;
	s13 =	simm.s32 $0xA  }
0x1a: {  	[dreg:$0xc] =	wrdreg s6;
	s6 =	sadd.s32 s16, s3;
	s19 =	sadd.s32 s0, s5  }
0x1b: {  	s5 =	sadd.s32 s5, s3;
	s0 =	sadd.s32 s0, s25;
	[dreg:$0xd] =	wrdreg s6  }
0x1c: {  	s25 =	simm.s32 $0xB;
	[dreg:$0xf] =	wrdreg s5;
	s20 =	sshrl.u32 s19, $0x3  }
0x1d: {  	s6 =	sadd.s32 s24, s3;
	s0 =	sshrl.u32 s0, $0x3;
	s24 =	simm.s32 $0x5000  }
.Ltmp0:
0x1e: {  	s5 =	sadd.s32 s2, s20;
	[dreg:$0x13] =	wrdreg s6;
	(pc) =	sbr.rel .LBB2_1-.Ltmp0, $4  }
0x1f: {  	s6 =	simm.s32 $0x6;
	[dreg:$0x10] =	wrdreg s5;
	s5 =	sshrl.u32 s23, $0x3  }
0x20: {  	s23 =	sadd.s32 s2, s0;
	s0 =	simm.s32 $0xC800;
	s5 =	sadd.s32 s2, s5  }
0x21: {  	[dreg:$0x12] =	wrdreg s5;
	s5 =	sshrl.u32 s26, $0x3;
	s26 =	simm.s32 $0x2800  }
0x22: {  	s21 =	sadd.s32 s2, s5;
	s2 =	simm.s32 $0xF000;
	s5 =	simm.s32 $0x2  }
.LBB2_4:
0x23: {  	_ =	swait.ge [sflag:s11], $0x2800  }
0x24: {  	[sflag:s11] =	ssyncset.done $0x0  }
0x25: {  	[sflag:s11] =	ssyncadd.s32 $0xFFFFD800  }
0x26: {  	[spmem:s3] =	stream.indirect.scatter.add.f32 [tilespmem:s2], [sflag:$0xA], $0x50, s17, s28, $0xb8;
	[tilespmem:$0x1E000] =	vst v63  }
0x27: {  	_ =	swait.ge [sflag:s6], $0x2800  }
0x28: {  	[sflag:s6] =	ssyncset.done $0x0  }
0x29: {  	[sflag:s6] =	ssyncadd.s32 $0xFFFFD800  }
0x2a: {  	_ =	swait.ge [sflag:s8], $0x2800  }
0x2b: {  	[sflag:s8] =	ssyncset.done $0x0  }
0x2c: {  	[sflag:s8] =	ssyncadd.s32 $0xFFFFD800  }
0x2d: {  	_ =	swait.ge [sflag:s10], $0x2800  }
0x2e: {  	[sflag:s10] =	ssyncset.done $0x0  }
0x2f: {  	[sflag:s10] =	ssyncadd.s32 $0xFFFFD800  }
0x30: {  	_ =	swait.ge [sflag:s12], $0x2800  }
0x31: {  	[sflag:s12] =	ssyncset.done $0x0  }
0x32: {  	[sflag:s12] =	ssyncadd.s32 $0xFFFFD800  }
0x33: {  	_ =	swait.ge [sflag:s13], $0x2800  }
0x34: {  	[sflag:s13] =	ssyncset.done $0x0  }
0x35: {  	[sflag:s13] =	ssyncadd.s32 $0xFFFFD800  }
0x36: {  	[bflag:$0x0] =	sbarrier.arrive $0xFFFF  }
0x37: {  	s15 =	rddreg [dreg:$0x7]  }
0x38: {  	[tilespmem:s24], [sflag:$0xB] =	stream.linear.gather [spmem:s15], $0x2800, $0x38;
	[tilespmem:$0x1E000] =	vst v63  }
0x39: {  	_ =	swait.ge [sflag:s25], $0x2800  }
0x3a: {  	[sflag:s25] =	ssyncset.done $0x0  }
0x3b: {  	s19 =	rddreg [dreg:$0xe];
	[sflag:s25] =	ssyncadd.s32 $0xFFFFD800  }
0x3c: {  	[hbm4b:s19+s4] =	stream.linear.scatter [tilespmem:s24], [sflag:$0xB], $0x2800, $0x38;
	[tilespmem:$0x1E000] =	vst v63  }
0x3d: {  	_ =	swait.ge [sflag:s25], $0x2800  }
0x3e: {  	[sflag:s25] =	ssyncset.done $0x0  }
0x3f: {  	s20 =	rddreg [dreg:$0xf];
	[sflag:s25] =	ssyncadd.s32 $0xFFFFD800  }
0x40: {  	[tilespmem:s24], [sflag:$0xB] =	stream.linear.gather [spmem:s20], $0x2800, $0x38;
	[tilespmem:$0x1E000] =	vst v63  }
0x41: {  	_ =	swait.ge [sflag:s25], $0x2800  }
0x42: {  	[sflag:s25] =	ssyncset.done $0x0  }
0x43: {  	s16 =	rddreg [dreg:$0x10];
	[sflag:s25] =	ssyncadd.s32 $0xFFFFD800  }
0x44: {  	[hbm4b:s16+s4] =	stream.linear.scatter [tilespmem:s24], [sflag:$0xB], $0x2800, $0x38;
	[tilespmem:$0x1E000] =	vst v63  }
0x45: {  	_ =	swait.ge [sflag:s25], $0x2800  }
0x46: {  	[sflag:s25] =	ssyncset.done $0x0  }
0x47: {  	s17 =	rddreg [dreg:$0x11];
	[sflag:s25] =	ssyncadd.s32 $0xFFFFD800  }
0x48: {  	[tilespmem:s24], [sflag:$0xB] =	stream.linear.gather [spmem:s17], $0x2800, $0x38;
	[tilespmem:$0x1E000] =	vst v63  }
0x49: {  	_ =	swait.ge [sflag:s25], $0x2800  }
0x4a: {  	[sflag:s25] =	ssyncset.done $0x0  }
0x4b: {  	s18 =	rddreg [dreg:$0x12];
	[sflag:s25] =	ssyncadd.s32 $0xFFFFD800  }
0x4c: {  	[hbm4b:s18+s4] =	stream.linear.scatter [tilespmem:s24], [sflag:$0xB], $0x2800, $0x38;
	[tilespmem:$0x1E000] =	vst v63  }
0x4d: {  	_ =	swait.ge [sflag:s25], $0x2800  }
0x4e: {  	[sflag:s25] =	ssyncset.done $0x0  }
0x4f: {  	s19 =	rddreg [dreg:$0x13];
	[sflag:s25] =	ssyncadd.s32 $0xFFFFD800  }
0x50: {  	[tilespmem:s24], [sflag:$0xB] =	stream.linear.gather [spmem:s19], $0x2800, $0x38;
	[tilespmem:$0x1E000] =	vst v63  }
0x51: {  	_ =	swait.ge [sflag:s25], $0x2800  }
0x52: {  	[sflag:s25] =	ssyncset.done $0x0  }
0x53: {  	[sflag:s25] =	ssyncadd.s32 $0xFFFFD800  }
0x54: {  	[hbm4b:s21+s4] =	stream.linear.scatter [tilespmem:s24], [sflag:$0xB], $0x2800, $0x38;
	[tilespmem:$0x1E000] =	vst v63  }
0x55: {  	_ =	swait.ge [sflag:s25], $0x2800  }
0x56: {  	[sflag:s25] =	ssyncset.done $0x0  }
0x57: {  	[sflag:s25] =	ssyncadd.s32 $0xFFFFD800  }
0x58: {  	[tilespmem:s24], [sflag:$0xB] =	stream.linear.gather [spmem:s22], $0x2800, $0x38;
	[tilespmem:$0x1E000] =	vst v63  }
0x59: {  	_ =	swait.ge [sflag:s25], $0x2800  }
0x5a: {  	[sflag:s25] =	ssyncset.done $0x0  }
0x5b: {  	[sflag:s25] =	ssyncadd.s32 $0xFFFFD800  }
0x5c: {  	[hbm4b:s23+s4] =	stream.linear.scatter [tilespmem:s24], [sflag:$0xB], $0x2800, $0x38;
	[tilespmem:$0x1E000] =	vst v63  }
0x5d: {  	_ =	swait.ge [sflag:s25], $0x2800  }
0x5e: {  	s14 =	sadd.s32 $0x1, s14;
	s20 =	rddreg [dreg:$0x8]  }
0x5f: {  	p0 =	sne.s32 s14, s20  }
.Ltmp1:
0x60: {  	_ = 	snop;
	(pc) =	sbr.rel @!p0 .LBB2_5-.Ltmp1, $3  }
0x61: {  	_ =	sdelay $0x1  }
0x62: {  	[sflag:s25] =	ssyncset.done $0x0  }
0x63: {  	[sflag:s25] =	ssyncadd.s32 $0xFFFFD800  }
.LBB2_1:
0x64: {  	s15 =	rddreg [dreg:$0x4]  }
0x65: {  	[tilespmem:s24], [sflag:$0xB] =	stream.linear.gather [hbm4b:s15+s4], $0x2800, $0x38;
	[tilespmem:$0x1E000] =	vst v63  }
0x66: {  	_ =	swait.ge [sflag:s25], $0x2800  }
0x67: {  	[sflag:s25] =	ssyncset.done $0x0  }
0x68: {  	s18 =	rddreg [dreg:$0x9];
	[sflag:s25] =	ssyncadd.s32 $0xFFFFD800  }
0x69: {  	[spmem:s18] =	stream.linear.scatter [tilespmem:s24], [sflag:$0xB], $0x2800, $0x38;
	[tilespmem:$0x1E000] =	vst v63  }
0x6a: {  	_ =	swait.ge [sflag:s25], $0x2800  }
0x6b: {  	[sflag:s25] =	ssyncset.done $0x0  }
0x6c: {  	s19 =	rddreg [dreg:$0xa];
	[sflag:s25] =	ssyncadd.s32 $0xFFFFD800  }
0x6d: {  	[spmem:s19] =	stream.linear.scatter [tilespmem:s24], [sflag:$0xB], $0x2800, $0x38;
	[tilespmem:$0x1E000] =	vst v63  }
0x6e: {  	_ =	swait.ge [sflag:s25], $0x2800  }
0x6f: {  	[sflag:s25] =	ssyncset.done $0x0  }
0x70: {  	s20 =	rddreg [dreg:$0xb];
	[sflag:s25] =	ssyncadd.s32 $0xFFFFD800  }
0x71: {  	[spmem:s20] =	stream.linear.scatter [tilespmem:s24], [sflag:$0xB], $0x2800, $0x38;
	[tilespmem:$0x1E000] =	vst v63  }
0x72: {  	_ =	swait.ge [sflag:s25], $0x2800  }
0x73: {  	[sflag:s25] =	ssyncset.done $0x0  }
0x74: {  	s16 =	rddreg [dreg:$0xc];
	[sflag:s25] =	ssyncadd.s32 $0xFFFFD800  }
0x75: {  	[spmem:s16] =	stream.linear.scatter [tilespmem:s24], [sflag:$0xB], $0x2800, $0x38;
	[tilespmem:$0x1E000] =	vst v63  }
0x76: {  	_ =	swait.ge [sflag:s25], $0x2800  }
0x77: {  	[sflag:s25] =	ssyncset.done $0x0  }
0x78: {  	s17 =	rddreg [dreg:$0xd];
	[sflag:s25] =	ssyncadd.s32 $0xFFFFD800  }
0x79: {  	[spmem:s17] =	stream.linear.scatter [tilespmem:s24], [sflag:$0xB], $0x2800, $0x38;
	[tilespmem:$0x1E000] =	vst v63  }
0x7a: {  	_ =	swait.ge [sflag:s25], $0x2800  }
0x7b: {  	[sflag:s25] =	ssyncset.done $0x0  }
0x7c: {  	s18 =	rddreg [dreg:$0x5];
	[sflag:s25] =	ssyncadd.s32 $0xFFFFD800  }
0x7d: {  	[tilespmem:s4], [sflag:$0xB] =	stream.linear.gather [hbm4b:s18+s4], $0x2800, $0x38;
	[tilespmem:$0x1E000] =	vst v63  }
0x7e: {  	_ =	swait.ge [sflag:s25], $0x2800  }
0x7f: {  	[sflag:s25] =	ssyncset.done $0x0  }
0x80: {  	s19 =	rddreg [dreg:$0x6];
	[sflag:s25] =	ssyncadd.s32 $0xFFFFD800  }
0x81: {  	[tilespmem:s26], [sflag:$0xB] =	stream.linear.gather [hbm4b:s19+s4], $0x2800, $0x38;
	[tilespmem:$0x1E000] =	vst v63  }
0x82: {  	_ =	swait.ge [sflag:s25], $0x2800  }
0x83: {  	[sflag:s25] =	ssyncset.done $0x0  }
0x84: {  	[sflag:s25] =	ssyncadd.s32 $0xFFFFD800  }
0x85: {  	[bflag:$0x0] =	sbarrier.arrive $0xFFFF  }
0x86: {  	[tilespmem:s24], [sflag:$0x1] =	stream.indirect.gather [hbm4b:s1+s28], $0x50, s4, s28, $0xb8;
	[tilespmem:$0x1E000] =	vst v63  }
0x87: {  	_ = 	snop  }
0x88: {  	[tilespmem:s29], [sflag:$0x2] =	stream.indirect.gather [hbm4b:s1+s28], $0x50, s28, s28, $0xb8;
	[tilespmem:$0x1E000] =	vst v63  }
0x89: {  	s20 =	simm.s32 $0x100  }
0x8a: {  	[tilespmem:s31], [sflag:$0x3] =	stream.indirect.gather [hbm4b:s1+s28], $0x50, s20, s28, $0xb8;
	[tilespmem:$0x1E000] =	vst v63  }
0x8b: {  	s16 =	simm.s32 $0x180  }
0x8c: {  	[tilespmem:s0], [sflag:$0x4] =	stream.indirect.gather [hbm4b:s1+s28], $0x50, s16, s28, $0xb8;
	[tilespmem:$0x1E000] =	vst v63  }
0x8d: {  	_ =	swait.ge [sflag:s30], $0x2800  }
0x8e: {  	[sflag:s30] =	ssyncset.done $0x0  }
0x8f: {  	[sflag:s30] =	ssyncadd.s32 $0xFFFFD800  }
0x90: {  	[spmem:s3] =	stream.indirect.scatter.add.f32 [tilespmem:s24], [sflag:$0x6], $0x50, s26, s28, $0xb8;
	[tilespmem:$0x1E000] =	vst v63  }
0x91: {  	s17 =	simm.s32 $0x200  }
0x92: {  	[tilespmem:s2], [sflag:$0x5] =	stream.indirect.gather [hbm4b:s1+s28], $0x50, s17, s28, $0xb8;
	[tilespmem:$0x1E000] =	vst v63  }
0x93: {  	_ =	swait.ge [sflag:s5], $0x2800  }
0x94: {  	[sflag:s5] =	ssyncset.done $0x0  }
0x95: {  	s18 =	simm.s32 $0x2880;
	[sflag:s5] =	ssyncadd.s32 $0xFFFFD800  }
0x96: {  	[spmem:s3] =	stream.indirect.scatter.add.f32 [tilespmem:s29], [sflag:$0x7], $0x50, s18, s28, $0xb8;
	[tilespmem:$0x1E000] =	vst v63  }
0x97: {  	_ =	swait.ge [sflag:s6], $0x2800  }
0x98: {  	[sflag:s6] =	ssyncset.done $0x0  }
0x99: {  	s19 =	simm.s32 $0x280;
	[sflag:s6] =	ssyncadd.s32 $0xFFFFD800  }
0x9a: {  	[tilespmem:s24], [sflag:$0x1] =	stream.indirect.gather [hbm4b:s1+s28], $0x50, s19, s28, $0xb8;
	[tilespmem:$0x1E000] =	vst v63  }
0x9b: {  	_ =	swait.ge [sflag:s7], $0x2800  }
0x9c: {  	[sflag:s7] =	ssyncset.done $0x0  }
0x9d: {  	s20 =	simm.s32 $0x2900;
	[sflag:s7] =	ssyncadd.s32 $0xFFFFD800  }
0x9e: {  	[spmem:s3] =	stream.indirect.scatter.add.f32 [tilespmem:s31], [sflag:$0x8], $0x50, s20, s28, $0xb8;
	[tilespmem:$0x1E000] =	vst v63  }
0x9f: {  	_ =	swait.ge [sflag:s8], $0x2800  }
0xa0: {  	[sflag:s8] =	ssyncset.done $0x0  }
0xa1: {  	s16 =	simm.s32 $0x300;
	[sflag:s8] =	ssyncadd.s32 $0xFFFFD800  }
0xa2: {  	[tilespmem:s29], [sflag:$0x2] =	stream.indirect.gather [hbm4b:s1+s28], $0x50, s16, s28, $0xb8;
	[tilespmem:$0x1E000] =	vst v63  }
0xa3: {  	_ =	swait.ge [sflag:s9], $0x2800  }
0xa4: {  	[sflag:s9] =	ssyncset.done $0x0  }
0xa5: {  	s17 =	simm.s32 $0x2980;
	[sflag:s9] =	ssyncadd.s32 $0xFFFFD800  }
0xa6: {  	[spmem:s3] =	stream.indirect.scatter.add.f32 [tilespmem:s0], [sflag:$0x9], $0x50, s17, s28, $0xb8;
	[tilespmem:$0x1E000] =	vst v63  }
0xa7: {  	_ =	swait.ge [sflag:s10], $0x2800  }
0xa8: {  	[sflag:s10] =	ssyncset.done $0x0  }
0xa9: {  	s18 =	simm.s32 $0x380;
	[sflag:s10] =	ssyncadd.s32 $0xFFFFD800  }
0xaa: {  	[tilespmem:s31], [sflag:$0x3] =	stream.indirect.gather [hbm4b:s1+s28], $0x50, s18, s28, $0xb8;
	[tilespmem:$0x1E000] =	vst v63  }
0xab: {  	_ =	swait.ge [sflag:s11], $0x2800  }
0xac: {  	[sflag:s11] =	ssyncset.done $0x0  }
0xad: {  	s19 =	simm.s32 $0x2A00;
	[sflag:s11] =	ssyncadd.s32 $0xFFFFD800  }
0xae: {  	[spmem:s3] =	stream.indirect.scatter.add.f32 [tilespmem:s2], [sflag:$0xA], $0x50, s19, s28, $0xb8;
	[tilespmem:$0x1E000] =	vst v63  }
0xaf: {  	_ =	swait.ge [sflag:s12], $0x2800  }
0xb0: {  	[sflag:s12] =	ssyncset.done $0x0  }
0xb1: {  	s15 =	simm.s32 $0x0;
	s20 =	simm.s32 $0x400;
	[sflag:s12] =	ssyncadd.s32 $0xFFFFD800  }
0xb2: {  	[tilespmem:s0], [sflag:$0x4] =	stream.indirect.gather [hbm4b:s1+s28], $0x50, s20, s28, $0xb8;
	[tilespmem:$0x1E000] =	vst v63  }
.LBB2_2:
0xb3: {  	_ =	swait.ge [sflag:s30], $0x2800  }
0xb4: {  	s16 =	sshra.s32 s15, $0x2;
	[sflag:s30] =	ssyncset.done $0x0  }
0xb5: {  	s17 =	sadd.s32 $0x2A80, s16;
	[sflag:s30] =	ssyncadd.s32 $0xFFFFD800  }
0xb6: {  	[spmem:s3] =	stream.indirect.scatter.add.f32 [tilespmem:s24], [sflag:$0x6], $0x50, s17, s28, $0xb8;
	[tilespmem:$0x1E000] =	vst v63  }
0xb7: {  	_ =	swait.ge [sflag:s13], $0x2800  }
0xb8: {  	[sflag:s13] =	ssyncset.done $0x0  }
0xb9: {  	s18 =	sadd.s32 $0x480, s16;
	[sflag:s13] =	ssyncadd.s32 $0xFFFFD800  }
0xba: {  	[tilespmem:s2], [sflag:$0x5] =	stream.indirect.gather [hbm4b:s1+s28], $0x50, s18, s28, $0xb8;
	[tilespmem:$0x1E000] =	vst v63  }
0xbb: {  	_ =	swait.ge [sflag:s5], $0x2800  }
0xbc: {  	p0 =	seq.s32 s15, $0x8C00;
	[sflag:s5] =	ssyncset.done $0x0  }
0xbd: {  	s19 =	sadd.s32 $0x2B00, s16;
	s17 =	simm.s32 @p0 $0x3;
	[sflag:s5] =	ssyncadd.s32 $0xFFFFD800  }
0xbe: {  	[spmem:s3] =	stream.indirect.scatter.add.f32 [tilespmem:s29], [sflag:$0x7], $0x50, s19, s28, $0xb8;
	[tilespmem:$0x1E000] =	vst v63  }
0xbf: {  	_ =	swait.ge @p0 [sflag:s17], $0x2800  }
0xc0: {  	[sflag:s17] =	ssyncset.done @p0 $0x0  }
0xc1: {  	[sflag:s17] =	ssyncadd.s32 @p0 $0xFFFFD800;
	s17 =	sshra.s32 @p0 s15, $0x2  }
0xc2: {  	s18 =	simm.s32 @p0 $0x80;
	s19 =	simm.s32 @p0 $0xA000;
	s17 =	sadd.s32 @p0 $0x2B80, s17  }
0xc3: {  	[spmem:s3] =	stream.indirect.scatter.add.f32 @p0 [tilespmem:s19], [sflag:$0x8], $0x50, s17, s18, $0xb8;
	[tilespmem:$0x1E000] =	vst v63  }
0xc4: {  	s17 =	simm.s32 @!p0 $0x6  }
0xc5: {  	_ =	swait.ge @!p0 [sflag:s17], $0x2800  }
0xc6: {  	[sflag:s17] =	ssyncset.done @!p0 $0x0  }
0xc7: {  	[sflag:s17] =	ssyncadd.s32 @!p0 $0xFFFFD800;
	s17 =	sshra.s32 @!p0 s15, $0x2  }
0xc8: {  	s20 =	simm.s32 @!p0 $0x5000;
	s19 =	simm.s32 @!p0 $0x80;
	s18 =	sadd.s32 @!p0 $0x500, s17  }
0xc9: {  	[tilespmem:s20], [sflag:$0x1] =	stream.indirect.gather @!p0 [hbm4b:s1+s19], $0x50, s18, s19, $0xb8;
	[tilespmem:$0x1E000] =	vst v63  }
0xca: {  	s18 =	simm.s32 @!p0 $0x3  }
0xcb: {  	_ =	swait.ge @!p0 [sflag:s18], $0x2800  }
0xcc: {  	[sflag:s18] =	ssyncset.done @!p0 $0x0  }
0xcd: {  	s20 =	simm.s32 @!p0 $0xA000;
	[sflag:s18] =	ssyncadd.s32 @!p0 $0xFFFFD800;
	s18 =	sadd.s32 @!p0 $0x2B80, s17  }
0xce: {  	[spmem:s3] =	stream.indirect.scatter.add.f32 @!p0 [tilespmem:s20], [sflag:$0x8], $0x50, s18, s19, $0xb8;
	[tilespmem:$0x1E000] =	vst v63  }
0xcf: {  	s18 =	simm.s32 @!p0 $0x7  }
0xd0: {  	_ =	swait.ge @!p0 [sflag:s18], $0x2800  }
0xd1: {  	[sflag:s18] =	ssyncset.done @!p0 $0x0  }
0xd2: {  	s17 =	sadd.s32 @!p0 $0x580, s17;
	[sflag:s18] =	ssyncadd.s32 @!p0 $0xFFFFD800;
	s18 =	simm.s32 @!p0 $0x7800  }
0xd3: {  	[tilespmem:s18], [sflag:$0x2] =	stream.indirect.gather @!p0 [hbm4b:s1+s19], $0x50, s17, s19, $0xb8;
	[tilespmem:$0x1E000] =	vst v63  }
.Ltmp2:
0xd4: {  	_ = 	snop;
	(pc) =	sbr.rel @p0 .LBB2_4-.Ltmp2, $4  }
0xd5: {  	_ =	swait.ge [sflag:s9], $0x2800  }
0xd6: {  	[sflag:s9] =	ssyncset.done $0x0  }
0xd7: {  	s20 =	sadd.s32 $0x2C00, s16;
	s17 =	sadd.s32 $0x2C80, s16;
	[sflag:s9] =	ssyncadd.s32 $0xFFFFD800  }
0xd8: {  	[spmem:s3] =	stream.indirect.scatter.add.f32 [tilespmem:s0], [sflag:$0x9], $0x50, s20, s28, $0xb8;
	[tilespmem:$0x1E000] =	vst v63  }
0xd9: {  	_ =	swait.ge [sflag:s10], $0x2800  }
0xda: {  	[sflag:s10] =	ssyncset.done $0x0  }
0xdb: {  	s18 =	sadd.s32 $0x600, s16;
	[sflag:s10] =	ssyncadd.s32 $0xFFFFD800  }
0xdc: {  	[tilespmem:s31], [sflag:$0x3] =	stream.indirect.gather [hbm4b:s1+s28], $0x50, s18, s28, $0xb8;
	[tilespmem:$0x1E000] =	vst v63  }
0xdd: {  	_ =	swait.ge [sflag:s11], $0x2800  }
0xde: {  	[sflag:s11] =	ssyncset.done $0x0  }
0xdf: {  	[sflag:s11] =	ssyncadd.s32 $0xFFFFD800  }
0xe0: {  	[spmem:s3] =	stream.indirect.scatter.add.f32 [tilespmem:s2], [sflag:$0xA], $0x50, s17, s28, $0xb8;
	[tilespmem:$0x1E000] =	vst v63  }
.Ltmp3:
0xe1: {  	_ = 	snop;
	(pc) =	sbr.rel .LBB2_2-.Ltmp3, $4  }
0xe2: {  	_ =	swait.ge [sflag:s12], $0x2800  }
0xe3: {  	[sflag:s12] =	ssyncset.done $0x0  }
0xe4: {  	s20 =	sadd.s32 $0x680, s16;
	s15 =	sadd.s32 $0xA00, s15;
	[sflag:s12] =	ssyncadd.s32 $0xFFFFD800  }
0xe5: {  	[tilespmem:s0], [sflag:$0x4] =	stream.indirect.gather [hbm4b:s1+s28], $0x50, s20, s28, $0xb8;
	[tilespmem:$0x1E000] =	vst v63  }
.LBB2_5:
0xe6: {  	_ =	sfence.sel $0x180000  }
0xe7: {  	[bflag:$0x0] =	sbarrier.arrive $0xFFFF  }
0xe8: {  	_ =	strace $0x90000047  }
0xe9: {  	s0 =	stileid.u32;
	[bflag:$0x2] =	sbarrier.arrive $0xFFFF  }
0xea: {  	p0 =	sne.s32 s0, $0x0;
	s0 =	rddreg [dreg:$0x3]  }
0xeb: {  	s0 =	sadd.s32 @!p0 $0x100000, s0  }
0xec: {  	[sflag:s0] =	ssyncadd.tile.s32 @!p0 $0x1;
	_ =	shalt  }
.Lfunc_end2:
_tile_overlayer_lowered:
.L_overlay_start_2:
0xed: {  	(tag) =	ssettag $0x2  }
0xee: {  	s0 =	rddreg [dreg:$0x0];
	s2 =	stileid.u32  }
0xef: {  	s1 =	rddreg [dreg:$0x1];
	p0 =	sne.s32 s2, $0x0  }
0xf0: {  	s3 =	rddreg [dreg:$0x2];
	[bflag:$0x3] =	sbarrier.arrive $0xFFFF;
	s2 =	simm.s32 @!p0 $0x1C0B  }
0xf1: {  	[timem:s3], [sflag:s2] =	dma.local @!p0 [hbm:s0], s1  }
0xf2: {  	s0 =	simm.s32 @!p0 $0xB  }
0xf3: {  	_ =	swait.ge @!p0 [sflag:s0], s1  }
0xf4: {  	s1 =	ssub.s32 @!p0 $0x0, s1;
	[sflag:s0] =	ssyncset.done @!p0 $0x0  }
0xf5: {  	[sflag:s0] =	ssyncadd.s32 @!p0 s1  }
0xf6: {  	[bflag:$0x3] =	sbarrier.arrive $0xFFFF  }
0xf7: {  	_ =	shalt  }

</sc_bundles>
